<compile_context>
chip_gen: v7x
topology: tpu7x:2x2x1
jax: 0.10.2.dev20260603
libtpu: 0.0.44.dev20260713+nightly
codegen_flags: <defaults>
</compile_context>

<pallas_src>
import jax
import jax.numpy as jnp
from jax import lax
from jax.experimental import pallas as pl
from jax.experimental.pallas import tpu as pltpu
from jax.experimental.pallas import tpu_sc as plsc

N_NODES = 10000
N_EDGES = 320000
D_FEAT = 128

NC = 2
NS = 16
NW = NC * NS
EPW = N_EDGES // NW
C = 80
NCHUNK = EPW // C
G = C // 16
ROWS_PER_STAGE = 624


def _body(c_hbm, g_hbm, src_hbm, dst_hbm, out_hbm,
          iu, iv, ub, vb, ob, c_spmem,
          sem_iu, sem_iv, sem_u, sem_v, sem_o):
    wid = lax.axis_index("s") * NC + lax.axis_index("c")
    base = wid * EPW
    lane = jnp.arange(16, dtype=jnp.int32)

    sid = lax.axis_index("s")
    pltpu.sync_copy(c_hbm.at[pl.ds(sid * ROWS_PER_STAGE, ROWS_PER_STAGE)],
                    c_spmem.at[pl.ds(sid * ROWS_PER_STAGE, ROWS_PER_STAGE)])

    @pl.when(sid == 0)
    def _():
        rem = NS * ROWS_PER_STAGE
        pltpu.sync_copy(c_hbm.at[pl.ds(rem, N_NODES - rem)],
                        c_spmem.at[pl.ds(rem, N_NODES - rem)])

    plsc.subcore_barrier()

    def fire_idx(ci, p):
        off = base + ci * C
        pltpu.async_copy(src_hbm.at[pl.ds(off, C)], iu[p], sem_iu[p])
        pltpu.async_copy(dst_hbm.at[pl.ds(off, C)], iv[p], sem_iv[p])

    def wait_idx(p):
        pltpu.make_async_copy(src_hbm.at[pl.ds(0, C)], iu[p], sem_iu[p]).wait()
        pltpu.make_async_copy(dst_hbm.at[pl.ds(0, C)], iv[p], sem_iv[p]).wait()

    def fire_rows(p):
        pltpu.async_copy(c_spmem.at[iu[p]], ub[p], sem_u[p])
        pltpu.async_copy(g_hbm.at[iv[p]], vb[p], sem_v[p])

    def wait_rows(p):
        pltpu.make_async_copy(c_spmem.at[iu[p]], ub[p], sem_u[p]).wait()
        pltpu.make_async_copy(g_hbm.at[iv[p]], vb[p], sem_v[p]).wait()

    def fire_out(ci, p):
        pltpu.async_copy(ob[p], out_hbm.at[pl.ds(base + ci * C, C)], sem_o[p])

    def wait_out(p):
        pltpu.make_async_copy(ob[p], out_hbm.at[pl.ds(base, C)], sem_o[p]).wait()

    def compute(p):
        def group_body(gi, _):
            rows = gi * 16 + lane
            cols0 = [lane + k for k in range(4)]
            accs0 = [jnp.zeros((16,), jnp.float32) for _ in range(4)]

            def d_body(t, carry):
                accs, cols = carry
                accs = list(accs)
                cols = list(cols)
                for q in range(4):
                    for k in range(4):
                        hu = plsc.load_gather(ub[p], [rows, cols[k]])
                        hv = plsc.load_gather(vb[p], [rows, cols[k]])
                        accs[k] = accs[k] + hu * hv
                        cols[k] = (cols[k] + 4) & (D_FEAT - 1)
                return tuple(accs), tuple(cols)

            (a0, a1, a2, a3), _ = lax.fori_loop(
                0, D_FEAT // 16, d_body, (tuple(accs0), tuple(cols0)))
            acc = (a0 + a1) + (a2 + a3)
            pred = 1.0 / (1.0 + jnp.exp(-acc))
            ob[p][pl.ds(gi * 16, 16)] = pred
            return 0

        lax.fori_loop(0, G, group_body, 0)

    def step(ci, p, has_next, has_next2, has_prev_out):
        if has_next:
            wait_idx(p ^ 1)
            fire_rows(p ^ 1)
        wait_rows(p)
        if has_next2:
            fire_idx(ci + 2, p)
        if has_prev_out:
            wait_out(p)
        compute(p)
        fire_out(ci, p)

    fire_idx(0, 0)
    fire_idx(1, 1)
    wait_idx(0)
    fire_rows(0)

    step(0, 0, True, True, False)
    step(1, 1, True, True, False)

    def pair_body(i2, _):
        ci0 = i2 * 2
        step(ci0, 0, True, True, True)
        step(ci0 + 1, 1, True, True, True)
        return 0

    lax.fori_loop(1, (NCHUNK - 1) // 2 - 1, pair_body, 0)
    step(NCHUNK - 3, 0, True, True, True)
    step(NCHUNK - 2, 1, True, False, True)
    step(NCHUNK - 1, 0, False, False, True)
    wait_out(1)
    wait_out(0)


@jax.jit
def _decode(c_feat, g_feat, src, dst):
    mesh = plsc.VectorSubcoreMesh(core_axis_name="c", subcore_axis_name="s",
                                  num_cores=NC, num_subcores=NS)
    return pl.kernel(
        _body,
        out_type=jax.ShapeDtypeStruct((N_EDGES,), jnp.float32),
        mesh=mesh,
        compiler_params=pltpu.CompilerParams(needs_layout_passes=False),
        scratch_types=[
            [pltpu.VMEM((C,), jnp.int32) for _ in range(2)],
            [pltpu.VMEM((C,), jnp.int32) for _ in range(2)],
            [pltpu.VMEM((C, D_FEAT), jnp.float32) for _ in range(2)],
            [pltpu.VMEM((C, D_FEAT), jnp.float32) for _ in range(2)],
            [pltpu.VMEM((C,), jnp.float32) for _ in range(2)],
            pltpu.VMEM_SHARED((N_NODES, D_FEAT), jnp.float32),
            [pltpu.SemaphoreType.DMA for _ in range(2)],
            [pltpu.SemaphoreType.DMA for _ in range(2)],
            [pltpu.SemaphoreType.DMA for _ in range(2)],
            [pltpu.SemaphoreType.DMA for _ in range(2)],
            [pltpu.SemaphoreType.DMA for _ in range(2)],
        ],
    )(c_feat, g_feat, src, dst)


def kernel(c_feat, g_feat, edge_index):
    ei = edge_index.astype(jnp.int32)
    out = _decode(c_feat, g_feat, ei[0], ei[1])
    return out.reshape(N_EDGES, 1)

# --- scband reference (transcript-rebuilt; emitter-appended) ---
"""Pipeline reference for scband-dot-decoder-32607391711805 (READ-ONLY COPY).

The authoritative reference and input builder live on the scoring server;
editing this copy changes nothing except your own understanding.
"""

import jax, jax.numpy as jnp
import numpy as np

N_NODES = 10000
N_EDGES = 320000
D_FEAT = 128

def setup_inputs(seed: int = 0) -> dict:
    key = jax.random.key(seed)
    k1, k2, k3 = jax.random.split(key, 3)
    c_feat = jax.random.normal(k1, (N_NODES, D_FEAT), dtype=jnp.float32)
    g_feat = jax.random.normal(k2, (N_NODES, D_FEAT), dtype=jnp.float32)
    edge_index = jax.random.randint(k3, (2, N_EDGES), 0, N_NODES)
    return {"c_feat": c_feat, "g_feat": g_feat, "edge_index": edge_index}

def reference(c_feat, g_feat, edge_index):
    # DGL apply_edges(fn.u_dot_v('h','h','score')):
    # per-edge dot product between source (cell) and destination (gene) node features.
    src = edge_index[0]
    dst = edge_index[1]
    h_u = jnp.take(c_feat, src, axis=0)   # gather [E, d]
    h_v = jnp.take(g_feat, dst, axis=0)   # gather [E, d]
    score = jnp.sum(h_u * h_v, axis=-1, keepdims=True)  # [E, 1]
    pred = jax.nn.sigmoid(score)
    return pred

if __name__ == "__main__":
    import jax
    _d = setup_inputs()
    print(jax.jit(kernel)(*tuple(_d.values())))

</pallas_src>

<mosaic_0001>
#map = affine_map<(d0, d1) -> (0, 0)>
#map1 = affine_map<(d0, d1) -> (0)>
module attributes {stable_mosaic.version = 14 : i64} {
  func.func @_body(%arg0: i32, %arg1: i32, %arg2: memref<10000x128xf32, #tpu.memory_space<hbm>>, %arg3: memref<10000x128xf32, #tpu.memory_space<hbm>>, %arg4: memref<320000xi32, #tpu.memory_space<hbm>>, %arg5: memref<320000xi32, #tpu.memory_space<hbm>>, %arg6: memref<320000xf32, #tpu.memory_space<hbm>>, %arg7: memref<80xi32, #tpu.memory_space<vmem>>, %arg8: memref<80xi32, #tpu.memory_space<vmem>>, %arg9: memref<80xi32, #tpu.memory_space<vmem>>, %arg10: memref<80xi32, #tpu.memory_space<vmem>>, %arg11: memref<80x128xf32, #tpu.memory_space<vmem>>, %arg12: memref<80x128xf32, #tpu.memory_space<vmem>>, %arg13: memref<80x128xf32, #tpu.memory_space<vmem>>, %arg14: memref<80x128xf32, #tpu.memory_space<vmem>>, %arg15: memref<80xf32, #tpu.memory_space<vmem>>, %arg16: memref<80xf32, #tpu.memory_space<vmem>>, %arg17: memref<10000x128xf32, #tpu.memory_space<vmem_shared>>, %arg18: memref<!tpu.dma_semaphore, #tpu.memory_space<semaphore_mem>>, %arg19: memref<!tpu.dma_semaphore, #tpu.memory_space<semaphore_mem>>, %arg20: memref<!tpu.dma_semaphore, #tpu.memory_space<semaphore_mem>>, %arg21: memref<!tpu.dma_semaphore, #tpu.memory_space<semaphore_mem>>, %arg22: memref<!tpu.dma_semaphore, #tpu.memory_space<semaphore_mem>>, %arg23: memref<!tpu.dma_semaphore, #tpu.memory_space<semaphore_mem>>, %arg24: memref<!tpu.dma_semaphore, #tpu.memory_space<semaphore_mem>>, %arg25: memref<!tpu.dma_semaphore, #tpu.memory_space<semaphore_mem>>, %arg26: memref<!tpu.dma_semaphore, #tpu.memory_space<semaphore_mem>>, %arg27: memref<!tpu.dma_semaphore, #tpu.memory_space<semaphore_mem>>) attributes {dimension_semantics = [#tpu.dimension_semantics<core_parallel>, #tpu.dimension_semantics<subcore_parallel>], iteration_bounds = array<i64: 2, 16>, scalar_prefetch = 0 : i64, scratch_operands = 21 : i64, tpu.core_type = #tpu.core_type<sc_vector_subcore>, window_params = [{transform_indices = #map}, {transform_indices = #map}, {transform_indices = #map1}, {transform_indices = #map1}, {transform_indices = #map1}]} {
    %mul3A = arith.constant 2 : i32
    %mul3A_0 = arith.muli %arg1, %mul3A : i32
    %add3A = arith.addi %mul3A_0, %arg0 : i32
    %mul3A_1 = arith.constant 10000 : i32
    %mul3A_2 = arith.muli %add3A, %mul3A_1 : i32
    %iota3A = tpu.iota {dimensions = array<i32: 0>} : vector<16xi32>
    %mul3A_3 = arith.constant 624 : i32
    %mul3A_4 = arith.muli %arg1, %mul3A_3 : i32
    %mul3A_5 = arith.constant 624 : i32
    %mul3A_6 = arith.muli %arg1, %mul3A_5 : i32
    "tpu.region"() ({
      %run_scoped3A = tpu.sem_alloc : memref<!tpu.dma_semaphore, #tpu.memory_space<semaphore_mem>>
      %dma_start3A_208 = arith.constant 0 : i32
      %dma_start3A_209 = tpu.memref_slice %arg17[%mul3A_6, %dma_start3A_208] : memref<10000x128xf32, #tpu.memory_space<vmem_shared>> -> memref<624x128xf32, #tpu.memory_space<vmem_shared>>
      %dma_start3A_210 = arith.constant 0 : i32
      %dma_start3A_211 = tpu.memref_slice %arg2[%mul3A_4, %dma_start3A_210] : memref<10000x128xf32, #tpu.memory_space<hbm>> -> memref<624x128xf32, #tpu.memory_space<hbm>>
      tpu.enqueue_dma source(%dma_start3A_211 : memref<624x128xf32, #tpu.memory_space<hbm>>) target(%dma_start3A_209 : memref<624x128xf32, #tpu.memory_space<vmem_shared>>) target_semaphore(%run_scoped3A : memref<!tpu.dma_semaphore, #tpu.memory_space<semaphore_mem>>)
      %dma_wait3A_212 = arith.constant 0 : i32
      %dma_wait3A_213 = tpu.memref_slice %arg17[%mul3A_6, %dma_wait3A_212] : memref<10000x128xf32, #tpu.memory_space<vmem_shared>> -> memref<624x128xf32, #tpu.memory_space<vmem_shared>>
      %dma_wait3A_214 = arith.constant 0 : i32
      %dma_wait3A_215 = tpu.memref_slice %arg2[%mul3A_4, %dma_wait3A_214] : memref<10000x128xf32, #tpu.memory_space<hbm>> -> memref<624x128xf32, #tpu.memory_space<hbm>>
      tpu.wait_dma2 semaphore(%run_scoped3A : memref<!tpu.dma_semaphore, #tpu.memory_space<semaphore_mem>>) src(%dma_wait3A_215 : memref<624x128xf32, #tpu.memory_space<hbm>>) dst(%dma_wait3A_213 : memref<624x128xf32, #tpu.memory_space<vmem_shared>>)
      tpu.yield
    }) : () -> ()
    %eq3A = arith.constant 0 : i32
    %eq3A_7 = arith.cmpi eq, %arg1, %eq3A : i32
    %convert_element_type3A = arith.extui %eq3A_7 : i1 to i32
    %cond3A = arith.constant 0 : i32
    %cond3A_8 = arith.cmpi ne, %convert_element_type3A, %cond3A : i32
    scf.if %cond3A_8 {
      "tpu.region"() ({
        %run_scoped3A = tpu.sem_alloc : memref<!tpu.dma_semaphore, #tpu.memory_space<semaphore_mem>>
        %dma_start3A_208 = arith.constant 9984 : i32
        %dma_start3A_209 = arith.constant 0 : i32
        %dma_start3A_210 = tpu.memref_slice %arg17[%dma_start3A_208, %dma_start3A_209] : memref<10000x128xf32, #tpu.memory_space<vmem_shared>> -> memref<16x128xf32, #tpu.memory_space<vmem_shared>>
        %dma_start3A_211 = arith.constant 9984 : i32
        %dma_start3A_212 = arith.constant 0 : i32
        %dma_start3A_213 = tpu.memref_slice %arg2[%dma_start3A_211, %dma_start3A_212] : memref<10000x128xf32, #tpu.memory_space<hbm>> -> memref<16x128xf32, #tpu.memory_space<hbm>>
        tpu.enqueue_dma source(%dma_start3A_213 : memref<16x128xf32, #tpu.memory_space<hbm>>) target(%dma_start3A_210 : memref<16x128xf32, #tpu.memory_space<vmem_shared>>) target_semaphore(%run_scoped3A : memref<!tpu.dma_semaphore, #tpu.memory_space<semaphore_mem>>)
        %dma_wait3A_214 = arith.constant 9984 : i32
        %dma_wait3A_215 = arith.constant 0 : i32
        %dma_wait3A_216 = tpu.memref_slice %arg17[%dma_wait3A_214, %dma_wait3A_215] : memref<10000x128xf32, #tpu.memory_space<vmem_shared>> -> memref<16x128xf32, #tpu.memory_space<vmem_shared>>
        %dma_wait3A_217 = arith.constant 9984 : i32
        %dma_wait3A_218 = arith.constant 0 : i32
        %dma_wait3A_219 = tpu.memref_slice %arg2[%dma_wait3A_217, %dma_wait3A_218] : memref<10000x128xf32, #tpu.memory_space<hbm>> -> memref<16x128xf32, #tpu.memory_space<hbm>>
        tpu.wait_dma2 semaphore(%run_scoped3A : memref<!tpu.dma_semaphore, #tpu.memory_space<semaphore_mem>>) src(%dma_wait3A_219 : memref<16x128xf32, #tpu.memory_space<hbm>>) dst(%dma_wait3A_216 : memref<16x128xf32, #tpu.memory_space<vmem_shared>>)
        tpu.yield
      }) : () -> ()
    } else {
    }
    %barrier3A = arith.constant 0 : index
    tpu.barrier barrier_id(%barrier3A)
    %add3A_9 = arith.constant 0 : i32
    %add3A_10 = arith.addi %mul3A_2, %add3A_9 : i32
    %dma_start3A = tpu.memref_slice %arg4[%add3A_10] : memref<320000xi32, #tpu.memory_space<hbm>> -> memref<80xi32, #tpu.memory_space<hbm>>
    %dma_start3A_11 = tpu.memref_slice %arg4[%add3A_10] : memref<320000xi32, #tpu.memory_space<hbm>> -> memref<80xi32, #tpu.memory_space<hbm>>
    tpu.enqueue_dma source(%dma_start3A_11 : memref<80xi32, #tpu.memory_space<hbm>>) target(%arg7 : memref<80xi32, #tpu.memory_space<vmem>>) target_semaphore(%arg18 : memref<!tpu.dma_semaphore, #tpu.memory_space<semaphore_mem>>)
    %dma_start3A_12 = tpu.memref_slice %arg5[%add3A_10] : memref<320000xi32, #tpu.memory_space<hbm>> -> memref<80xi32, #tpu.memory_space<hbm>>
    %dma_start3A_13 = tpu.memref_slice %arg5[%add3A_10] : memref<320000xi32, #tpu.memory_space<hbm>> -> memref<80xi32, #tpu.memory_space<hbm>>
    tpu.enqueue_dma source(%dma_start3A_13 : memref<80xi32, #tpu.memory_space<hbm>>) target(%arg9 : memref<80xi32, #tpu.memory_space<vmem>>) target_semaphore(%arg20 : memref<!tpu.dma_semaphore, #tpu.memory_space<semaphore_mem>>)
    %add3A_14 = arith.constant 80 : i32
    %add3A_15 = arith.addi %mul3A_2, %add3A_14 : i32
    %dma_start3A_16 = tpu.memref_slice %arg4[%add3A_15] : memref<320000xi32, #tpu.memory_space<hbm>> -> memref<80xi32, #tpu.memory_space<hbm>>
    %dma_start3A_17 = tpu.memref_slice %arg4[%add3A_15] : memref<320000xi32, #tpu.memory_space<hbm>> -> memref<80xi32, #tpu.memory_space<hbm>>
    tpu.enqueue_dma source(%dma_start3A_17 : memref<80xi32, #tpu.memory_space<hbm>>) target(%arg8 : memref<80xi32, #tpu.memory_space<vmem>>) target_semaphore(%arg19 : memref<!tpu.dma_semaphore, #tpu.memory_space<semaphore_mem>>)
    %dma_start3A_18 = tpu.memref_slice %arg5[%add3A_15] : memref<320000xi32, #tpu.memory_space<hbm>> -> memref<80xi32, #tpu.memory_space<hbm>>
    %dma_start3A_19 = tpu.memref_slice %arg5[%add3A_15] : memref<320000xi32, #tpu.memory_space<hbm>> -> memref<80xi32, #tpu.memory_space<hbm>>
    tpu.enqueue_dma source(%dma_start3A_19 : memref<80xi32, #tpu.memory_space<hbm>>) target(%arg10 : memref<80xi32, #tpu.memory_space<vmem>>) target_semaphore(%arg21 : memref<!tpu.dma_semaphore, #tpu.memory_space<semaphore_mem>>)
    %dma_wait3A = arith.constant 0 : i32
    %dma_wait3A_20 = tpu.memref_slice %arg4[%dma_wait3A] : memref<320000xi32, #tpu.memory_space<hbm>> -> memref<80xi32, #tpu.memory_space<hbm>>
    %dma_wait3A_21 = arith.constant 0 : i32
    %dma_wait3A_22 = tpu.memref_slice %arg4[%dma_wait3A_21] : memref<320000xi32, #tpu.memory_space<hbm>> -> memref<80xi32, #tpu.memory_space<hbm>>
    tpu.wait_dma2 semaphore(%arg18 : memref<!tpu.dma_semaphore, #tpu.memory_space<semaphore_mem>>) src(%dma_wait3A_22 : memref<80xi32, #tpu.memory_space<hbm>>) dst(%arg7 : memref<80xi32, #tpu.memory_space<vmem>>)
    %dma_wait3A_23 = arith.constant 0 : i32
    %dma_wait3A_24 = tpu.memref_slice %arg5[%dma_wait3A_23] : memref<320000xi32, #tpu.memory_space<hbm>> -> memref<80xi32, #tpu.memory_space<hbm>>
    %dma_wait3A_25 = arith.constant 0 : i32
    %dma_wait3A_26 = tpu.memref_slice %arg5[%dma_wait3A_25] : memref<320000xi32, #tpu.memory_space<hbm>> -> memref<80xi32, #tpu.memory_space<hbm>>
    tpu.wait_dma2 semaphore(%arg20 : memref<!tpu.dma_semaphore, #tpu.memory_space<semaphore_mem>>) src(%dma_wait3A_26 : memref<80xi32, #tpu.memory_space<hbm>>) dst(%arg9 : memref<80xi32, #tpu.memory_space<vmem>>)
    %dma_start3A_27 = arith.constant 0 : i32
    %dma_start3A_28 = arith.constant 0 : i32
    %dma_start3A_29 = tpu.memref_slice %arg17[%dma_start3A_27, %dma_start3A_28] : memref<10000x128xf32, #tpu.memory_space<vmem_shared>> -> memref<10000x128xf32, #tpu.memory_space<vmem_shared>>
    tpu.enqueue_indirect_dma source(%dma_start3A_29 : memref<10000x128xf32, #tpu.memory_space<vmem_shared>>) target(%arg11 : memref<80x128xf32, #tpu.memory_space<vmem>>) offsets(%arg7 : memref<80xi32, #tpu.memory_space<vmem>>) semaphore(%arg22 : memref<!tpu.dma_semaphore, #tpu.memory_space<semaphore_mem>>)
    %dma_start3A_30 = arith.constant 0 : i32
    %dma_start3A_31 = arith.constant 0 : i32
    %dma_start3A_32 = tpu.memref_slice %arg3[%dma_start3A_30, %dma_start3A_31] : memref<10000x128xf32, #tpu.memory_space<hbm>> -> memref<10000x128xf32, #tpu.memory_space<hbm>>
    tpu.enqueue_indirect_dma source(%dma_start3A_32 : memref<10000x128xf32, #tpu.memory_space<hbm>>) target(%arg13 : memref<80x128xf32, #tpu.memory_space<vmem>>) offsets(%arg9 : memref<80xi32, #tpu.memory_space<vmem>>) semaphore(%arg24 : memref<!tpu.dma_semaphore, #tpu.memory_space<semaphore_mem>>)
    %dma_wait3A_33 = arith.constant 0 : i32
    %dma_wait3A_34 = tpu.memref_slice %arg4[%dma_wait3A_33] : memref<320000xi32, #tpu.memory_space<hbm>> -> memref<80xi32, #tpu.memory_space<hbm>>
    %dma_wait3A_35 = arith.constant 0 : i32
    %dma_wait3A_36 = tpu.memref_slice %arg4[%dma_wait3A_35] : memref<320000xi32, #tpu.memory_space<hbm>> -> memref<80xi32, #tpu.memory_space<hbm>>
    tpu.wait_dma2 semaphore(%arg19 : memref<!tpu.dma_semaphore, #tpu.memory_space<semaphore_mem>>) src(%dma_wait3A_36 : memref<80xi32, #tpu.memory_space<hbm>>) dst(%arg8 : memref<80xi32, #tpu.memory_space<vmem>>)
    %dma_wait3A_37 = arith.constant 0 : i32
    %dma_wait3A_38 = tpu.memref_slice %arg5[%dma_wait3A_37] : memref<320000xi32, #tpu.memory_space<hbm>> -> memref<80xi32, #tpu.memory_space<hbm>>
    %dma_wait3A_39 = arith.constant 0 : i32
    %dma_wait3A_40 = tpu.memref_slice %arg5[%dma_wait3A_39] : memref<320000xi32, #tpu.memory_space<hbm>> -> memref<80xi32, #tpu.memory_space<hbm>>
    tpu.wait_dma2 semaphore(%arg21 : memref<!tpu.dma_semaphore, #tpu.memory_space<semaphore_mem>>) src(%dma_wait3A_40 : memref<80xi32, #tpu.memory_space<hbm>>) dst(%arg10 : memref<80xi32, #tpu.memory_space<vmem>>)
    %dma_start3A_41 = arith.constant 0 : i32
    %dma_start3A_42 = arith.constant 0 : i32
    %dma_start3A_43 = tpu.memref_slice %arg17[%dma_start3A_41, %dma_start3A_42] : memref<10000x128xf32, #tpu.memory_space<vmem_shared>> -> memref<10000x128xf32, #tpu.memory_space<vmem_shared>>
    tpu.enqueue_indirect_dma source(%dma_start3A_43 : memref<10000x128xf32, #tpu.memory_space<vmem_shared>>) target(%arg12 : memref<80x128xf32, #tpu.memory_space<vmem>>) offsets(%arg8 : memref<80xi32, #tpu.memory_space<vmem>>) semaphore(%arg23 : memref<!tpu.dma_semaphore, #tpu.memory_space<semaphore_mem>>)
    %dma_start3A_44 = arith.constant 0 : i32
    %dma_start3A_45 = arith.constant 0 : i32
    %dma_start3A_46 = tpu.memref_slice %arg3[%dma_start3A_44, %dma_start3A_45] : memref<10000x128xf32, #tpu.memory_space<hbm>> -> memref<10000x128xf32, #tpu.memory_space<hbm>>
    tpu.enqueue_indirect_dma source(%dma_start3A_46 : memref<10000x128xf32, #tpu.memory_space<hbm>>) target(%arg14 : memref<80x128xf32, #tpu.memory_space<vmem>>) offsets(%arg10 : memref<80xi32, #tpu.memory_space<vmem>>) semaphore(%arg25 : memref<!tpu.dma_semaphore, #tpu.memory_space<semaphore_mem>>)
    %dma_wait3A_47 = arith.constant 0 : i32
    %dma_wait3A_48 = arith.constant 0 : i32
    %dma_wait3A_49 = tpu.memref_slice %arg17[%dma_wait3A_47, %dma_wait3A_48] : memref<10000x128xf32, #tpu.memory_space<vmem_shared>> -> memref<10000x128xf32, #tpu.memory_space<vmem_shared>>
    tpu.wait_indirect_dma semaphore(%arg22 : memref<!tpu.dma_semaphore, #tpu.memory_space<semaphore_mem>>) src(%dma_wait3A_49 : memref<10000x128xf32, #tpu.memory_space<vmem_shared>>) dst(%arg11 : memref<80x128xf32, #tpu.memory_space<vmem>>)
    %dma_wait3A_50 = arith.constant 0 : i32
    %dma_wait3A_51 = arith.constant 0 : i32
    %dma_wait3A_52 = tpu.memref_slice %arg3[%dma_wait3A_50, %dma_wait3A_51] : memref<10000x128xf32, #tpu.memory_space<hbm>> -> memref<10000x128xf32, #tpu.memory_space<hbm>>
    tpu.wait_indirect_dma semaphore(%arg24 : memref<!tpu.dma_semaphore, #tpu.memory_space<semaphore_mem>>) src(%dma_wait3A_52 : memref<10000x128xf32, #tpu.memory_space<hbm>>) dst(%arg13 : memref<80x128xf32, #tpu.memory_space<vmem>>)
    %add3A_53 = arith.constant 160 : i32
    %add3A_54 = arith.addi %mul3A_2, %add3A_53 : i32
    %dma_start3A_55 = tpu.memref_slice %arg4[%add3A_54] : memref<320000xi32, #tpu.memory_space<hbm>> -> memref<80xi32, #tpu.memory_space<hbm>>
    %dma_start3A_56 = tpu.memref_slice %arg4[%add3A_54] : memref<320000xi32, #tpu.memory_space<hbm>> -> memref<80xi32, #tpu.memory_space<hbm>>
    tpu.enqueue_dma source(%dma_start3A_56 : memref<80xi32, #tpu.memory_space<hbm>>) target(%arg7 : memref<80xi32, #tpu.memory_space<vmem>>) target_semaphore(%arg18 : memref<!tpu.dma_semaphore, #tpu.memory_space<semaphore_mem>>)
    %dma_start3A_57 = tpu.memref_slice %arg5[%add3A_54] : memref<320000xi32, #tpu.memory_space<hbm>> -> memref<80xi32, #tpu.memory_space<hbm>>
    %dma_start3A_58 = tpu.memref_slice %arg5[%add3A_54] : memref<320000xi32, #tpu.memory_space<hbm>> -> memref<80xi32, #tpu.memory_space<hbm>>
    tpu.enqueue_dma source(%dma_start3A_58 : memref<80xi32, #tpu.memory_space<hbm>>) target(%arg9 : memref<80xi32, #tpu.memory_space<vmem>>) target_semaphore(%arg20 : memref<!tpu.dma_semaphore, #tpu.memory_space<semaphore_mem>>)
    %scan3A = arith.constant 0 : i32
    %scan3A_59 = arith.constant 0 : i32
    %scan3A_60 = arith.constant 5 : i32
    %scan3A_61 = arith.addi %scan3A_59, %scan3A_60 : i32
    %scan3A_62 = arith.constant 1 : i32
    %scan3A_63 = scf.for %scan3A_208 = %scan3A_59 to %scan3A_61 step %scan3A_62 iter_args(%scan3A_209 = %scan3A) -> (i32)  : i32 {
      %mul3A_210 = arith.constant 16 : i32
      %mul3A_211 = arith.muli %scan3A_208, %mul3A_210 : i32
      %add3A_212 = vector.broadcast %mul3A_211 : i32 to vector<16xi32>
      %add3A_213 = arith.addi %add3A_212, %iota3A : vector<16xi32>
      %add3A_214 = arith.constant 0 : i32
      %add3A_215 = vector.broadcast %add3A_214 : i32 to vector<16xi32>
      %add3A_216 = arith.addi %iota3A, %add3A_215 : vector<16xi32>
      %add3A_217 = arith.constant 1 : i32
      %add3A_218 = vector.broadcast %add3A_217 : i32 to vector<16xi32>
      %add3A_219 = arith.addi %iota3A, %add3A_218 : vector<16xi32>
      %add3A_220 = arith.constant 2 : i32
      %add3A_221 = vector.broadcast %add3A_220 : i32 to vector<16xi32>
      %add3A_222 = arith.addi %iota3A, %add3A_221 : vector<16xi32>
      %add3A_223 = arith.constant 3 : i32
      %add3A_224 = vector.broadcast %add3A_223 : i32 to vector<16xi32>
      %add3A_225 = arith.addi %iota3A, %add3A_224 : vector<16xi32>
      %broadcast_in_dim3A = arith.constant 0.000000e+00 : f32
      %broadcast_in_dim3A_226 = vector.broadcast %broadcast_in_dim3A : f32 to vector<16xf32>
      %broadcast_in_dim3A_227 = arith.constant 0.000000e+00 : f32
      %broadcast_in_dim3A_228 = vector.broadcast %broadcast_in_dim3A_227 : f32 to vector<16xf32>
      %broadcast_in_dim3A_229 = arith.constant 0.000000e+00 : f32
      %broadcast_in_dim3A_230 = vector.broadcast %broadcast_in_dim3A_229 : f32 to vector<16xf32>
      %broadcast_in_dim3A_231 = arith.constant 0.000000e+00 : f32
      %broadcast_in_dim3A_232 = vector.broadcast %broadcast_in_dim3A_231 : f32 to vector<16xf32>
      %scan3A_233 = arith.constant 0 : i32
      %scan3A_234 = arith.constant 8 : i32
      %scan3A_235 = arith.addi %scan3A_233, %scan3A_234 : i32
      %scan3A_236 = arith.constant 1 : i32
      %scan3A_237:8 = scf.for %scan3A_253 = %scan3A_233 to %scan3A_235 step %scan3A_236 iter_args(%scan3A_254 = %broadcast_in_dim3A_226, %scan3A_255 = %broadcast_in_dim3A_228, %scan3A_256 = %broadcast_in_dim3A_230, %scan3A_257 = %broadcast_in_dim3A_232, %scan3A_258 = %add3A_216, %scan3A_259 = %add3A_219, %scan3A_260 = %add3A_222, %scan3A_261 = %add3A_225) -> (vector<16xf32>, vector<16xf32>, vector<16xf32>, vector<16xf32>, vector<16xi32>, vector<16xi32>, vector<16xi32>, vector<16xi32>)  : i32 {
        %gather3A = tpu.vector_load_idx %arg11[%add3A_213, %scan3A_258] : memref<80x128xf32, #tpu.memory_space<vmem>>[vector<16xi32>, vector<16xi32>], vector<16xf32>,
        %gather3A_262 = tpu.vector_load_idx %arg13[%add3A_213, %scan3A_258] : memref<80x128xf32, #tpu.memory_space<vmem>>[vector<16xi32>, vector<16xi32>], vector<16xf32>,
        %mul3A_263 = arith.mulf %gather3A, %gather3A_262 : vector<16xf32>
        %add3A_264 = arith.addf %scan3A_254, %mul3A_263 : vector<16xf32>
        %add3A_265 = arith.constant 4 : i32
        %add3A_266 = vector.broadcast %add3A_265 : i32 to vector<16xi32>
        %add3A_267 = arith.addi %scan3A_258, %add3A_266 : vector<16xi32>
        %and3A = arith.constant 127 : i32
        %and3A_268 = vector.broadcast %and3A : i32 to vector<16xi32>
        %and3A_269 = arith.andi %add3A_267, %and3A_268 : vector<16xi32>
        %gather3A_270 = tpu.vector_load_idx %arg11[%add3A_213, %scan3A_259] : memref<80x128xf32, #tpu.memory_space<vmem>>[vector<16xi32>, vector<16xi32>], vector<16xf32>,
        %gather3A_271 = tpu.vector_load_idx %arg13[%add3A_213, %scan3A_259] : memref<80x128xf32, #tpu.memory_space<vmem>>[vector<16xi32>, vector<16xi32>], vector<16xf32>,
        %mul3A_272 = arith.mulf %gather3A_270, %gather3A_271 : vector<16xf32>
        %add3A_273 = arith.addf %scan3A_255, %mul3A_272 : vector<16xf32>
        %add3A_274 = arith.constant 4 : i32
        %add3A_275 = vector.broadcast %add3A_274 : i32 to vector<16xi32>
        %add3A_276 = arith.addi %scan3A_259, %add3A_275 : vector<16xi32>
        %and3A_277 = arith.constant 127 : i32
        %and3A_278 = vector.broadcast %and3A_277 : i32 to vector<16xi32>
        %and3A_279 = arith.andi %add3A_276, %and3A_278 : vector<16xi32>
        %gather3A_280 = tpu.vector_load_idx %arg11[%add3A_213, %scan3A_260] : memref<80x128xf32, #tpu.memory_space<vmem>>[vector<16xi32>, vector<16xi32>], vector<16xf32>,
        %gather3A_281 = tpu.vector_load_idx %arg13[%add3A_213, %scan3A_260] : memref<80x128xf32, #tpu.memory_space<vmem>>[vector<16xi32>, vector<16xi32>], vector<16xf32>,
        %mul3A_282 = arith.mulf %gather3A_280, %gather3A_281 : vector<16xf32>
        %add3A_283 = arith.addf %scan3A_256, %mul3A_282 : vector<16xf32>
        %add3A_284 = arith.constant 4 : i32
        %add3A_285 = vector.broadcast %add3A_284 : i32 to vector<16xi32>
        %add3A_286 = arith.addi %scan3A_260, %add3A_285 : vector<16xi32>
        %and3A_287 = arith.constant 127 : i32
        %and3A_288 = vector.broadcast %and3A_287 : i32 to vector<16xi32>
        %and3A_289 = arith.andi %add3A_286, %and3A_288 : vector<16xi32>
        %gather3A_290 = tpu.vector_load_idx %arg11[%add3A_213, %scan3A_261] : memref<80x128xf32, #tpu.memory_space<vmem>>[vector<16xi32>, vector<16xi32>], vector<16xf32>,
        %gather3A_291 = tpu.vector_load_idx %arg13[%add3A_213, %scan3A_261] : memref<80x128xf32, #tpu.memory_space<vmem>>[vector<16xi32>, vector<16xi32>], vector<16xf32>,
        %mul3A_292 = arith.mulf %gather3A_290, %gather3A_291 : vector<16xf32>
        %add3A_293 = arith.addf %scan3A_257, %mul3A_292 : vector<16xf32>
        %add3A_294 = arith.constant 4 : i32
        %add3A_295 = vector.broadcast %add3A_294 : i32 to vector<16xi32>
        %add3A_296 = arith.addi %scan3A_261, %add3A_295 : vector<16xi32>
        %and3A_297 = arith.constant 127 : i32
        %and3A_298 = vector.broadcast %and3A_297 : i32 to vector<16xi32>
        %and3A_299 = arith.andi %add3A_296, %and3A_298 : vector<16xi32>
        %gather3A_300 = tpu.vector_load_idx %arg11[%add3A_213, %and3A_269] : memref<80x128xf32, #tpu.memory_space<vmem>>[vector<16xi32>, vector<16xi32>], vector<16xf32>,
        %gather3A_301 = tpu.vector_load_idx %arg13[%add3A_213, %and3A_269] : memref<80x128xf32, #tpu.memory_space<vmem>>[vector<16xi32>, vector<16xi32>], vector<16xf32>,
        %mul3A_302 = arith.mulf %gather3A_300, %gather3A_301 : vector<16xf32>
        %add3A_303 = arith.addf %add3A_264, %mul3A_302 : vector<16xf32>
        %add3A_304 = arith.constant 4 : i32
        %add3A_305 = vector.broadcast %add3A_304 : i32 to vector<16xi32>
        %add3A_306 = arith.addi %and3A_269, %add3A_305 : vector<16xi32>
        %and3A_307 = arith.constant 127 : i32
        %and3A_308 = vector.broadcast %and3A_307 : i32 to vector<16xi32>
        %and3A_309 = arith.andi %add3A_306, %and3A_308 : vector<16xi32>
        %gather3A_310 = tpu.vector_load_idx %arg11[%add3A_213, %and3A_279] : memref<80x128xf32, #tpu.memory_space<vmem>>[vector<16xi32>, vector<16xi32>], vector<16xf32>,
        %gather3A_311 = tpu.vector_load_idx %arg13[%add3A_213, %and3A_279] : memref<80x128xf32, #tpu.memory_space<vmem>>[vector<16xi32>, vector<16xi32>], vector<16xf32>,
        %mul3A_312 = arith.mulf %gather3A_310, %gather3A_311 : vector<16xf32>
        %add3A_313 = arith.addf %add3A_273, %mul3A_312 : vector<16xf32>
        %add3A_314 = arith.constant 4 : i32
        %add3A_315 = vector.broadcast %add3A_314 : i32 to vector<16xi32>
        %add3A_316 = arith.addi %and3A_279, %add3A_315 : vector<16xi32>
        %and3A_317 = arith.constant 127 : i32
        %and3A_318 = vector.broadcast %and3A_317 : i32 to vector<16xi32>
        %and3A_319 = arith.andi %add3A_316, %and3A_318 : vector<16xi32>
        %gather3A_320 = tpu.vector_load_idx %arg11[%add3A_213, %and3A_289] : memref<80x128xf32, #tpu.memory_space<vmem>>[vector<16xi32>, vector<16xi32>], vector<16xf32>,
        %gather3A_321 = tpu.vector_load_idx %arg13[%add3A_213, %and3A_289] : memref<80x128xf32, #tpu.memory_space<vmem>>[vector<16xi32>, vector<16xi32>], vector<16xf32>,
        %mul3A_322 = arith.mulf %gather3A_320, %gather3A_321 : vector<16xf32>
        %add3A_323 = arith.addf %add3A_283, %mul3A_322 : vector<16xf32>
        %add3A_324 = arith.constant 4 : i32
        %add3A_325 = vector.broadcast %add3A_324 : i32 to vector<16xi32>
        %add3A_326 = arith.addi %and3A_289, %add3A_325 : vector<16xi32>
        %and3A_327 = arith.constant 127 : i32
        %and3A_328 = vector.broadcast %and3A_327 : i32 to vector<16xi32>
        %and3A_329 = arith.andi %add3A_326, %and3A_328 : vector<16xi32>
        %gather3A_330 = tpu.vector_load_idx %arg11[%add3A_213, %and3A_299] : memref<80x128xf32, #tpu.memory_space<vmem>>[vector<16xi32>, vector<16xi32>], vector<16xf32>,
        %gather3A_331 = tpu.vector_load_idx %arg13[%add3A_213, %and3A_299] : memref<80x128xf32, #tpu.memory_space<vmem>>[vector<16xi32>, vector<16xi32>], vector<16xf32>,
        %mul3A_332 = arith.mulf %gather3A_330, %gather3A_331 : vector<16xf32>
        %add3A_333 = arith.addf %add3A_293, %mul3A_332 : vector<16xf32>
        %add3A_334 = arith.constant 4 : i32
        %add3A_335 = vector.broadcast %add3A_334 : i32 to vector<16xi32>
        %add3A_336 = arith.addi %and3A_299, %add3A_335 : vector<16xi32>
        %and3A_337 = arith.constant 127 : i32
        %and3A_338 = vector.broadcast %and3A_337 : i32 to vector<16xi32>
        %and3A_339 = arith.andi %add3A_336, %and3A_338 : vector<16xi32>
        %gather3A_340 = tpu.vector_load_idx %arg11[%add3A_213, %and3A_309] : memref<80x128xf32, #tpu.memory_space<vmem>>[vector<16xi32>, vector<16xi32>], vector<16xf32>,
        %gather3A_341 = tpu.vector_load_idx %arg13[%add3A_213, %and3A_309] : memref<80x128xf32, #tpu.memory_space<vmem>>[vector<16xi32>, vector<16xi32>], vector<16xf32>,
        %mul3A_342 = arith.mulf %gather3A_340, %gather3A_341 : vector<16xf32>
        %add3A_343 = arith.addf %add3A_303, %mul3A_342 : vector<16xf32>
        %add3A_344 = arith.constant 4 : i32
        %add3A_345 = vector.broadcast %add3A_344 : i32 to vector<16xi32>
        %add3A_346 = arith.addi %and3A_309, %add3A_345 : vector<16xi32>
        %and3A_347 = arith.constant 127 : i32
        %and3A_348 = vector.broadcast %and3A_347 : i32 to vector<16xi32>
        %and3A_349 = arith.andi %add3A_346, %and3A_348 : vector<16xi32>
        %gather3A_350 = tpu.vector_load_idx %arg11[%add3A_213, %and3A_319] : memref<80x128xf32, #tpu.memory_space<vmem>>[vector<16xi32>, vector<16xi32>], vector<16xf32>,
        %gather3A_351 = tpu.vector_load_idx %arg13[%add3A_213, %and3A_319] : memref<80x128xf32, #tpu.memory_space<vmem>>[vector<16xi32>, vector<16xi32>], vector<16xf32>,
        %mul3A_352 = arith.mulf %gather3A_350, %gather3A_351 : vector<16xf32>
        %add3A_353 = arith.addf %add3A_313, %mul3A_352 : vector<16xf32>
        %add3A_354 = arith.constant 4 : i32
        %add3A_355 = vector.broadcast %add3A_354 : i32 to vector<16xi32>
        %add3A_356 = arith.addi %and3A_319, %add3A_355 : vector<16xi32>
        %and3A_357 = arith.constant 127 : i32
        %and3A_358 = vector.broadcast %and3A_357 : i32 to vector<16xi32>
        %and3A_359 = arith.andi %add3A_356, %and3A_358 : vector<16xi32>
        %gather3A_360 = tpu.vector_load_idx %arg11[%add3A_213, %and3A_329] : memref<80x128xf32, #tpu.memory_space<vmem>>[vector<16xi32>, vector<16xi32>], vector<16xf32>,
        %gather3A_361 = tpu.vector_load_idx %arg13[%add3A_213, %and3A_329] : memref<80x128xf32, #tpu.memory_space<vmem>>[vector<16xi32>, vector<16xi32>], vector<16xf32>,
        %mul3A_362 = arith.mulf %gather3A_360, %gather3A_361 : vector<16xf32>
        %add3A_363 = arith.addf %add3A_323, %mul3A_362 : vector<16xf32>
        %add3A_364 = arith.constant 4 : i32
        %add3A_365 = vector.broadcast %add3A_364 : i32 to vector<16xi32>
        %add3A_366 = arith.addi %and3A_329, %add3A_365 : vector<16xi32>
        %and3A_367 = arith.constant 127 : i32
        %and3A_368 = vector.broadcast %and3A_367 : i32 to vector<16xi32>
        %and3A_369 = arith.andi %add3A_366, %and3A_368 : vector<16xi32>
        %gather3A_370 = tpu.vector_load_idx %arg11[%add3A_213, %and3A_339] : memref<80x128xf32, #tpu.memory_space<vmem>>[vector<16xi32>, vector<16xi32>], vector<16xf32>,
        %gather3A_371 = tpu.vector_load_idx %arg13[%add3A_213, %and3A_339] : memref<80x128xf32, #tpu.memory_space<vmem>>[vector<16xi32>, vector<16xi32>], vector<16xf32>,
        %mul3A_372 = arith.mulf %gather3A_370, %gather3A_371 : vector<16xf32>
        %add3A_373 = arith.addf %add3A_333, %mul3A_372 : vector<16xf32>
        %add3A_374 = arith.constant 4 : i32
        %add3A_375 = vector.broadcast %add3A_374 : i32 to vector<16xi32>
        %add3A_376 = arith.addi %and3A_339, %add3A_375 : vector<16xi32>
        %and3A_377 = arith.constant 127 : i32
        %and3A_378 = vector.broadcast %and3A_377 : i32 to vector<16xi32>
        %and3A_379 = arith.andi %add3A_376, %and3A_378 : vector<16xi32>
        %gather3A_380 = tpu.vector_load_idx %arg11[%add3A_213, %and3A_349] : memref<80x128xf32, #tpu.memory_space<vmem>>[vector<16xi32>, vector<16xi32>], vector<16xf32>,
        %gather3A_381 = tpu.vector_load_idx %arg13[%add3A_213, %and3A_349] : memref<80x128xf32, #tpu.memory_space<vmem>>[vector<16xi32>, vector<16xi32>], vector<16xf32>,
        %mul3A_382 = arith.mulf %gather3A_380, %gather3A_381 : vector<16xf32>
        %add3A_383 = arith.addf %add3A_343, %mul3A_382 : vector<16xf32>
        %add3A_384 = arith.constant 4 : i32
        %add3A_385 = vector.broadcast %add3A_384 : i32 to vector<16xi32>
        %add3A_386 = arith.addi %and3A_349, %add3A_385 : vector<16xi32>
        %and3A_387 = arith.constant 127 : i32
        %and3A_388 = vector.broadcast %and3A_387 : i32 to vector<16xi32>
        %and3A_389 = arith.andi %add3A_386, %and3A_388 : vector<16xi32>
        %gather3A_390 = tpu.vector_load_idx %arg11[%add3A_213, %and3A_359] : memref<80x128xf32, #tpu.memory_space<vmem>>[vector<16xi32>, vector<16xi32>], vector<16xf32>,
        %gather3A_391 = tpu.vector_load_idx %arg13[%add3A_213, %and3A_359] : memref<80x128xf32, #tpu.memory_space<vmem>>[vector<16xi32>, vector<16xi32>], vector<16xf32>,
        %mul3A_392 = arith.mulf %gather3A_390, %gather3A_391 : vector<16xf32>
        %add3A_393 = arith.addf %add3A_353, %mul3A_392 : vector<16xf32>
        %add3A_394 = arith.constant 4 : i32
        %add3A_395 = vector.broadcast %add3A_394 : i32 to vector<16xi32>
        %add3A_396 = arith.addi %and3A_359, %add3A_395 : vector<16xi32>
        %and3A_397 = arith.constant 127 : i32
        %and3A_398 = vector.broadcast %and3A_397 : i32 to vector<16xi32>
        %and3A_399 = arith.andi %add3A_396, %and3A_398 : vector<16xi32>
        %gather3A_400 = tpu.vector_load_idx %arg11[%add3A_213, %and3A_369] : memref<80x128xf32, #tpu.memory_space<vmem>>[vector<16xi32>, vector<16xi32>], vector<16xf32>,
        %gather3A_401 = tpu.vector_load_idx %arg13[%add3A_213, %and3A_369] : memref<80x128xf32, #tpu.memory_space<vmem>>[vector<16xi32>, vector<16xi32>], vector<16xf32>,
        %mul3A_402 = arith.mulf %gather3A_400, %gather3A_401 : vector<16xf32>
        %add3A_403 = arith.addf %add3A_363, %mul3A_402 : vector<16xf32>
        %add3A_404 = arith.constant 4 : i32
        %add3A_405 = vector.broadcast %add3A_404 : i32 to vector<16xi32>
        %add3A_406 = arith.addi %and3A_369, %add3A_405 : vector<16xi32>
        %and3A_407 = arith.constant 127 : i32
        %and3A_408 = vector.broadcast %and3A_407 : i32 to vector<16xi32>
        %and3A_409 = arith.andi %add3A_406, %and3A_408 : vector<16xi32>
        %gather3A_410 = tpu.vector_load_idx %arg11[%add3A_213, %and3A_379] : memref<80x128xf32, #tpu.memory_space<vmem>>[vector<16xi32>, vector<16xi32>], vector<16xf32>,
        %gather3A_411 = tpu.vector_load_idx %arg13[%add3A_213, %and3A_379] : memref<80x128xf32, #tpu.memory_space<vmem>>[vector<16xi32>, vector<16xi32>], vector<16xf32>,
        %mul3A_412 = arith.mulf %gather3A_410, %gather3A_411 : vector<16xf32>
        %add3A_413 = arith.addf %add3A_373, %mul3A_412 : vector<16xf32>
        %add3A_414 = arith.constant 4 : i32
        %add3A_415 = vector.broadcast %add3A_414 : i32 to vector<16xi32>
        %add3A_416 = arith.addi %and3A_379, %add3A_415 : vector<16xi32>
        %and3A_417 = arith.constant 127 : i32
        %and3A_418 = vector.broadcast %and3A_417 : i32 to vector<16xi32>
        %and3A_419 = arith.andi %add3A_416, %and3A_418 : vector<16xi32>
        scf.yield %add3A_383, %add3A_393, %add3A_403, %add3A_413, %and3A_389, %and3A_399, %and3A_409, %and3A_419 : vector<16xf32>, vector<16xf32>, vector<16xf32>, vector<16xf32>, vector<16xi32>, vector<16xi32>, vector<16xi32>, vector<16xi32>
      }
      %scan3A_238 = arith.constant 8 : i32
      %add3A_239 = arith.addf %scan3A_237#0, %scan3A_237#1 : vector<16xf32>
      %add3A_240 = arith.addf %scan3A_237#2, %scan3A_237#3 : vector<16xf32>
      %add3A_241 = arith.addf %add3A_239, %add3A_240 : vector<16xf32>
      %neg3A = arith.constant 0.000000e+00 : f32
      %neg3A_242 = vector.broadcast %neg3A : f32 to vector<16xf32>
      %neg3A_243 = arith.subf %neg3A_242, %add3A_241 : vector<16xf32>
      %exp3A = math.exp %neg3A_243 : vector<16xf32>
      %add3A_244 = arith.constant 1.000000e+00 : f32
      %add3A_245 = vector.broadcast %add3A_244 : f32 to vector<16xf32>
      %add3A_246 = arith.addf %add3A_245, %exp3A : vector<16xf32>
      %div3A = arith.constant 1.000000e+00 : f32
      %div3A_247 = vector.broadcast %div3A : f32 to vector<16xf32>
      %div3A_248 = arith.divf %div3A_247, %add3A_246 : vector<16xf32>
      %mul3A_249 = arith.constant 16 : i32
      %mul3A_250 = arith.muli %scan3A_208, %mul3A_249 : i32
      %swap3A = arith.index_cast %mul3A_250 : i32 to index
      %swap3A_251 = tpu.vector_load %arg15[%swap3A] {strides = array<i32>} : memref<80xf32, #tpu.memory_space<vmem>>, vector<16xf32>,
      tpu.vector_store %arg15[%swap3A], %div3A_248 {strides = array<i32>} : memref<80xf32, #tpu.memory_space<vmem>>, vector<16xf32>,
      %scan3A_252 = arith.constant 0 : i32
      scf.yield %scan3A_252 : i32
    }
    %scan3A_64 = arith.constant 5 : i32
    %add3A_65 = arith.constant 0 : i32
    %add3A_66 = arith.addi %mul3A_2, %add3A_65 : i32
    %dma_start3A_67 = tpu.memref_slice %arg6[%add3A_66] : memref<320000xf32, #tpu.memory_space<hbm>> -> memref<80xf32, #tpu.memory_space<hbm>>
    %dma_start3A_68 = tpu.memref_slice %arg6[%add3A_66] : memref<320000xf32, #tpu.memory_space<hbm>> -> memref<80xf32, #tpu.memory_space<hbm>>
    tpu.enqueue_dma source(%arg15 : memref<80xf32, #tpu.memory_space<vmem>>) target(%dma_start3A_68 : memref<80xf32, #tpu.memory_space<hbm>>) target_semaphore(%arg26 : memref<!tpu.dma_semaphore, #tpu.memory_space<semaphore_mem>>)
    %dma_wait3A_69 = arith.constant 0 : i32
    %dma_wait3A_70 = tpu.memref_slice %arg4[%dma_wait3A_69] : memref<320000xi32, #tpu.memory_space<hbm>> -> memref<80xi32, #tpu.memory_space<hbm>>
    %dma_wait3A_71 = arith.constant 0 : i32
    %dma_wait3A_72 = tpu.memref_slice %arg4[%dma_wait3A_71] : memref<320000xi32, #tpu.memory_space<hbm>> -> memref<80xi32, #tpu.memory_space<hbm>>
    tpu.wait_dma2 semaphore(%arg18 : memref<!tpu.dma_semaphore, #tpu.memory_space<semaphore_mem>>) src(%dma_wait3A_72 : memref<80xi32, #tpu.memory_space<hbm>>) dst(%arg7 : memref<80xi32, #tpu.memory_space<vmem>>)
    %dma_wait3A_73 = arith.constant 0 : i32
    %dma_wait3A_74 = tpu.memref_slice %arg5[%dma_wait3A_73] : memref<320000xi32, #tpu.memory_space<hbm>> -> memref<80xi32, #tpu.memory_space<hbm>>
    %dma_wait3A_75 = arith.constant 0 : i32
    %dma_wait3A_76 = tpu.memref_slice %arg5[%dma_wait3A_75] : memref<320000xi32, #tpu.memory_space<hbm>> -> memref<80xi32, #tpu.memory_space<hbm>>
    tpu.wait_dma2 semaphore(%arg20 : memref<!tpu.dma_semaphore, #tpu.memory_space<semaphore_mem>>) src(%dma_wait3A_76 : memref<80xi32, #tpu.memory_space<hbm>>) dst(%arg9 : memref<80xi32, #tpu.memory_space<vmem>>)
    %dma_start3A_77 = arith.constant 0 : i32
    %dma_start3A_78 = arith.constant 0 : i32
    %dma_start3A_79 = tpu.memref_slice %arg17[%dma_start3A_77, %dma_start3A_78] : memref<10000x128xf32, #tpu.memory_space<vmem_shared>> -> memref<10000x128xf32, #tpu.memory_space<vmem_shared>>
    tpu.enqueue_indirect_dma source(%dma_start3A_79 : memref<10000x128xf32, #tpu.memory_space<vmem_shared>>) target(%arg11 : memref<80x128xf32, #tpu.memory_space<vmem>>) offsets(%arg7 : memref<80xi32, #tpu.memory_space<vmem>>) semaphore(%arg22 : memref<!tpu.dma_semaphore, #tpu.memory_space<semaphore_mem>>)
    %dma_start3A_80 = arith.constant 0 : i32
    %dma_start3A_81 = arith.constant 0 : i32
    %dma_start3A_82 = tpu.memref_slice %arg3[%dma_start3A_80, %dma_start3A_81] : memref<10000x128xf32, #tpu.memory_space<hbm>> -> memref<10000x128xf32, #tpu.memory_space<hbm>>
    tpu.enqueue_indirect_dma source(%dma_start3A_82 : memref<10000x128xf32, #tpu.memory_space<hbm>>) target(%arg13 : memref<80x128xf32, #tpu.memory_space<vmem>>) offsets(%arg9 : memref<80xi32, #tpu.memory_space<vmem>>) semaphore(%arg24 : memref<!tpu.dma_semaphore, #tpu.memory_space<semaphore_mem>>)
    %dma_wait3A_83 = arith.constant 0 : i32
    %dma_wait3A_84 = arith.constant 0 : i32
    %dma_wait3A_85 = tpu.memref_slice %arg17[%dma_wait3A_83, %dma_wait3A_84] : memref<10000x128xf32, #tpu.memory_space<vmem_shared>> -> memref<10000x128xf32, #tpu.memory_space<vmem_shared>>
    tpu.wait_indirect_dma semaphore(%arg23 : memref<!tpu.dma_semaphore, #tpu.memory_space<semaphore_mem>>) src(%dma_wait3A_85 : memref<10000x128xf32, #tpu.memory_space<vmem_shared>>) dst(%arg12 : memref<80x128xf32, #tpu.memory_space<vmem>>)
    %dma_wait3A_86 = arith.constant 0 : i32
    %dma_wait3A_87 = arith.constant 0 : i32
    %dma_wait3A_88 = tpu.memref_slice %arg3[%dma_wait3A_86, %dma_wait3A_87] : memref<10000x128xf32, #tpu.memory_space<hbm>> -> memref<10000x128xf32, #tpu.memory_space<hbm>>
    tpu.wait_indirect_dma semaphore(%arg25 : memref<!tpu.dma_semaphore, #tpu.memory_space<semaphore_mem>>) src(%dma_wait3A_88 : memref<10000x128xf32, #tpu.memory_space<hbm>>) dst(%arg14 : memref<80x128xf32, #tpu.memory_space<vmem>>)
    %add3A_89 = arith.constant 240 : i32
    %add3A_90 = arith.addi %mul3A_2, %add3A_89 : i32
    %dma_start3A_91 = tpu.memref_slice %arg4[%add3A_90] : memref<320000xi32, #tpu.memory_space<hbm>> -> memref<80xi32, #tpu.memory_space<hbm>>
    %dma_start3A_92 = tpu.memref_slice %arg4[%add3A_90] : memref<320000xi32, #tpu.memory_space<hbm>> -> memref<80xi32, #tpu.memory_space<hbm>>
    tpu.enqueue_dma source(%dma_start3A_92 : memref<80xi32, #tpu.memory_space<hbm>>) target(%arg8 : memref<80xi32, #tpu.memory_space<vmem>>) target_semaphore(%arg19 : memref<!tpu.dma_semaphore, #tpu.memory_space<semaphore_mem>>)
    %dma_start3A_93 = tpu.memref_slice %arg5[%add3A_90] : memref<320000xi32, #tpu.memory_space<hbm>> -> memref<80xi32, #tpu.memory_space<hbm>>
    %dma_start3A_94 = tpu.memref_slice %arg5[%add3A_90] : memref<320000xi32, #tpu.memory_space<hbm>> -> memref<80xi32, #tpu.memory_space<hbm>>
    tpu.enqueue_dma source(%dma_start3A_94 : memref<80xi32, #tpu.memory_space<hbm>>) target(%arg10 : memref<80xi32, #tpu.memory_space<vmem>>) target_semaphore(%arg21 : memref<!tpu.dma_semaphore, #tpu.memory_space<semaphore_mem>>)
    %scan3A_95 = arith.constant 0 : i32
    %scan3A_96 = arith.constant 0 : i32
    %scan3A_97 = arith.constant 5 : i32
    %scan3A_98 = arith.addi %scan3A_96, %scan3A_97 : i32
    %scan3A_99 = arith.constant 1 : i32
    %scan3A_100 = scf.for %scan3A_208 = %scan3A_96 to %scan3A_98 step %scan3A_99 iter_args(%scan3A_209 = %scan3A_95) -> (i32)  : i32 {
      %mul3A_210 = arith.constant 16 : i32
      %mul3A_211 = arith.muli %scan3A_208, %mul3A_210 : i32
      %add3A_212 = vector.broadcast %mul3A_211 : i32 to vector<16xi32>
      %add3A_213 = arith.addi %add3A_212, %iota3A : vector<16xi32>
      %add3A_214 = arith.constant 0 : i32
      %add3A_215 = vector.broadcast %add3A_214 : i32 to vector<16xi32>
      %add3A_216 = arith.addi %iota3A, %add3A_215 : vector<16xi32>
      %add3A_217 = arith.constant 1 : i32
      %add3A_218 = vector.broadcast %add3A_217 : i32 to vector<16xi32>
      %add3A_219 = arith.addi %iota3A, %add3A_218 : vector<16xi32>
      %add3A_220 = arith.constant 2 : i32
      %add3A_221 = vector.broadcast %add3A_220 : i32 to vector<16xi32>
      %add3A_222 = arith.addi %iota3A, %add3A_221 : vector<16xi32>
      %add3A_223 = arith.constant 3 : i32
      %add3A_224 = vector.broadcast %add3A_223 : i32 to vector<16xi32>
      %add3A_225 = arith.addi %iota3A, %add3A_224 : vector<16xi32>
      %broadcast_in_dim3A = arith.constant 0.000000e+00 : f32
      %broadcast_in_dim3A_226 = vector.broadcast %broadcast_in_dim3A : f32 to vector<16xf32>
      %broadcast_in_dim3A_227 = arith.constant 0.000000e+00 : f32
      %broadcast_in_dim3A_228 = vector.broadcast %broadcast_in_dim3A_227 : f32 to vector<16xf32>
      %broadcast_in_dim3A_229 = arith.constant 0.000000e+00 : f32
      %broadcast_in_dim3A_230 = vector.broadcast %broadcast_in_dim3A_229 : f32 to vector<16xf32>
      %broadcast_in_dim3A_231 = arith.constant 0.000000e+00 : f32
      %broadcast_in_dim3A_232 = vector.broadcast %broadcast_in_dim3A_231 : f32 to vector<16xf32>
      %scan3A_233 = arith.constant 0 : i32
      %scan3A_234 = arith.constant 8 : i32
      %scan3A_235 = arith.addi %scan3A_233, %scan3A_234 : i32
      %scan3A_236 = arith.constant 1 : i32
      %scan3A_237:8 = scf.for %scan3A_253 = %scan3A_233 to %scan3A_235 step %scan3A_236 iter_args(%scan3A_254 = %broadcast_in_dim3A_226, %scan3A_255 = %broadcast_in_dim3A_228, %scan3A_256 = %broadcast_in_dim3A_230, %scan3A_257 = %broadcast_in_dim3A_232, %scan3A_258 = %add3A_216, %scan3A_259 = %add3A_219, %scan3A_260 = %add3A_222, %scan3A_261 = %add3A_225) -> (vector<16xf32>, vector<16xf32>, vector<16xf32>, vector<16xf32>, vector<16xi32>, vector<16xi32>, vector<16xi32>, vector<16xi32>)  : i32 {
        %gather3A = tpu.vector_load_idx %arg12[%add3A_213, %scan3A_258] : memref<80x128xf32, #tpu.memory_space<vmem>>[vector<16xi32>, vector<16xi32>], vector<16xf32>,
        %gather3A_262 = tpu.vector_load_idx %arg14[%add3A_213, %scan3A_258] : memref<80x128xf32, #tpu.memory_space<vmem>>[vector<16xi32>, vector<16xi32>], vector<16xf32>,
        %mul3A_263 = arith.mulf %gather3A, %gather3A_262 : vector<16xf32>
        %add3A_264 = arith.addf %scan3A_254, %mul3A_263 : vector<16xf32>
        %add3A_265 = arith.constant 4 : i32
        %add3A_266 = vector.broadcast %add3A_265 : i32 to vector<16xi32>
        %add3A_267 = arith.addi %scan3A_258, %add3A_266 : vector<16xi32>
        %and3A = arith.constant 127 : i32
        %and3A_268 = vector.broadcast %and3A : i32 to vector<16xi32>
        %and3A_269 = arith.andi %add3A_267, %and3A_268 : vector<16xi32>
        %gather3A_270 = tpu.vector_load_idx %arg12[%add3A_213, %scan3A_259] : memref<80x128xf32, #tpu.memory_space<vmem>>[vector<16xi32>, vector<16xi32>], vector<16xf32>,
        %gather3A_271 = tpu.vector_load_idx %arg14[%add3A_213, %scan3A_259] : memref<80x128xf32, #tpu.memory_space<vmem>>[vector<16xi32>, vector<16xi32>], vector<16xf32>,
        %mul3A_272 = arith.mulf %gather3A_270, %gather3A_271 : vector<16xf32>
        %add3A_273 = arith.addf %scan3A_255, %mul3A_272 : vector<16xf32>
        %add3A_274 = arith.constant 4 : i32
        %add3A_275 = vector.broadcast %add3A_274 : i32 to vector<16xi32>
        %add3A_276 = arith.addi %scan3A_259, %add3A_275 : vector<16xi32>
        %and3A_277 = arith.constant 127 : i32
        %and3A_278 = vector.broadcast %and3A_277 : i32 to vector<16xi32>
        %and3A_279 = arith.andi %add3A_276, %and3A_278 : vector<16xi32>
        %gather3A_280 = tpu.vector_load_idx %arg12[%add3A_213, %scan3A_260] : memref<80x128xf32, #tpu.memory_space<vmem>>[vector<16xi32>, vector<16xi32>], vector<16xf32>,
        %gather3A_281 = tpu.vector_load_idx %arg14[%add3A_213, %scan3A_260] : memref<80x128xf32, #tpu.memory_space<vmem>>[vector<16xi32>, vector<16xi32>], vector<16xf32>,
        %mul3A_282 = arith.mulf %gather3A_280, %gather3A_281 : vector<16xf32>
        %add3A_283 = arith.addf %scan3A_256, %mul3A_282 : vector<16xf32>
        %add3A_284 = arith.constant 4 : i32
        %add3A_285 = vector.broadcast %add3A_284 : i32 to vector<16xi32>
        %add3A_286 = arith.addi %scan3A_260, %add3A_285 : vector<16xi32>
        %and3A_287 = arith.constant 127 : i32
        %and3A_288 = vector.broadcast %and3A_287 : i32 to vector<16xi32>
        %and3A_289 = arith.andi %add3A_286, %and3A_288 : vector<16xi32>
        %gather3A_290 = tpu.vector_load_idx %arg12[%add3A_213, %scan3A_261] : memref<80x128xf32, #tpu.memory_space<vmem>>[vector<16xi32>, vector<16xi32>], vector<16xf32>,
        %gather3A_291 = tpu.vector_load_idx %arg14[%add3A_213, %scan3A_261] : memref<80x128xf32, #tpu.memory_space<vmem>>[vector<16xi32>, vector<16xi32>], vector<16xf32>,
        %mul3A_292 = arith.mulf %gather3A_290, %gather3A_291 : vector<16xf32>
        %add3A_293 = arith.addf %scan3A_257, %mul3A_292 : vector<16xf32>
        %add3A_294 = arith.constant 4 : i32
        %add3A_295 = vector.broadcast %add3A_294 : i32 to vector<16xi32>
        %add3A_296 = arith.addi %scan3A_261, %add3A_295 : vector<16xi32>
        %and3A_297 = arith.constant 127 : i32
        %and3A_298 = vector.broadcast %and3A_297 : i32 to vector<16xi32>
        %and3A_299 = arith.andi %add3A_296, %and3A_298 : vector<16xi32>
        %gather3A_300 = tpu.vector_load_idx %arg12[%add3A_213, %and3A_269] : memref<80x128xf32, #tpu.memory_space<vmem>>[vector<16xi32>, vector<16xi32>], vector<16xf32>,
        %gather3A_301 = tpu.vector_load_idx %arg14[%add3A_213, %and3A_269] : memref<80x128xf32, #tpu.memory_space<vmem>>[vector<16xi32>, vector<16xi32>], vector<16xf32>,
        %mul3A_302 = arith.mulf %gather3A_300, %gather3A_301 : vector<16xf32>
        %add3A_303 = arith.addf %add3A_264, %mul3A_302 : vector<16xf32>
        %add3A_304 = arith.constant 4 : i32
        %add3A_305 = vector.broadcast %add3A_304 : i32 to vector<16xi32>
        %add3A_306 = arith.addi %and3A_269, %add3A_305 : vector<16xi32>
        %and3A_307 = arith.constant 127 : i32
        %and3A_308 = vector.broadcast %and3A_307 : i32 to vector<16xi32>
        %and3A_309 = arith.andi %add3A_306, %and3A_308 : vector<16xi32>
        %gather3A_310 = tpu.vector_load_idx %arg12[%add3A_213, %and3A_279] : memref<80x128xf32, #tpu.memory_space<vmem>>[vector<16xi32>, vector<16xi32>], vector<16xf32>,
        %gather3A_311 = tpu.vector_load_idx %arg14[%add3A_213, %and3A_279] : memref<80x128xf32, #tpu.memory_space<vmem>>[vector<16xi32>, vector<16xi32>], vector<16xf32>,
        %mul3A_312 = arith.mulf %gather3A_310, %gather3A_311 : vector<16xf32>
        %add3A_313 = arith.addf %add3A_273, %mul3A_312 : vector<16xf32>
        %add3A_314 = arith.constant 4 : i32
        %add3A_315 = vector.broadcast %add3A_314 : i32 to vector<16xi32>
        %add3A_316 = arith.addi %and3A_279, %add3A_315 : vector<16xi32>
        %and3A_317 = arith.constant 127 : i32
        %and3A_318 = vector.broadcast %and3A_317 : i32 to vector<16xi32>
        %and3A_319 = arith.andi %add3A_316, %and3A_318 : vector<16xi32>
        %gather3A_320 = tpu.vector_load_idx %arg12[%add3A_213, %and3A_289] : memref<80x128xf32, #tpu.memory_space<vmem>>[vector<16xi32>, vector<16xi32>], vector<16xf32>,
        %gather3A_321 = tpu.vector_load_idx %arg14[%add3A_213, %and3A_289] : memref<80x128xf32, #tpu.memory_space<vmem>>[vector<16xi32>, vector<16xi32>], vector<16xf32>,
        %mul3A_322 = arith.mulf %gather3A_320, %gather3A_321 : vector<16xf32>
        %add3A_323 = arith.addf %add3A_283, %mul3A_322 : vector<16xf32>
        %add3A_324 = arith.constant 4 : i32
        %add3A_325 = vector.broadcast %add3A_324 : i32 to vector<16xi32>
        %add3A_326 = arith.addi %and3A_289, %add3A_325 : vector<16xi32>
        %and3A_327 = arith.constant 127 : i32
        %and3A_328 = vector.broadcast %and3A_327 : i32 to vector<16xi32>
        %and3A_329 = arith.andi %add3A_326, %and3A_328 : vector<16xi32>
        %gather3A_330 = tpu.vector_load_idx %arg12[%add3A_213, %and3A_299] : memref<80x128xf32, #tpu.memory_space<vmem>>[vector<16xi32>, vector<16xi32>], vector<16xf32>,
        %gather3A_331 = tpu.vector_load_idx %arg14[%add3A_213, %and3A_299] : memref<80x128xf32, #tpu.memory_space<vmem>>[vector<16xi32>, vector<16xi32>], vector<16xf32>,
        %mul3A_332 = arith.mulf %gather3A_330, %gather3A_331 : vector<16xf32>
        %add3A_333 = arith.addf %add3A_293, %mul3A_332 : vector<16xf32>
        %add3A_334 = arith.constant 4 : i32
        %add3A_335 = vector.broadcast %add3A_334 : i32 to vector<16xi32>
        %add3A_336 = arith.addi %and3A_299, %add3A_335 : vector<16xi32>
        %and3A_337 = arith.constant 127 : i32
        %and3A_338 = vector.broadcast %and3A_337 : i32 to vector<16xi32>
        %and3A_339 = arith.andi %add3A_336, %and3A_338 : vector<16xi32>
        %gather3A_340 = tpu.vector_load_idx %arg12[%add3A_213, %and3A_309] : memref<80x128xf32, #tpu.memory_space<vmem>>[vector<16xi32>, vector<16xi32>], vector<16xf32>,
        %gather3A_341 = tpu.vector_load_idx %arg14[%add3A_213, %and3A_309] : memref<80x128xf32, #tpu.memory_space<vmem>>[vector<16xi32>, vector<16xi32>], vector<16xf32>,
        %mul3A_342 = arith.mulf %gather3A_340, %gather3A_341 : vector<16xf32>
        %add3A_343 = arith.addf %add3A_303, %mul3A_342 : vector<16xf32>
        %add3A_344 = arith.constant 4 : i32
        %add3A_345 = vector.broadcast %add3A_344 : i32 to vector<16xi32>
        %add3A_346 = arith.addi %and3A_309, %add3A_345 : vector<16xi32>
        %and3A_347 = arith.constant 127 : i32
        %and3A_348 = vector.broadcast %and3A_347 : i32 to vector<16xi32>
        %and3A_349 = arith.andi %add3A_346, %and3A_348 : vector<16xi32>
        %gather3A_350 = tpu.vector_load_idx %arg12[%add3A_213, %and3A_319] : memref<80x128xf32, #tpu.memory_space<vmem>>[vector<16xi32>, vector<16xi32>], vector<16xf32>,
        %gather3A_351 = tpu.vector_load_idx %arg14[%add3A_213, %and3A_319] : memref<80x128xf32, #tpu.memory_space<vmem>>[vector<16xi32>, vector<16xi32>], vector<16xf32>,
        %mul3A_352 = arith.mulf %gather3A_350, %gather3A_351 : vector<16xf32>
        %add3A_353 = arith.addf %add3A_313, %mul3A_352 : vector<16xf32>
        %add3A_354 = arith.constant 4 : i32
        %add3A_355 = vector.broadcast %add3A_354 : i32 to vector<16xi32>
        %add3A_356 = arith.addi %and3A_319, %add3A_355 : vector<16xi32>
        %and3A_357 = arith.constant 127 : i32
        %and3A_358 = vector.broadcast %and3A_357 : i32 to vector<16xi32>
        %and3A_359 = arith.andi %add3A_356, %and3A_358 : vector<16xi32>
        %gather3A_360 = tpu.vector_load_idx %arg12[%add3A_213, %and3A_329] : memref<80x128xf32, #tpu.memory_space<vmem>>[vector<16xi32>, vector<16xi32>], vector<16xf32>,
        %gather3A_361 = tpu.vector_load_idx %arg14[%add3A_213, %and3A_329] : memref<80x128xf32, #tpu.memory_space<vmem>>[vector<16xi32>, vector<16xi32>], vector<16xf32>,
        %mul3A_362 = arith.mulf %gather3A_360, %gather3A_361 : vector<16xf32>
        %add3A_363 = arith.addf %add3A_323, %mul3A_362 : vector<16xf32>
        %add3A_364 = arith.constant 4 : i32
        %add3A_365 = vector.broadcast %add3A_364 : i32 to vector<16xi32>
        %add3A_366 = arith.addi %and3A_329, %add3A_365 : vector<16xi32>
        %and3A_367 = arith.constant 127 : i32
        %and3A_368 = vector.broadcast %and3A_367 : i32 to vector<16xi32>
        %and3A_369 = arith.andi %add3A_366, %and3A_368 : vector<16xi32>
        %gather3A_370 = tpu.vector_load_idx %arg12[%add3A_213, %and3A_339] : memref<80x128xf32, #tpu.memory_space<vmem>>[vector<16xi32>, vector<16xi32>], vector<16xf32>,
        %gather3A_371 = tpu.vector_load_idx %arg14[%add3A_213, %and3A_339] : memref<80x128xf32, #tpu.memory_space<vmem>>[vector<16xi32>, vector<16xi32>], vector<16xf32>,
        %mul3A_372 = arith.mulf %gather3A_370, %gather3A_371 : vector<16xf32>
        %add3A_373 = arith.addf %add3A_333, %mul3A_372 : vector<16xf32>
        %add3A_374 = arith.constant 4 : i32
        %add3A_375 = vector.broadcast %add3A_374 : i32 to vector<16xi32>
        %add3A_376 = arith.addi %and3A_339, %add3A_375 : vector<16xi32>
        %and3A_377 = arith.constant 127 : i32
        %and3A_378 = vector.broadcast %and3A_377 : i32 to vector<16xi32>
        %and3A_379 = arith.andi %add3A_376, %and3A_378 : vector<16xi32>
        %gather3A_380 = tpu.vector_load_idx %arg12[%add3A_213, %and3A_349] : memref<80x128xf32, #tpu.memory_space<vmem>>[vector<16xi32>, vector<16xi32>], vector<16xf32>,
        %gather3A_381 = tpu.vector_load_idx %arg14[%add3A_213, %and3A_349] : memref<80x128xf32, #tpu.memory_space<vmem>>[vector<16xi32>, vector<16xi32>], vector<16xf32>,
        %mul3A_382 = arith.mulf %gather3A_380, %gather3A_381 : vector<16xf32>
        %add3A_383 = arith.addf %add3A_343, %mul3A_382 : vector<16xf32>
        %add3A_384 = arith.constant 4 : i32
        %add3A_385 = vector.broadcast %add3A_384 : i32 to vector<16xi32>
        %add3A_386 = arith.addi %and3A_349, %add3A_385 : vector<16xi32>
        %and3A_387 = arith.constant 127 : i32
        %and3A_388 = vector.broadcast %and3A_387 : i32 to vector<16xi32>
        %and3A_389 = arith.andi %add3A_386, %and3A_388 : vector<16xi32>
        %gather3A_390 = tpu.vector_load_idx %arg12[%add3A_213, %and3A_359] : memref<80x128xf32, #tpu.memory_space<vmem>>[vector<16xi32>, vector<16xi32>], vector<16xf32>,
        %gather3A_391 = tpu.vector_load_idx %arg14[%add3A_213, %and3A_359] : memref<80x128xf32, #tpu.memory_space<vmem>>[vector<16xi32>, vector<16xi32>], vector<16xf32>,
        %mul3A_392 = arith.mulf %gather3A_390, %gather3A_391 : vector<16xf32>
        %add3A_393 = arith.addf %add3A_353, %mul3A_392 : vector<16xf32>
        %add3A_394 = arith.constant 4 : i32
        %add3A_395 = vector.broadcast %add3A_394 : i32 to vector<16xi32>
        %add3A_396 = arith.addi %and3A_359, %add3A_395 : vector<16xi32>
        %and3A_397 = arith.constant 127 : i32
        %and3A_398 = vector.broadcast %and3A_397 : i32 to vector<16xi32>
        %and3A_399 = arith.andi %add3A_396, %and3A_398 : vector<16xi32>
        %gather3A_400 = tpu.vector_load_idx %arg12[%add3A_213, %and3A_369] : memref<80x128xf32, #tpu.memory_space<vmem>>[vector<16xi32>, vector<16xi32>], vector<16xf32>,
        %gather3A_401 = tpu.vector_load_idx %arg14[%add3A_213, %and3A_369] : memref<80x128xf32, #tpu.memory_space<vmem>>[vector<16xi32>, vector<16xi32>], vector<16xf32>,
        %mul3A_402 = arith.mulf %gather3A_400, %gather3A_401 : vector<16xf32>
        %add3A_403 = arith.addf %add3A_363, %mul3A_402 : vector<16xf32>
        %add3A_404 = arith.constant 4 : i32
        %add3A_405 = vector.broadcast %add3A_404 : i32 to vector<16xi32>
        %add3A_406 = arith.addi %and3A_369, %add3A_405 : vector<16xi32>
        %and3A_407 = arith.constant 127 : i32
        %and3A_408 = vector.broadcast %and3A_407 : i32 to vector<16xi32>
        %and3A_409 = arith.andi %add3A_406, %and3A_408 : vector<16xi32>
        %gather3A_410 = tpu.vector_load_idx %arg12[%add3A_213, %and3A_379] : memref<80x128xf32, #tpu.memory_space<vmem>>[vector<16xi32>, vector<16xi32>], vector<16xf32>,
        %gather3A_411 = tpu.vector_load_idx %arg14[%add3A_213, %and3A_379] : memref<80x128xf32, #tpu.memory_space<vmem>>[vector<16xi32>, vector<16xi32>], vector<16xf32>,
        %mul3A_412 = arith.mulf %gather3A_410, %gather3A_411 : vector<16xf32>
        %add3A_413 = arith.addf %add3A_373, %mul3A_412 : vector<16xf32>
        %add3A_414 = arith.constant 4 : i32
        %add3A_415 = vector.broadcast %add3A_414 : i32 to vector<16xi32>
        %add3A_416 = arith.addi %and3A_379, %add3A_415 : vector<16xi32>
        %and3A_417 = arith.constant 127 : i32
        %and3A_418 = vector.broadcast %and3A_417 : i32 to vector<16xi32>
        %and3A_419 = arith.andi %add3A_416, %and3A_418 : vector<16xi32>
        scf.yield %add3A_383, %add3A_393, %add3A_403, %add3A_413, %and3A_389, %and3A_399, %and3A_409, %and3A_419 : vector<16xf32>, vector<16xf32>, vector<16xf32>, vector<16xf32>, vector<16xi32>, vector<16xi32>, vector<16xi32>, vector<16xi32>
      }
      %scan3A_238 = arith.constant 8 : i32
      %add3A_239 = arith.addf %scan3A_237#0, %scan3A_237#1 : vector<16xf32>
      %add3A_240 = arith.addf %scan3A_237#2, %scan3A_237#3 : vector<16xf32>
      %add3A_241 = arith.addf %add3A_239, %add3A_240 : vector<16xf32>
      %neg3A = arith.constant 0.000000e+00 : f32
      %neg3A_242 = vector.broadcast %neg3A : f32 to vector<16xf32>
      %neg3A_243 = arith.subf %neg3A_242, %add3A_241 : vector<16xf32>
      %exp3A = math.exp %neg3A_243 : vector<16xf32>
      %add3A_244 = arith.constant 1.000000e+00 : f32
      %add3A_245 = vector.broadcast %add3A_244 : f32 to vector<16xf32>
      %add3A_246 = arith.addf %add3A_245, %exp3A : vector<16xf32>
      %div3A = arith.constant 1.000000e+00 : f32
      %div3A_247 = vector.broadcast %div3A : f32 to vector<16xf32>
      %div3A_248 = arith.divf %div3A_247, %add3A_246 : vector<16xf32>
      %mul3A_249 = arith.constant 16 : i32
      %mul3A_250 = arith.muli %scan3A_208, %mul3A_249 : i32
      %swap3A = arith.index_cast %mul3A_250 : i32 to index
      %swap3A_251 = tpu.vector_load %arg16[%swap3A] {strides = array<i32>} : memref<80xf32, #tpu.memory_space<vmem>>, vector<16xf32>,
      tpu.vector_store %arg16[%swap3A], %div3A_248 {strides = array<i32>} : memref<80xf32, #tpu.memory_space<vmem>>, vector<16xf32>,
      %scan3A_252 = arith.constant 0 : i32
      scf.yield %scan3A_252 : i32
    }
    %scan3A_101 = arith.constant 5 : i32
    %add3A_102 = arith.constant 80 : i32
    %add3A_103 = arith.addi %mul3A_2, %add3A_102 : i32
    %dma_start3A_104 = tpu.memref_slice %arg6[%add3A_103] : memref<320000xf32, #tpu.memory_space<hbm>> -> memref<80xf32, #tpu.memory_space<hbm>>
    %dma_start3A_105 = tpu.memref_slice %arg6[%add3A_103] : memref<320000xf32, #tpu.memory_space<hbm>> -> memref<80xf32, #tpu.memory_space<hbm>>
    tpu.enqueue_dma source(%arg16 : memref<80xf32, #tpu.memory_space<vmem>>) target(%dma_start3A_105 : memref<80xf32, #tpu.memory_space<hbm>>) target_semaphore(%arg27 : memref<!tpu.dma_semaphore, #tpu.memory_space<semaphore_mem>>)
    %scan3A_106 = arith.constant 0 : i32
    %scan3A_107 = arith.constant 1 : i32
    %scan3A_108 = arith.constant 60 : i32
    %scan3A_109 = arith.addi %scan3A_107, %scan3A_108 : i32
    %scan3A_110 = arith.constant 1 : i32
    %scan3A_111 = scf.for %scan3A_208 = %scan3A_107 to %scan3A_109 step %scan3A_110 iter_args(%scan3A_209 = %scan3A_106) -> (i32)  : i32 {
      %mul3A_210 = arith.constant 2 : i32
      %mul3A_211 = arith.muli %scan3A_208, %mul3A_210 : i32
      %dma_wait3A_212 = arith.constant 0 : i32
      %dma_wait3A_213 = tpu.memref_slice %arg4[%dma_wait3A_212] : memref<320000xi32, #tpu.memory_space<hbm>> -> memref<80xi32, #tpu.memory_space<hbm>>
      %dma_wait3A_214 = arith.constant 0 : i32
      %dma_wait3A_215 = tpu.memref_slice %arg4[%dma_wait3A_214] : memref<320000xi32, #tpu.memory_space<hbm>> -> memref<80xi32, #tpu.memory_space<hbm>>
      tpu.wait_dma2 semaphore(%arg19 : memref<!tpu.dma_semaphore, #tpu.memory_space<semaphore_mem>>) src(%dma_wait3A_215 : memref<80xi32, #tpu.memory_space<hbm>>) dst(%arg8 : memref<80xi32, #tpu.memory_space<vmem>>)
      %dma_wait3A_216 = arith.constant 0 : i32
      %dma_wait3A_217 = tpu.memref_slice %arg5[%dma_wait3A_216] : memref<320000xi32, #tpu.memory_space<hbm>> -> memref<80xi32, #tpu.memory_space<hbm>>
      %dma_wait3A_218 = arith.constant 0 : i32
      %dma_wait3A_219 = tpu.memref_slice %arg5[%dma_wait3A_218] : memref<320000xi32, #tpu.memory_space<hbm>> -> memref<80xi32, #tpu.memory_space<hbm>>
      tpu.wait_dma2 semaphore(%arg21 : memref<!tpu.dma_semaphore, #tpu.memory_space<semaphore_mem>>) src(%dma_wait3A_219 : memref<80xi32, #tpu.memory_space<hbm>>) dst(%arg10 : memref<80xi32, #tpu.memory_space<vmem>>)
      %dma_start3A_220 = arith.constant 0 : i32
      %dma_start3A_221 = arith.constant 0 : i32
      %dma_start3A_222 = tpu.memref_slice %arg17[%dma_start3A_220, %dma_start3A_221] : memref<10000x128xf32, #tpu.memory_space<vmem_shared>> -> memref<10000x128xf32, #tpu.memory_space<vmem_shared>>
      tpu.enqueue_indirect_dma source(%dma_start3A_222 : memref<10000x128xf32, #tpu.memory_space<vmem_shared>>) target(%arg12 : memref<80x128xf32, #tpu.memory_space<vmem>>) offsets(%arg8 : memref<80xi32, #tpu.memory_space<vmem>>) semaphore(%arg23 : memref<!tpu.dma_semaphore, #tpu.memory_space<semaphore_mem>>)
      %dma_start3A_223 = arith.constant 0 : i32
      %dma_start3A_224 = arith.constant 0 : i32
      %dma_start3A_225 = tpu.memref_slice %arg3[%dma_start3A_223, %dma_start3A_224] : memref<10000x128xf32, #tpu.memory_space<hbm>> -> memref<10000x128xf32, #tpu.memory_space<hbm>>
      tpu.enqueue_indirect_dma source(%dma_start3A_225 : memref<10000x128xf32, #tpu.memory_space<hbm>>) target(%arg14 : memref<80x128xf32, #tpu.memory_space<vmem>>) offsets(%arg10 : memref<80xi32, #tpu.memory_space<vmem>>) semaphore(%arg25 : memref<!tpu.dma_semaphore, #tpu.memory_space<semaphore_mem>>)
      %dma_wait3A_226 = arith.constant 0 : i32
      %dma_wait3A_227 = arith.constant 0 : i32
      %dma_wait3A_228 = tpu.memref_slice %arg17[%dma_wait3A_226, %dma_wait3A_227] : memref<10000x128xf32, #tpu.memory_space<vmem_shared>> -> memref<10000x128xf32, #tpu.memory_space<vmem_shared>>
      tpu.wait_indirect_dma semaphore(%arg22 : memref<!tpu.dma_semaphore, #tpu.memory_space<semaphore_mem>>) src(%dma_wait3A_228 : memref<10000x128xf32, #tpu.memory_space<vmem_shared>>) dst(%arg11 : memref<80x128xf32, #tpu.memory_space<vmem>>)
      %dma_wait3A_229 = arith.constant 0 : i32
      %dma_wait3A_230 = arith.constant 0 : i32
      %dma_wait3A_231 = tpu.memref_slice %arg3[%dma_wait3A_229, %dma_wait3A_230] : memref<10000x128xf32, #tpu.memory_space<hbm>> -> memref<10000x128xf32, #tpu.memory_space<hbm>>
      tpu.wait_indirect_dma semaphore(%arg24 : memref<!tpu.dma_semaphore, #tpu.memory_space<semaphore_mem>>) src(%dma_wait3A_231 : memref<10000x128xf32, #tpu.memory_space<hbm>>) dst(%arg13 : memref<80x128xf32, #tpu.memory_space<vmem>>)
      %add3A_232 = arith.constant 2 : i32
      %add3A_233 = arith.addi %mul3A_211, %add3A_232 : i32
      %mul3A_234 = arith.constant 80 : i32
      %mul3A_235 = arith.muli %add3A_233, %mul3A_234 : i32
      %add3A_236 = arith.addi %mul3A_2, %mul3A_235 : i32
      %dma_start3A_237 = tpu.memref_slice %arg4[%add3A_236] : memref<320000xi32, #tpu.memory_space<hbm>> -> memref<80xi32, #tpu.memory_space<hbm>>
      %dma_start3A_238 = tpu.memref_slice %arg4[%add3A_236] : memref<320000xi32, #tpu.memory_space<hbm>> -> memref<80xi32, #tpu.memory_space<hbm>>
      tpu.enqueue_dma source(%dma_start3A_238 : memref<80xi32, #tpu.memory_space<hbm>>) target(%arg7 : memref<80xi32, #tpu.memory_space<vmem>>) target_semaphore(%arg18 : memref<!tpu.dma_semaphore, #tpu.memory_space<semaphore_mem>>)
      %dma_start3A_239 = tpu.memref_slice %arg5[%add3A_236] : memref<320000xi32, #tpu.memory_space<hbm>> -> memref<80xi32, #tpu.memory_space<hbm>>
      %dma_start3A_240 = tpu.memref_slice %arg5[%add3A_236] : memref<320000xi32, #tpu.memory_space<hbm>> -> memref<80xi32, #tpu.memory_space<hbm>>
      tpu.enqueue_dma source(%dma_start3A_240 : memref<80xi32, #tpu.memory_space<hbm>>) target(%arg9 : memref<80xi32, #tpu.memory_space<vmem>>) target_semaphore(%arg20 : memref<!tpu.dma_semaphore, #tpu.memory_space<semaphore_mem>>)
      %dma_wait3A_241 = tpu.memref_slice %arg6[%mul3A_2] : memref<320000xf32, #tpu.memory_space<hbm>> -> memref<80xf32, #tpu.memory_space<hbm>>
      %dma_wait3A_242 = tpu.memref_slice %arg6[%mul3A_2] : memref<320000xf32, #tpu.memory_space<hbm>> -> memref<80xf32, #tpu.memory_space<hbm>>
      tpu.wait_dma2 semaphore(%arg26 : memref<!tpu.dma_semaphore, #tpu.memory_space<semaphore_mem>>) src(%arg15 : memref<80xf32, #tpu.memory_space<vmem>>) dst(%dma_wait3A_242 : memref<80xf32, #tpu.memory_space<hbm>>)
      %scan3A_243 = arith.constant 0 : i32
      %scan3A_244 = arith.constant 0 : i32
      %scan3A_245 = arith.constant 5 : i32
      %scan3A_246 = arith.addi %scan3A_244, %scan3A_245 : i32
      %scan3A_247 = arith.constant 1 : i32
      %scan3A_248 = scf.for %scan3A_301 = %scan3A_244 to %scan3A_246 step %scan3A_247 iter_args(%scan3A_302 = %scan3A_243) -> (i32)  : i32 {
        %mul3A_303 = arith.constant 16 : i32
        %mul3A_304 = arith.muli %scan3A_301, %mul3A_303 : i32
        %add3A_305 = vector.broadcast %mul3A_304 : i32 to vector<16xi32>
        %add3A_306 = arith.addi %add3A_305, %iota3A : vector<16xi32>
        %add3A_307 = arith.constant 0 : i32
        %add3A_308 = vector.broadcast %add3A_307 : i32 to vector<16xi32>
        %add3A_309 = arith.addi %iota3A, %add3A_308 : vector<16xi32>
        %add3A_310 = arith.constant 1 : i32
        %add3A_311 = vector.broadcast %add3A_310 : i32 to vector<16xi32>
        %add3A_312 = arith.addi %iota3A, %add3A_311 : vector<16xi32>
        %add3A_313 = arith.constant 2 : i32
        %add3A_314 = vector.broadcast %add3A_313 : i32 to vector<16xi32>
        %add3A_315 = arith.addi %iota3A, %add3A_314 : vector<16xi32>
        %add3A_316 = arith.constant 3 : i32
        %add3A_317 = vector.broadcast %add3A_316 : i32 to vector<16xi32>
        %add3A_318 = arith.addi %iota3A, %add3A_317 : vector<16xi32>
        %broadcast_in_dim3A = arith.constant 0.000000e+00 : f32
        %broadcast_in_dim3A_319 = vector.broadcast %broadcast_in_dim3A : f32 to vector<16xf32>
        %broadcast_in_dim3A_320 = arith.constant 0.000000e+00 : f32
        %broadcast_in_dim3A_321 = vector.broadcast %broadcast_in_dim3A_320 : f32 to vector<16xf32>
        %broadcast_in_dim3A_322 = arith.constant 0.000000e+00 : f32
        %broadcast_in_dim3A_323 = vector.broadcast %broadcast_in_dim3A_322 : f32 to vector<16xf32>
        %broadcast_in_dim3A_324 = arith.constant 0.000000e+00 : f32
        %broadcast_in_dim3A_325 = vector.broadcast %broadcast_in_dim3A_324 : f32 to vector<16xf32>
        %scan3A_326 = arith.constant 0 : i32
        %scan3A_327 = arith.constant 8 : i32
        %scan3A_328 = arith.addi %scan3A_326, %scan3A_327 : i32
        %scan3A_329 = arith.constant 1 : i32
        %scan3A_330:8 = scf.for %scan3A_346 = %scan3A_326 to %scan3A_328 step %scan3A_329 iter_args(%scan3A_347 = %broadcast_in_dim3A_319, %scan3A_348 = %broadcast_in_dim3A_321, %scan3A_349 = %broadcast_in_dim3A_323, %scan3A_350 = %broadcast_in_dim3A_325, %scan3A_351 = %add3A_309, %scan3A_352 = %add3A_312, %scan3A_353 = %add3A_315, %scan3A_354 = %add3A_318) -> (vector<16xf32>, vector<16xf32>, vector<16xf32>, vector<16xf32>, vector<16xi32>, vector<16xi32>, vector<16xi32>, vector<16xi32>)  : i32 {
          %gather3A = tpu.vector_load_idx %arg11[%add3A_306, %scan3A_351] : memref<80x128xf32, #tpu.memory_space<vmem>>[vector<16xi32>, vector<16xi32>], vector<16xf32>,
          %gather3A_355 = tpu.vector_load_idx %arg13[%add3A_306, %scan3A_351] : memref<80x128xf32, #tpu.memory_space<vmem>>[vector<16xi32>, vector<16xi32>], vector<16xf32>,
          %mul3A_356 = arith.mulf %gather3A, %gather3A_355 : vector<16xf32>
          %add3A_357 = arith.addf %scan3A_347, %mul3A_356 : vector<16xf32>
          %add3A_358 = arith.constant 4 : i32
          %add3A_359 = vector.broadcast %add3A_358 : i32 to vector<16xi32>
          %add3A_360 = arith.addi %scan3A_351, %add3A_359 : vector<16xi32>
          %and3A = arith.constant 127 : i32
          %and3A_361 = vector.broadcast %and3A : i32 to vector<16xi32>
          %and3A_362 = arith.andi %add3A_360, %and3A_361 : vector<16xi32>
          %gather3A_363 = tpu.vector_load_idx %arg11[%add3A_306, %scan3A_352] : memref<80x128xf32, #tpu.memory_space<vmem>>[vector<16xi32>, vector<16xi32>], vector<16xf32>,
          %gather3A_364 = tpu.vector_load_idx %arg13[%add3A_306, %scan3A_352] : memref<80x128xf32, #tpu.memory_space<vmem>>[vector<16xi32>, vector<16xi32>], vector<16xf32>,
          %mul3A_365 = arith.mulf %gather3A_363, %gather3A_364 : vector<16xf32>
          %add3A_366 = arith.addf %scan3A_348, %mul3A_365 : vector<16xf32>
          %add3A_367 = arith.constant 4 : i32
          %add3A_368 = vector.broadcast %add3A_367 : i32 to vector<16xi32>
          %add3A_369 = arith.addi %scan3A_352, %add3A_368 : vector<16xi32>
          %and3A_370 = arith.constant 127 : i32
          %and3A_371 = vector.broadcast %and3A_370 : i32 to vector<16xi32>
          %and3A_372 = arith.andi %add3A_369, %and3A_371 : vector<16xi32>
          %gather3A_373 = tpu.vector_load_idx %arg11[%add3A_306, %scan3A_353] : memref<80x128xf32, #tpu.memory_space<vmem>>[vector<16xi32>, vector<16xi32>], vector<16xf32>,
          %gather3A_374 = tpu.vector_load_idx %arg13[%add3A_306, %scan3A_353] : memref<80x128xf32, #tpu.memory_space<vmem>>[vector<16xi32>, vector<16xi32>], vector<16xf32>,
          %mul3A_375 = arith.mulf %gather3A_373, %gather3A_374 : vector<16xf32>
          %add3A_376 = arith.addf %scan3A_349, %mul3A_375 : vector<16xf32>
          %add3A_377 = arith.constant 4 : i32
          %add3A_378 = vector.broadcast %add3A_377 : i32 to vector<16xi32>
          %add3A_379 = arith.addi %scan3A_353, %add3A_378 : vector<16xi32>
          %and3A_380 = arith.constant 127 : i32
          %and3A_381 = vector.broadcast %and3A_380 : i32 to vector<16xi32>
          %and3A_382 = arith.andi %add3A_379, %and3A_381 : vector<16xi32>
          %gather3A_383 = tpu.vector_load_idx %arg11[%add3A_306, %scan3A_354] : memref<80x128xf32, #tpu.memory_space<vmem>>[vector<16xi32>, vector<16xi32>], vector<16xf32>,
          %gather3A_384 = tpu.vector_load_idx %arg13[%add3A_306, %scan3A_354] : memref<80x128xf32, #tpu.memory_space<vmem>>[vector<16xi32>, vector<16xi32>], vector<16xf32>,
          %mul3A_385 = arith.mulf %gather3A_383, %gather3A_384 : vector<16xf32>
          %add3A_386 = arith.addf %scan3A_350, %mul3A_385 : vector<16xf32>
          %add3A_387 = arith.constant 4 : i32
          %add3A_388 = vector.broadcast %add3A_387 : i32 to vector<16xi32>
          %add3A_389 = arith.addi %scan3A_354, %add3A_388 : vector<16xi32>
          %and3A_390 = arith.constant 127 : i32
          %and3A_391 = vector.broadcast %and3A_390 : i32 to vector<16xi32>
          %and3A_392 = arith.andi %add3A_389, %and3A_391 : vector<16xi32>
          %gather3A_393 = tpu.vector_load_idx %arg11[%add3A_306, %and3A_362] : memref<80x128xf32, #tpu.memory_space<vmem>>[vector<16xi32>, vector<16xi32>], vector<16xf32>,
          %gather3A_394 = tpu.vector_load_idx %arg13[%add3A_306, %and3A_362] : memref<80x128xf32, #tpu.memory_space<vmem>>[vector<16xi32>, vector<16xi32>], vector<16xf32>,
          %mul3A_395 = arith.mulf %gather3A_393, %gather3A_394 : vector<16xf32>
          %add3A_396 = arith.addf %add3A_357, %mul3A_395 : vector<16xf32>
          %add3A_397 = arith.constant 4 : i32
          %add3A_398 = vector.broadcast %add3A_397 : i32 to vector<16xi32>
          %add3A_399 = arith.addi %and3A_362, %add3A_398 : vector<16xi32>
          %and3A_400 = arith.constant 127 : i32
          %and3A_401 = vector.broadcast %and3A_400 : i32 to vector<16xi32>
          %and3A_402 = arith.andi %add3A_399, %and3A_401 : vector<16xi32>
          %gather3A_403 = tpu.vector_load_idx %arg11[%add3A_306, %and3A_372] : memref<80x128xf32, #tpu.memory_space<vmem>>[vector<16xi32>, vector<16xi32>], vector<16xf32>,
          %gather3A_404 = tpu.vector_load_idx %arg13[%add3A_306, %and3A_372] : memref<80x128xf32, #tpu.memory_space<vmem>>[vector<16xi32>, vector<16xi32>], vector<16xf32>,
          %mul3A_405 = arith.mulf %gather3A_403, %gather3A_404 : vector<16xf32>
          %add3A_406 = arith.addf %add3A_366, %mul3A_405 : vector<16xf32>
          %add3A_407 = arith.constant 4 : i32
          %add3A_408 = vector.broadcast %add3A_407 : i32 to vector<16xi32>
          %add3A_409 = arith.addi %and3A_372, %add3A_408 : vector<16xi32>
          %and3A_410 = arith.constant 127 : i32
          %and3A_411 = vector.broadcast %and3A_410 : i32 to vector<16xi32>
          %and3A_412 = arith.andi %add3A_409, %and3A_411 : vector<16xi32>
          %gather3A_413 = tpu.vector_load_idx %arg11[%add3A_306, %and3A_382] : memref<80x128xf32, #tpu.memory_space<vmem>>[vector<16xi32>, vector<16xi32>], vector<16xf32>,
          %gather3A_414 = tpu.vector_load_idx %arg13[%add3A_306, %and3A_382] : memref<80x128xf32, #tpu.memory_space<vmem>>[vector<16xi32>, vector<16xi32>], vector<16xf32>,
          %mul3A_415 = arith.mulf %gather3A_413, %gather3A_414 : vector<16xf32>
          %add3A_416 = arith.addf %add3A_376, %mul3A_415 : vector<16xf32>
          %add3A_417 = arith.constant 4 : i32
          %add3A_418 = vector.broadcast %add3A_417 : i32 to vector<16xi32>
          %add3A_419 = arith.addi %and3A_382, %add3A_418 : vector<16xi32>
          %and3A_420 = arith.constant 127 : i32
          %and3A_421 = vector.broadcast %and3A_420 : i32 to vector<16xi32>
          %and3A_422 = arith.andi %add3A_419, %and3A_421 : vector<16xi32>
          %gather3A_423 = tpu.vector_load_idx %arg11[%add3A_306, %and3A_392] : memref<80x128xf32, #tpu.memory_space<vmem>>[vector<16xi32>, vector<16xi32>], vector<16xf32>,
          %gather3A_424 = tpu.vector_load_idx %arg13[%add3A_306, %and3A_392] : memref<80x128xf32, #tpu.memory_space<vmem>>[vector<16xi32>, vector<16xi32>], vector<16xf32>,
          %mul3A_425 = arith.mulf %gather3A_423, %gather3A_424 : vector<16xf32>
          %add3A_426 = arith.addf %add3A_386, %mul3A_425 : vector<16xf32>
          %add3A_427 = arith.constant 4 : i32
          %add3A_428 = vector.broadcast %add3A_427 : i32 to vector<16xi32>
          %add3A_429 = arith.addi %and3A_392, %add3A_428 : vector<16xi32>
          %and3A_430 = arith.constant 127 : i32
          %and3A_431 = vector.broadcast %and3A_430 : i32 to vector<16xi32>
          %and3A_432 = arith.andi %add3A_429, %and3A_431 : vector<16xi32>
          %gather3A_433 = tpu.vector_load_idx %arg11[%add3A_306, %and3A_402] : memref<80x128xf32, #tpu.memory_space<vmem>>[vector<16xi32>, vector<16xi32>], vector<16xf32>,
          %gather3A_434 = tpu.vector_load_idx %arg13[%add3A_306, %and3A_402] : memref<80x128xf32, #tpu.memory_space<vmem>>[vector<16xi32>, vector<16xi32>], vector<16xf32>,
          %mul3A_435 = arith.mulf %gather3A_433, %gather3A_434 : vector<16xf32>
          %add3A_436 = arith.addf %add3A_396, %mul3A_435 : vector<16xf32>
          %add3A_437 = arith.constant 4 : i32
          %add3A_438 = vector.broadcast %add3A_437 : i32 to vector<16xi32>
          %add3A_439 = arith.addi %and3A_402, %add3A_438 : vector<16xi32>
          %and3A_440 = arith.constant 127 : i32
          %and3A_441 = vector.broadcast %and3A_440 : i32 to vector<16xi32>
          %and3A_442 = arith.andi %add3A_439, %and3A_441 : vector<16xi32>
          %gather3A_443 = tpu.vector_load_idx %arg11[%add3A_306, %and3A_412] : memref<80x128xf32, #tpu.memory_space<vmem>>[vector<16xi32>, vector<16xi32>], vector<16xf32>,
          %gather3A_444 = tpu.vector_load_idx %arg13[%add3A_306, %and3A_412] : memref<80x128xf32, #tpu.memory_space<vmem>>[vector<16xi32>, vector<16xi32>], vector<16xf32>,
          %mul3A_445 = arith.mulf %gather3A_443, %gather3A_444 : vector<16xf32>
          %add3A_446 = arith.addf %add3A_406, %mul3A_445 : vector<16xf32>
          %add3A_447 = arith.constant 4 : i32
          %add3A_448 = vector.broadcast %add3A_447 : i32 to vector<16xi32>
          %add3A_449 = arith.addi %and3A_412, %add3A_448 : vector<16xi32>
          %and3A_450 = arith.constant 127 : i32
          %and3A_451 = vector.broadcast %and3A_450 : i32 to vector<16xi32>
          %and3A_452 = arith.andi %add3A_449, %and3A_451 : vector<16xi32>
          %gather3A_453 = tpu.vector_load_idx %arg11[%add3A_306, %and3A_422] : memref<80x128xf32, #tpu.memory_space<vmem>>[vector<16xi32>, vector<16xi32>], vector<16xf32>,
          %gather3A_454 = tpu.vector_load_idx %arg13[%add3A_306, %and3A_422] : memref<80x128xf32, #tpu.memory_space<vmem>>[vector<16xi32>, vector<16xi32>], vector<16xf32>,
          %mul3A_455 = arith.mulf %gather3A_453, %gather3A_454 : vector<16xf32>
          %add3A_456 = arith.addf %add3A_416, %mul3A_455 : vector<16xf32>
          %add3A_457 = arith.constant 4 : i32
          %add3A_458 = vector.broadcast %add3A_457 : i32 to vector<16xi32>
          %add3A_459 = arith.addi %and3A_422, %add3A_458 : vector<16xi32>
          %and3A_460 = arith.constant 127 : i32
          %and3A_461 = vector.broadcast %and3A_460 : i32 to vector<16xi32>
          %and3A_462 = arith.andi %add3A_459, %and3A_461 : vector<16xi32>
          %gather3A_463 = tpu.vector_load_idx %arg11[%add3A_306, %and3A_432] : memref<80x128xf32, #tpu.memory_space<vmem>>[vector<16xi32>, vector<16xi32>], vector<16xf32>,
          %gather3A_464 = tpu.vector_load_idx %arg13[%add3A_306, %and3A_432] : memref<80x128xf32, #tpu.memory_space<vmem>>[vector<16xi32>, vector<16xi32>], vector<16xf32>,
          %mul3A_465 = arith.mulf %gather3A_463, %gather3A_464 : vector<16xf32>
          %add3A_466 = arith.addf %add3A_426, %mul3A_465 : vector<16xf32>
          %add3A_467 = arith.constant 4 : i32
          %add3A_468 = vector.broadcast %add3A_467 : i32 to vector<16xi32>
          %add3A_469 = arith.addi %and3A_432, %add3A_468 : vector<16xi32>
          %and3A_470 = arith.constant 127 : i32
          %and3A_471 = vector.broadcast %and3A_470 : i32 to vector<16xi32>
          %and3A_472 = arith.andi %add3A_469, %and3A_471 : vector<16xi32>
          %gather3A_473 = tpu.vector_load_idx %arg11[%add3A_306, %and3A_442] : memref<80x128xf32, #tpu.memory_space<vmem>>[vector<16xi32>, vector<16xi32>], vector<16xf32>,
          %gather3A_474 = tpu.vector_load_idx %arg13[%add3A_306, %and3A_442] : memref<80x128xf32, #tpu.memory_space<vmem>>[vector<16xi32>, vector<16xi32>], vector<16xf32>,
          %mul3A_475 = arith.mulf %gather3A_473, %gather3A_474 : vector<16xf32>
          %add3A_476 = arith.addf %add3A_436, %mul3A_475 : vector<16xf32>
          %add3A_477 = arith.constant 4 : i32
          %add3A_478 = vector.broadcast %add3A_477 : i32 to vector<16xi32>
          %add3A_479 = arith.addi %and3A_442, %add3A_478 : vector<16xi32>
          %and3A_480 = arith.constant 127 : i32
          %and3A_481 = vector.broadcast %and3A_480 : i32 to vector<16xi32>
          %and3A_482 = arith.andi %add3A_479, %and3A_481 : vector<16xi32>
          %gather3A_483 = tpu.vector_load_idx %arg11[%add3A_306, %and3A_452] : memref<80x128xf32, #tpu.memory_space<vmem>>[vector<16xi32>, vector<16xi32>], vector<16xf32>,
          %gather3A_484 = tpu.vector_load_idx %arg13[%add3A_306, %and3A_452] : memref<80x128xf32, #tpu.memory_space<vmem>>[vector<16xi32>, vector<16xi32>], vector<16xf32>,
          %mul3A_485 = arith.mulf %gather3A_483, %gather3A_484 : vector<16xf32>
          %add3A_486 = arith.addf %add3A_446, %mul3A_485 : vector<16xf32>
          %add3A_487 = arith.constant 4 : i32
          %add3A_488 = vector.broadcast %add3A_487 : i32 to vector<16xi32>
          %add3A_489 = arith.addi %and3A_452, %add3A_488 : vector<16xi32>
          %and3A_490 = arith.constant 127 : i32
          %and3A_491 = vector.broadcast %and3A_490 : i32 to vector<16xi32>
          %and3A_492 = arith.andi %add3A_489, %and3A_491 : vector<16xi32>
          %gather3A_493 = tpu.vector_load_idx %arg11[%add3A_306, %and3A_462] : memref<80x128xf32, #tpu.memory_space<vmem>>[vector<16xi32>, vector<16xi32>], vector<16xf32>,
          %gather3A_494 = tpu.vector_load_idx %arg13[%add3A_306, %and3A_462] : memref<80x128xf32, #tpu.memory_space<vmem>>[vector<16xi32>, vector<16xi32>], vector<16xf32>,
          %mul3A_495 = arith.mulf %gather3A_493, %gather3A_494 : vector<16xf32>
          %add3A_496 = arith.addf %add3A_456, %mul3A_495 : vector<16xf32>
          %add3A_497 = arith.constant 4 : i32
          %add3A_498 = vector.broadcast %add3A_497 : i32 to vector<16xi32>
          %add3A_499 = arith.addi %and3A_462, %add3A_498 : vector<16xi32>
          %and3A_500 = arith.constant 127 : i32
          %and3A_501 = vector.broadcast %and3A_500 : i32 to vector<16xi32>
          %and3A_502 = arith.andi %add3A_499, %and3A_501 : vector<16xi32>
          %gather3A_503 = tpu.vector_load_idx %arg11[%add3A_306, %and3A_472] : memref<80x128xf32, #tpu.memory_space<vmem>>[vector<16xi32>, vector<16xi32>], vector<16xf32>,
          %gather3A_504 = tpu.vector_load_idx %arg13[%add3A_306, %and3A_472] : memref<80x128xf32, #tpu.memory_space<vmem>>[vector<16xi32>, vector<16xi32>], vector<16xf32>,
          %mul3A_505 = arith.mulf %gather3A_503, %gather3A_504 : vector<16xf32>
          %add3A_506 = arith.addf %add3A_466, %mul3A_505 : vector<16xf32>
          %add3A_507 = arith.constant 4 : i32
          %add3A_508 = vector.broadcast %add3A_507 : i32 to vector<16xi32>
          %add3A_509 = arith.addi %and3A_472, %add3A_508 : vector<16xi32>
          %and3A_510 = arith.constant 127 : i32
          %and3A_511 = vector.broadcast %and3A_510 : i32 to vector<16xi32>
          %and3A_512 = arith.andi %add3A_509, %and3A_511 : vector<16xi32>
          scf.yield %add3A_476, %add3A_486, %add3A_496, %add3A_506, %and3A_482, %and3A_492, %and3A_502, %and3A_512 : vector<16xf32>, vector<16xf32>, vector<16xf32>, vector<16xf32>, vector<16xi32>, vector<16xi32>, vector<16xi32>, vector<16xi32>
        }
        %scan3A_331 = arith.constant 8 : i32
        %add3A_332 = arith.addf %scan3A_330#0, %scan3A_330#1 : vector<16xf32>
        %add3A_333 = arith.addf %scan3A_330#2, %scan3A_330#3 : vector<16xf32>
        %add3A_334 = arith.addf %add3A_332, %add3A_333 : vector<16xf32>
        %neg3A = arith.constant 0.000000e+00 : f32
        %neg3A_335 = vector.broadcast %neg3A : f32 to vector<16xf32>
        %neg3A_336 = arith.subf %neg3A_335, %add3A_334 : vector<16xf32>
        %exp3A = math.exp %neg3A_336 : vector<16xf32>
        %add3A_337 = arith.constant 1.000000e+00 : f32
        %add3A_338 = vector.broadcast %add3A_337 : f32 to vector<16xf32>
        %add3A_339 = arith.addf %add3A_338, %exp3A : vector<16xf32>
        %div3A = arith.constant 1.000000e+00 : f32
        %div3A_340 = vector.broadcast %div3A : f32 to vector<16xf32>
        %div3A_341 = arith.divf %div3A_340, %add3A_339 : vector<16xf32>
        %mul3A_342 = arith.constant 16 : i32
        %mul3A_343 = arith.muli %scan3A_301, %mul3A_342 : i32
        %swap3A = arith.index_cast %mul3A_343 : i32 to index
        %swap3A_344 = tpu.vector_load %arg15[%swap3A] {strides = array<i32>} : memref<80xf32, #tpu.memory_space<vmem>>, vector<16xf32>,
        tpu.vector_store %arg15[%swap3A], %div3A_341 {strides = array<i32>} : memref<80xf32, #tpu.memory_space<vmem>>, vector<16xf32>,
        %scan3A_345 = arith.constant 0 : i32
        scf.yield %scan3A_345 : i32
      }
      %scan3A_249 = arith.constant 5 : i32
      %mul3A_250 = arith.constant 80 : i32
      %mul3A_251 = arith.muli %mul3A_211, %mul3A_250 : i32
      %add3A_252 = arith.addi %mul3A_2, %mul3A_251 : i32
      %dma_start3A_253 = tpu.memref_slice %arg6[%add3A_252] : memref<320000xf32, #tpu.memory_space<hbm>> -> memref<80xf32, #tpu.memory_space<hbm>>
      %dma_start3A_254 = tpu.memref_slice %arg6[%add3A_252] : memref<320000xf32, #tpu.memory_space<hbm>> -> memref<80xf32, #tpu.memory_space<hbm>>
      tpu.enqueue_dma source(%arg15 : memref<80xf32, #tpu.memory_space<vmem>>) target(%dma_start3A_254 : memref<80xf32, #tpu.memory_space<hbm>>) target_semaphore(%arg26 : memref<!tpu.dma_semaphore, #tpu.memory_space<semaphore_mem>>)
      %add3A_255 = arith.constant 1 : i32
      %add3A_256 = arith.addi %mul3A_211, %add3A_255 : i32
      %dma_wait3A_257 = arith.constant 0 : i32
      %dma_wait3A_258 = tpu.memref_slice %arg4[%dma_wait3A_257] : memref<320000xi32, #tpu.memory_space<hbm>> -> memref<80xi32, #tpu.memory_space<hbm>>
      %dma_wait3A_259 = arith.constant 0 : i32
      %dma_wait3A_260 = tpu.memref_slice %arg4[%dma_wait3A_259] : memref<320000xi32, #tpu.memory_space<hbm>> -> memref<80xi32, #tpu.memory_space<hbm>>
      tpu.wait_dma2 semaphore(%arg18 : memref<!tpu.dma_semaphore, #tpu.memory_space<semaphore_mem>>) src(%dma_wait3A_260 : memref<80xi32, #tpu.memory_space<hbm>>) dst(%arg7 : memref<80xi32, #tpu.memory_space<vmem>>)
      %dma_wait3A_261 = arith.constant 0 : i32
      %dma_wait3A_262 = tpu.memref_slice %arg5[%dma_wait3A_261] : memref<320000xi32, #tpu.memory_space<hbm>> -> memref<80xi32, #tpu.memory_space<hbm>>
      %dma_wait3A_263 = arith.constant 0 : i32
      %dma_wait3A_264 = tpu.memref_slice %arg5[%dma_wait3A_263] : memref<320000xi32, #tpu.memory_space<hbm>> -> memref<80xi32, #tpu.memory_space<hbm>>
      tpu.wait_dma2 semaphore(%arg20 : memref<!tpu.dma_semaphore, #tpu.memory_space<semaphore_mem>>) src(%dma_wait3A_264 : memref<80xi32, #tpu.memory_space<hbm>>) dst(%arg9 : memref<80xi32, #tpu.memory_space<vmem>>)
      %dma_start3A_265 = arith.constant 0 : i32
      %dma_start3A_266 = arith.constant 0 : i32
      %dma_start3A_267 = tpu.memref_slice %arg17[%dma_start3A_265, %dma_start3A_266] : memref<10000x128xf32, #tpu.memory_space<vmem_shared>> -> memref<10000x128xf32, #tpu.memory_space<vmem_shared>>
      tpu.enqueue_indirect_dma source(%dma_start3A_267 : memref<10000x128xf32, #tpu.memory_space<vmem_shared>>) target(%arg11 : memref<80x128xf32, #tpu.memory_space<vmem>>) offsets(%arg7 : memref<80xi32, #tpu.memory_space<vmem>>) semaphore(%arg22 : memref<!tpu.dma_semaphore, #tpu.memory_space<semaphore_mem>>)
      %dma_start3A_268 = arith.constant 0 : i32
      %dma_start3A_269 = arith.constant 0 : i32
      %dma_start3A_270 = tpu.memref_slice %arg3[%dma_start3A_268, %dma_start3A_269] : memref<10000x128xf32, #tpu.memory_space<hbm>> -> memref<10000x128xf32, #tpu.memory_space<hbm>>
      tpu.enqueue_indirect_dma source(%dma_start3A_270 : memref<10000x128xf32, #tpu.memory_space<hbm>>) target(%arg13 : memref<80x128xf32, #tpu.memory_space<vmem>>) offsets(%arg9 : memref<80xi32, #tpu.memory_space<vmem>>) semaphore(%arg24 : memref<!tpu.dma_semaphore, #tpu.memory_space<semaphore_mem>>)
      %dma_wait3A_271 = arith.constant 0 : i32
      %dma_wait3A_272 = arith.constant 0 : i32
      %dma_wait3A_273 = tpu.memref_slice %arg17[%dma_wait3A_271, %dma_wait3A_272] : memref<10000x128xf32, #tpu.memory_space<vmem_shared>> -> memref<10000x128xf32, #tpu.memory_space<vmem_shared>>
      tpu.wait_indirect_dma semaphore(%arg23 : memref<!tpu.dma_semaphore, #tpu.memory_space<semaphore_mem>>) src(%dma_wait3A_273 : memref<10000x128xf32, #tpu.memory_space<vmem_shared>>) dst(%arg12 : memref<80x128xf32, #tpu.memory_space<vmem>>)
      %dma_wait3A_274 = arith.constant 0 : i32
      %dma_wait3A_275 = arith.constant 0 : i32
      %dma_wait3A_276 = tpu.memref_slice %arg3[%dma_wait3A_274, %dma_wait3A_275] : memref<10000x128xf32, #tpu.memory_space<hbm>> -> memref<10000x128xf32, #tpu.memory_space<hbm>>
      tpu.wait_indirect_dma semaphore(%arg25 : memref<!tpu.dma_semaphore, #tpu.memory_space<semaphore_mem>>) src(%dma_wait3A_276 : memref<10000x128xf32, #tpu.memory_space<hbm>>) dst(%arg14 : memref<80x128xf32, #tpu.memory_space<vmem>>)
      %add3A_277 = arith.constant 2 : i32
      %add3A_278 = arith.addi %add3A_256, %add3A_277 : i32
      %mul3A_279 = arith.constant 80 : i32
      %mul3A_280 = arith.muli %add3A_278, %mul3A_279 : i32
      %add3A_281 = arith.addi %mul3A_2, %mul3A_280 : i32
      %dma_start3A_282 = tpu.memref_slice %arg4[%add3A_281] : memref<320000xi32, #tpu.memory_space<hbm>> -> memref<80xi32, #tpu.memory_space<hbm>>
      %dma_start3A_283 = tpu.memref_slice %arg4[%add3A_281] : memref<320000xi32, #tpu.memory_space<hbm>> -> memref<80xi32, #tpu.memory_space<hbm>>
      tpu.enqueue_dma source(%dma_start3A_283 : memref<80xi32, #tpu.memory_space<hbm>>) target(%arg8 : memref<80xi32, #tpu.memory_space<vmem>>) target_semaphore(%arg19 : memref<!tpu.dma_semaphore, #tpu.memory_space<semaphore_mem>>)
      %dma_start3A_284 = tpu.memref_slice %arg5[%add3A_281] : memref<320000xi32, #tpu.memory_space<hbm>> -> memref<80xi32, #tpu.memory_space<hbm>>
      %dma_start3A_285 = tpu.memref_slice %arg5[%add3A_281] : memref<320000xi32, #tpu.memory_space<hbm>> -> memref<80xi32, #tpu.memory_space<hbm>>
      tpu.enqueue_dma source(%dma_start3A_285 : memref<80xi32, #tpu.memory_space<hbm>>) target(%arg10 : memref<80xi32, #tpu.memory_space<vmem>>) target_semaphore(%arg21 : memref<!tpu.dma_semaphore, #tpu.memory_space<semaphore_mem>>)
      %dma_wait3A_286 = tpu.memref_slice %arg6[%mul3A_2] : memref<320000xf32, #tpu.memory_space<hbm>> -> memref<80xf32, #tpu.memory_space<hbm>>
      %dma_wait3A_287 = tpu.memref_slice %arg6[%mul3A_2] : memref<320000xf32, #tpu.memory_space<hbm>> -> memref<80xf32, #tpu.memory_space<hbm>>
      tpu.wait_dma2 semaphore(%arg27 : memref<!tpu.dma_semaphore, #tpu.memory_space<semaphore_mem>>) src(%arg16 : memref<80xf32, #tpu.memory_space<vmem>>) dst(%dma_wait3A_287 : memref<80xf32, #tpu.memory_space<hbm>>)
      %scan3A_288 = arith.constant 0 : i32
      %scan3A_289 = arith.constant 0 : i32
      %scan3A_290 = arith.constant 5 : i32
      %scan3A_291 = arith.addi %scan3A_289, %scan3A_290 : i32
      %scan3A_292 = arith.constant 1 : i32
      %scan3A_293 = scf.for %scan3A_301 = %scan3A_289 to %scan3A_291 step %scan3A_292 iter_args(%scan3A_302 = %scan3A_288) -> (i32)  : i32 {
        %mul3A_303 = arith.constant 16 : i32
        %mul3A_304 = arith.muli %scan3A_301, %mul3A_303 : i32
        %add3A_305 = vector.broadcast %mul3A_304 : i32 to vector<16xi32>
        %add3A_306 = arith.addi %add3A_305, %iota3A : vector<16xi32>
        %add3A_307 = arith.constant 0 : i32
        %add3A_308 = vector.broadcast %add3A_307 : i32 to vector<16xi32>
        %add3A_309 = arith.addi %iota3A, %add3A_308 : vector<16xi32>
        %add3A_310 = arith.constant 1 : i32
        %add3A_311 = vector.broadcast %add3A_310 : i32 to vector<16xi32>
        %add3A_312 = arith.addi %iota3A, %add3A_311 : vector<16xi32>
        %add3A_313 = arith.constant 2 : i32
        %add3A_314 = vector.broadcast %add3A_313 : i32 to vector<16xi32>
        %add3A_315 = arith.addi %iota3A, %add3A_314 : vector<16xi32>
        %add3A_316 = arith.constant 3 : i32
        %add3A_317 = vector.broadcast %add3A_316 : i32 to vector<16xi32>
        %add3A_318 = arith.addi %iota3A, %add3A_317 : vector<16xi32>
        %broadcast_in_dim3A = arith.constant 0.000000e+00 : f32
        %broadcast_in_dim3A_319 = vector.broadcast %broadcast_in_dim3A : f32 to vector<16xf32>
        %broadcast_in_dim3A_320 = arith.constant 0.000000e+00 : f32
        %broadcast_in_dim3A_321 = vector.broadcast %broadcast_in_dim3A_320 : f32 to vector<16xf32>
        %broadcast_in_dim3A_322 = arith.constant 0.000000e+00 : f32
        %broadcast_in_dim3A_323 = vector.broadcast %broadcast_in_dim3A_322 : f32 to vector<16xf32>
        %broadcast_in_dim3A_324 = arith.constant 0.000000e+00 : f32
        %broadcast_in_dim3A_325 = vector.broadcast %broadcast_in_dim3A_324 : f32 to vector<16xf32>
        %scan3A_326 = arith.constant 0 : i32
        %scan3A_327 = arith.constant 8 : i32
        %scan3A_328 = arith.addi %scan3A_326, %scan3A_327 : i32
        %scan3A_329 = arith.constant 1 : i32
        %scan3A_330:8 = scf.for %scan3A_346 = %scan3A_326 to %scan3A_328 step %scan3A_329 iter_args(%scan3A_347 = %broadcast_in_dim3A_319, %scan3A_348 = %broadcast_in_dim3A_321, %scan3A_349 = %broadcast_in_dim3A_323, %scan3A_350 = %broadcast_in_dim3A_325, %scan3A_351 = %add3A_309, %scan3A_352 = %add3A_312, %scan3A_353 = %add3A_315, %scan3A_354 = %add3A_318) -> (vector<16xf32>, vector<16xf32>, vector<16xf32>, vector<16xf32>, vector<16xi32>, vector<16xi32>, vector<16xi32>, vector<16xi32>)  : i32 {
          %gather3A = tpu.vector_load_idx %arg12[%add3A_306, %scan3A_351] : memref<80x128xf32, #tpu.memory_space<vmem>>[vector<16xi32>, vector<16xi32>], vector<16xf32>,
          %gather3A_355 = tpu.vector_load_idx %arg14[%add3A_306, %scan3A_351] : memref<80x128xf32, #tpu.memory_space<vmem>>[vector<16xi32>, vector<16xi32>], vector<16xf32>,
          %mul3A_356 = arith.mulf %gather3A, %gather3A_355 : vector<16xf32>
          %add3A_357 = arith.addf %scan3A_347, %mul3A_356 : vector<16xf32>
          %add3A_358 = arith.constant 4 : i32
          %add3A_359 = vector.broadcast %add3A_358 : i32 to vector<16xi32>
          %add3A_360 = arith.addi %scan3A_351, %add3A_359 : vector<16xi32>
          %and3A = arith.constant 127 : i32
          %and3A_361 = vector.broadcast %and3A : i32 to vector<16xi32>
          %and3A_362 = arith.andi %add3A_360, %and3A_361 : vector<16xi32>
          %gather3A_363 = tpu.vector_load_idx %arg12[%add3A_306, %scan3A_352] : memref<80x128xf32, #tpu.memory_space<vmem>>[vector<16xi32>, vector<16xi32>], vector<16xf32>,
          %gather3A_364 = tpu.vector_load_idx %arg14[%add3A_306, %scan3A_352] : memref<80x128xf32, #tpu.memory_space<vmem>>[vector<16xi32>, vector<16xi32>], vector<16xf32>,
          %mul3A_365 = arith.mulf %gather3A_363, %gather3A_364 : vector<16xf32>
          %add3A_366 = arith.addf %scan3A_348, %mul3A_365 : vector<16xf32>
          %add3A_367 = arith.constant 4 : i32
          %add3A_368 = vector.broadcast %add3A_367 : i32 to vector<16xi32>
          %add3A_369 = arith.addi %scan3A_352, %add3A_368 : vector<16xi32>
          %and3A_370 = arith.constant 127 : i32
          %and3A_371 = vector.broadcast %and3A_370 : i32 to vector<16xi32>
          %and3A_372 = arith.andi %add3A_369, %and3A_371 : vector<16xi32>
          %gather3A_373 = tpu.vector_load_idx %arg12[%add3A_306, %scan3A_353] : memref<80x128xf32, #tpu.memory_space<vmem>>[vector<16xi32>, vector<16xi32>], vector<16xf32>,
          %gather3A_374 = tpu.vector_load_idx %arg14[%add3A_306, %scan3A_353] : memref<80x128xf32, #tpu.memory_space<vmem>>[vector<16xi32>, vector<16xi32>], vector<16xf32>,
          %mul3A_375 = arith.mulf %gather3A_373, %gather3A_374 : vector<16xf32>
          %add3A_376 = arith.addf %scan3A_349, %mul3A_375 : vector<16xf32>
          %add3A_377 = arith.constant 4 : i32
          %add3A_378 = vector.broadcast %add3A_377 : i32 to vector<16xi32>
          %add3A_379 = arith.addi %scan3A_353, %add3A_378 : vector<16xi32>
          %and3A_380 = arith.constant 127 : i32
          %and3A_381 = vector.broadcast %and3A_380 : i32 to vector<16xi32>
          %and3A_382 = arith.andi %add3A_379, %and3A_381 : vector<16xi32>
          %gather3A_383 = tpu.vector_load_idx %arg12[%add3A_306, %scan3A_354] : memref<80x128xf32, #tpu.memory_space<vmem>>[vector<16xi32>, vector<16xi32>], vector<16xf32>,
          %gather3A_384 = tpu.vector_load_idx %arg14[%add3A_306, %scan3A_354] : memref<80x128xf32, #tpu.memory_space<vmem>>[vector<16xi32>, vector<16xi32>], vector<16xf32>,
          %mul3A_385 = arith.mulf %gather3A_383, %gather3A_384 : vector<16xf32>
          %add3A_386 = arith.addf %scan3A_350, %mul3A_385 : vector<16xf32>
          %add3A_387 = arith.constant 4 : i32
          %add3A_388 = vector.broadcast %add3A_387 : i32 to vector<16xi32>
          %add3A_389 = arith.addi %scan3A_354, %add3A_388 : vector<16xi32>
          %and3A_390 = arith.constant 127 : i32
          %and3A_391 = vector.broadcast %and3A_390 : i32 to vector<16xi32>
          %and3A_392 = arith.andi %add3A_389, %and3A_391 : vector<16xi32>
          %gather3A_393 = tpu.vector_load_idx %arg12[%add3A_306, %and3A_362] : memref<80x128xf32, #tpu.memory_space<vmem>>[vector<16xi32>, vector<16xi32>], vector<16xf32>,
          %gather3A_394 = tpu.vector_load_idx %arg14[%add3A_306, %and3A_362] : memref<80x128xf32, #tpu.memory_space<vmem>>[vector<16xi32>, vector<16xi32>], vector<16xf32>,
          %mul3A_395 = arith.mulf %gather3A_393, %gather3A_394 : vector<16xf32>
          %add3A_396 = arith.addf %add3A_357, %mul3A_395 : vector<16xf32>
          %add3A_397 = arith.constant 4 : i32
          %add3A_398 = vector.broadcast %add3A_397 : i32 to vector<16xi32>
          %add3A_399 = arith.addi %and3A_362, %add3A_398 : vector<16xi32>
          %and3A_400 = arith.constant 127 : i32
          %and3A_401 = vector.broadcast %and3A_400 : i32 to vector<16xi32>
          %and3A_402 = arith.andi %add3A_399, %and3A_401 : vector<16xi32>
          %gather3A_403 = tpu.vector_load_idx %arg12[%add3A_306, %and3A_372] : memref<80x128xf32, #tpu.memory_space<vmem>>[vector<16xi32>, vector<16xi32>], vector<16xf32>,
          %gather3A_404 = tpu.vector_load_idx %arg14[%add3A_306, %and3A_372] : memref<80x128xf32, #tpu.memory_space<vmem>>[vector<16xi32>, vector<16xi32>], vector<16xf32>,
          %mul3A_405 = arith.mulf %gather3A_403, %gather3A_404 : vector<16xf32>
          %add3A_406 = arith.addf %add3A_366, %mul3A_405 : vector<16xf32>
          %add3A_407 = arith.constant 4 : i32
          %add3A_408 = vector.broadcast %add3A_407 : i32 to vector<16xi32>
          %add3A_409 = arith.addi %and3A_372, %add3A_408 : vector<16xi32>
          %and3A_410 = arith.constant 127 : i32
          %and3A_411 = vector.broadcast %and3A_410 : i32 to vector<16xi32>
          %and3A_412 = arith.andi %add3A_409, %and3A_411 : vector<16xi32>
          %gather3A_413 = tpu.vector_load_idx %arg12[%add3A_306, %and3A_382] : memref<80x128xf32, #tpu.memory_space<vmem>>[vector<16xi32>, vector<16xi32>], vector<16xf32>,
          %gather3A_414 = tpu.vector_load_idx %arg14[%add3A_306, %and3A_382] : memref<80x128xf32, #tpu.memory_space<vmem>>[vector<16xi32>, vector<16xi32>], vector<16xf32>,
          %mul3A_415 = arith.mulf %gather3A_413, %gather3A_414 : vector<16xf32>
          %add3A_416 = arith.addf %add3A_376, %mul3A_415 : vector<16xf32>
          %add3A_417 = arith.constant 4 : i32
          %add3A_418 = vector.broadcast %add3A_417 : i32 to vector<16xi32>
          %add3A_419 = arith.addi %and3A_382, %add3A_418 : vector<16xi32>
          %and3A_420 = arith.constant 127 : i32
          %and3A_421 = vector.broadcast %and3A_420 : i32 to vector<16xi32>
          %and3A_422 = arith.andi %add3A_419, %and3A_421 : vector<16xi32>
          %gather3A_423 = tpu.vector_load_idx %arg12[%add3A_306, %and3A_392] : memref<80x128xf32, #tpu.memory_space<vmem>>[vector<16xi32>, vector<16xi32>], vector<16xf32>,
          %gather3A_424 = tpu.vector_load_idx %arg14[%add3A_306, %and3A_392] : memref<80x128xf32, #tpu.memory_space<vmem>>[vector<16xi32>, vector<16xi32>], vector<16xf32>,
          %mul3A_425 = arith.mulf %gather3A_423, %gather3A_424 : vector<16xf32>
          %add3A_426 = arith.addf %add3A_386, %mul3A_425 : vector<16xf32>
          %add3A_427 = arith.constant 4 : i32
          %add3A_428 = vector.broadcast %add3A_427 : i32 to vector<16xi32>
          %add3A_429 = arith.addi %and3A_392, %add3A_428 : vector<16xi32>
          %and3A_430 = arith.constant 127 : i32
          %and3A_431 = vector.broadcast %and3A_430 : i32 to vector<16xi32>
          %and3A_432 = arith.andi %add3A_429, %and3A_431 : vector<16xi32>
          %gather3A_433 = tpu.vector_load_idx %arg12[%add3A_306, %and3A_402] : memref<80x128xf32, #tpu.memory_space<vmem>>[vector<16xi32>, vector<16xi32>], vector<16xf32>,
          %gather3A_434 = tpu.vector_load_idx %arg14[%add3A_306, %and3A_402] : memref<80x128xf32, #tpu.memory_space<vmem>>[vector<16xi32>, vector<16xi32>], vector<16xf32>,
          %mul3A_435 = arith.mulf %gather3A_433, %gather3A_434 : vector<16xf32>
          %add3A_436 = arith.addf %add3A_396, %mul3A_435 : vector<16xf32>
          %add3A_437 = arith.constant 4 : i32
          %add3A_438 = vector.broadcast %add3A_437 : i32 to vector<16xi32>
          %add3A_439 = arith.addi %and3A_402, %add3A_438 : vector<16xi32>
          %and3A_440 = arith.constant 127 : i32
          %and3A_441 = vector.broadcast %and3A_440 : i32 to vector<16xi32>
          %and3A_442 = arith.andi %add3A_439, %and3A_441 : vector<16xi32>
          %gather3A_443 = tpu.vector_load_idx %arg12[%add3A_306, %and3A_412] : memref<80x128xf32, #tpu.memory_space<vmem>>[vector<16xi32>, vector<16xi32>], vector<16xf32>,
          %gather3A_444 = tpu.vector_load_idx %arg14[%add3A_306, %and3A_412] : memref<80x128xf32, #tpu.memory_space<vmem>>[vector<16xi32>, vector<16xi32>], vector<16xf32>,
          %mul3A_445 = arith.mulf %gather3A_443, %gather3A_444 : vector<16xf32>
          %add3A_446 = arith.addf %add3A_406, %mul3A_445 : vector<16xf32>
          %add3A_447 = arith.constant 4 : i32
          %add3A_448 = vector.broadcast %add3A_447 : i32 to vector<16xi32>
          %add3A_449 = arith.addi %and3A_412, %add3A_448 : vector<16xi32>
          %and3A_450 = arith.constant 127 : i32
          %and3A_451 = vector.broadcast %and3A_450 : i32 to vector<16xi32>
          %and3A_452 = arith.andi %add3A_449, %and3A_451 : vector<16xi32>
          %gather3A_453 = tpu.vector_load_idx %arg12[%add3A_306, %and3A_422] : memref<80x128xf32, #tpu.memory_space<vmem>>[vector<16xi32>, vector<16xi32>], vector<16xf32>,
          %gather3A_454 = tpu.vector_load_idx %arg14[%add3A_306, %and3A_422] : memref<80x128xf32, #tpu.memory_space<vmem>>[vector<16xi32>, vector<16xi32>], vector<16xf32>,
          %mul3A_455 = arith.mulf %gather3A_453, %gather3A_454 : vector<16xf32>
          %add3A_456 = arith.addf %add3A_416, %mul3A_455 : vector<16xf32>
          %add3A_457 = arith.constant 4 : i32
          %add3A_458 = vector.broadcast %add3A_457 : i32 to vector<16xi32>
          %add3A_459 = arith.addi %and3A_422, %add3A_458 : vector<16xi32>
          %and3A_460 = arith.constant 127 : i32
          %and3A_461 = vector.broadcast %and3A_460 : i32 to vector<16xi32>
          %and3A_462 = arith.andi %add3A_459, %and3A_461 : vector<16xi32>
          %gather3A_463 = tpu.vector_load_idx %arg12[%add3A_306, %and3A_432] : memref<80x128xf32, #tpu.memory_space<vmem>>[vector<16xi32>, vector<16xi32>], vector<16xf32>,
          %gather3A_464 = tpu.vector_load_idx %arg14[%add3A_306, %and3A_432] : memref<80x128xf32, #tpu.memory_space<vmem>>[vector<16xi32>, vector<16xi32>], vector<16xf32>,
          %mul3A_465 = arith.mulf %gather3A_463, %gather3A_464 : vector<16xf32>
          %add3A_466 = arith.addf %add3A_426, %mul3A_465 : vector<16xf32>
          %add3A_467 = arith.constant 4 : i32
          %add3A_468 = vector.broadcast %add3A_467 : i32 to vector<16xi32>
          %add3A_469 = arith.addi %and3A_432, %add3A_468 : vector<16xi32>
          %and3A_470 = arith.constant 127 : i32
          %and3A_471 = vector.broadcast %and3A_470 : i32 to vector<16xi32>
          %and3A_472 = arith.andi %add3A_469, %and3A_471 : vector<16xi32>
          %gather3A_473 = tpu.vector_load_idx %arg12[%add3A_306, %and3A_442] : memref<80x128xf32, #tpu.memory_space<vmem>>[vector<16xi32>, vector<16xi32>], vector<16xf32>,
          %gather3A_474 = tpu.vector_load_idx %arg14[%add3A_306, %and3A_442] : memref<80x128xf32, #tpu.memory_space<vmem>>[vector<16xi32>, vector<16xi32>], vector<16xf32>,
          %mul3A_475 = arith.mulf %gather3A_473, %gather3A_474 : vector<16xf32>
          %add3A_476 = arith.addf %add3A_436, %mul3A_475 : vector<16xf32>
          %add3A_477 = arith.constant 4 : i32
          %add3A_478 = vector.broadcast %add3A_477 : i32 to vector<16xi32>
          %add3A_479 = arith.addi %and3A_442, %add3A_478 : vector<16xi32>
          %and3A_480 = arith.constant 127 : i32
          %and3A_481 = vector.broadcast %and3A_480 : i32 to vector<16xi32>
          %and3A_482 = arith.andi %add3A_479, %and3A_481 : vector<16xi32>
          %gather3A_483 = tpu.vector_load_idx %arg12[%add3A_306, %and3A_452] : memref<80x128xf32, #tpu.memory_space<vmem>>[vector<16xi32>, vector<16xi32>], vector<16xf32>,
          %gather3A_484 = tpu.vector_load_idx %arg14[%add3A_306, %and3A_452] : memref<80x128xf32, #tpu.memory_space<vmem>>[vector<16xi32>, vector<16xi32>], vector<16xf32>,
          %mul3A_485 = arith.mulf %gather3A_483, %gather3A_484 : vector<16xf32>
          %add3A_486 = arith.addf %add3A_446, %mul3A_485 : vector<16xf32>
          %add3A_487 = arith.constant 4 : i32
          %add3A_488 = vector.broadcast %add3A_487 : i32 to vector<16xi32>
          %add3A_489 = arith.addi %and3A_452, %add3A_488 : vector<16xi32>
          %and3A_490 = arith.constant 127 : i32
          %and3A_491 = vector.broadcast %and3A_490 : i32 to vector<16xi32>
          %and3A_492 = arith.andi %add3A_489, %and3A_491 : vector<16xi32>
          %gather3A_493 = tpu.vector_load_idx %arg12[%add3A_306, %and3A_462] : memref<80x128xf32, #tpu.memory_space<vmem>>[vector<16xi32>, vector<16xi32>], vector<16xf32>,
          %gather3A_494 = tpu.vector_load_idx %arg14[%add3A_306, %and3A_462] : memref<80x128xf32, #tpu.memory_space<vmem>>[vector<16xi32>, vector<16xi32>], vector<16xf32>,
          %mul3A_495 = arith.mulf %gather3A_493, %gather3A_494 : vector<16xf32>
          %add3A_496 = arith.addf %add3A_456, %mul3A_495 : vector<16xf32>
          %add3A_497 = arith.constant 4 : i32
          %add3A_498 = vector.broadcast %add3A_497 : i32 to vector<16xi32>
          %add3A_499 = arith.addi %and3A_462, %add3A_498 : vector<16xi32>
          %and3A_500 = arith.constant 127 : i32
          %and3A_501 = vector.broadcast %and3A_500 : i32 to vector<16xi32>
          %and3A_502 = arith.andi %add3A_499, %and3A_501 : vector<16xi32>
          %gather3A_503 = tpu.vector_load_idx %arg12[%add3A_306, %and3A_472] : memref<80x128xf32, #tpu.memory_space<vmem>>[vector<16xi32>, vector<16xi32>], vector<16xf32>,
          %gather3A_504 = tpu.vector_load_idx %arg14[%add3A_306, %and3A_472] : memref<80x128xf32, #tpu.memory_space<vmem>>[vector<16xi32>, vector<16xi32>], vector<16xf32>,
          %mul3A_505 = arith.mulf %gather3A_503, %gather3A_504 : vector<16xf32>
          %add3A_506 = arith.addf %add3A_466, %mul3A_505 : vector<16xf32>
          %add3A_507 = arith.constant 4 : i32
          %add3A_508 = vector.broadcast %add3A_507 : i32 to vector<16xi32>
          %add3A_509 = arith.addi %and3A_472, %add3A_508 : vector<16xi32>
          %and3A_510 = arith.constant 127 : i32
          %and3A_511 = vector.broadcast %and3A_510 : i32 to vector<16xi32>
          %and3A_512 = arith.andi %add3A_509, %and3A_511 : vector<16xi32>
          scf.yield %add3A_476, %add3A_486, %add3A_496, %add3A_506, %and3A_482, %and3A_492, %and3A_502, %and3A_512 : vector<16xf32>, vector<16xf32>, vector<16xf32>, vector<16xf32>, vector<16xi32>, vector<16xi32>, vector<16xi32>, vector<16xi32>
        }
        %scan3A_331 = arith.constant 8 : i32
        %add3A_332 = arith.addf %scan3A_330#0, %scan3A_330#1 : vector<16xf32>
        %add3A_333 = arith.addf %scan3A_330#2, %scan3A_330#3 : vector<16xf32>
        %add3A_334 = arith.addf %add3A_332, %add3A_333 : vector<16xf32>
        %neg3A = arith.constant 0.000000e+00 : f32
        %neg3A_335 = vector.broadcast %neg3A : f32 to vector<16xf32>
        %neg3A_336 = arith.subf %neg3A_335, %add3A_334 : vector<16xf32>
        %exp3A = math.exp %neg3A_336 : vector<16xf32>
        %add3A_337 = arith.constant 1.000000e+00 : f32
        %add3A_338 = vector.broadcast %add3A_337 : f32 to vector<16xf32>
        %add3A_339 = arith.addf %add3A_338, %exp3A : vector<16xf32>
        %div3A = arith.constant 1.000000e+00 : f32
        %div3A_340 = vector.broadcast %div3A : f32 to vector<16xf32>
        %div3A_341 = arith.divf %div3A_340, %add3A_339 : vector<16xf32>
        %mul3A_342 = arith.constant 16 : i32
        %mul3A_343 = arith.muli %scan3A_301, %mul3A_342 : i32
        %swap3A = arith.index_cast %mul3A_343 : i32 to index
        %swap3A_344 = tpu.vector_load %arg16[%swap3A] {strides = array<i32>} : memref<80xf32, #tpu.memory_space<vmem>>, vector<16xf32>,
        tpu.vector_store %arg16[%swap3A], %div3A_341 {strides = array<i32>} : memref<80xf32, #tpu.memory_space<vmem>>, vector<16xf32>,
        %scan3A_345 = arith.constant 0 : i32
        scf.yield %scan3A_345 : i32
      }
      %scan3A_294 = arith.constant 5 : i32
      %mul3A_295 = arith.constant 80 : i32
      %mul3A_296 = arith.muli %add3A_256, %mul3A_295 : i32
      %add3A_297 = arith.addi %mul3A_2, %mul3A_296 : i32
      %dma_start3A_298 = tpu.memref_slice %arg6[%add3A_297] : memref<320000xf32, #tpu.memory_space<hbm>> -> memref<80xf32, #tpu.memory_space<hbm>>
      %dma_start3A_299 = tpu.memref_slice %arg6[%add3A_297] : memref<320000xf32, #tpu.memory_space<hbm>> -> memref<80xf32, #tpu.memory_space<hbm>>
      tpu.enqueue_dma source(%arg16 : memref<80xf32, #tpu.memory_space<vmem>>) target(%dma_start3A_299 : memref<80xf32, #tpu.memory_space<hbm>>) target_semaphore(%arg27 : memref<!tpu.dma_semaphore, #tpu.memory_space<semaphore_mem>>)
      %scan3A_300 = arith.constant 0 : i32
      scf.yield %scan3A_300 : i32
    }
    %scan3A_112 = arith.constant 60 : i32
    %dma_wait3A_113 = arith.constant 0 : i32
    %dma_wait3A_114 = tpu.memref_slice %arg4[%dma_wait3A_113] : memref<320000xi32, #tpu.memory_space<hbm>> -> memref<80xi32, #tpu.memory_space<hbm>>
    %dma_wait3A_115 = arith.constant 0 : i32
    %dma_wait3A_116 = tpu.memref_slice %arg4[%dma_wait3A_115] : memref<320000xi32, #tpu.memory_space<hbm>> -> memref<80xi32, #tpu.memory_space<hbm>>
    tpu.wait_dma2 semaphore(%arg19 : memref<!tpu.dma_semaphore, #tpu.memory_space<semaphore_mem>>) src(%dma_wait3A_116 : memref<80xi32, #tpu.memory_space<hbm>>) dst(%arg8 : memref<80xi32, #tpu.memory_space<vmem>>)
    %dma_wait3A_117 = arith.constant 0 : i32
    %dma_wait3A_118 = tpu.memref_slice %arg5[%dma_wait3A_117] : memref<320000xi32, #tpu.memory_space<hbm>> -> memref<80xi32, #tpu.memory_space<hbm>>
    %dma_wait3A_119 = arith.constant 0 : i32
    %dma_wait3A_120 = tpu.memref_slice %arg5[%dma_wait3A_119] : memref<320000xi32, #tpu.memory_space<hbm>> -> memref<80xi32, #tpu.memory_space<hbm>>
    tpu.wait_dma2 semaphore(%arg21 : memref<!tpu.dma_semaphore, #tpu.memory_space<semaphore_mem>>) src(%dma_wait3A_120 : memref<80xi32, #tpu.memory_space<hbm>>) dst(%arg10 : memref<80xi32, #tpu.memory_space<vmem>>)
    %dma_start3A_121 = arith.constant 0 : i32
    %dma_start3A_122 = arith.constant 0 : i32
    %dma_start3A_123 = tpu.memref_slice %arg17[%dma_start3A_121, %dma_start3A_122] : memref<10000x128xf32, #tpu.memory_space<vmem_shared>> -> memref<10000x128xf32, #tpu.memory_space<vmem_shared>>
    tpu.enqueue_indirect_dma source(%dma_start3A_123 : memref<10000x128xf32, #tpu.memory_space<vmem_shared>>) target(%arg12 : memref<80x128xf32, #tpu.memory_space<vmem>>) offsets(%arg8 : memref<80xi32, #tpu.memory_space<vmem>>) semaphore(%arg23 : memref<!tpu.dma_semaphore, #tpu.memory_space<semaphore_mem>>)
    %dma_start3A_124 = arith.constant 0 : i32
    %dma_start3A_125 = arith.constant 0 : i32
    %dma_start3A_126 = tpu.memref_slice %arg3[%dma_start3A_124, %dma_start3A_125] : memref<10000x128xf32, #tpu.memory_space<hbm>> -> memref<10000x128xf32, #tpu.memory_space<hbm>>
    tpu.enqueue_indirect_dma source(%dma_start3A_126 : memref<10000x128xf32, #tpu.memory_space<hbm>>) target(%arg14 : memref<80x128xf32, #tpu.memory_space<vmem>>) offsets(%arg10 : memref<80xi32, #tpu.memory_space<vmem>>) semaphore(%arg25 : memref<!tpu.dma_semaphore, #tpu.memory_space<semaphore_mem>>)
    %dma_wait3A_127 = arith.constant 0 : i32
    %dma_wait3A_128 = arith.constant 0 : i32
    %dma_wait3A_129 = tpu.memref_slice %arg17[%dma_wait3A_127, %dma_wait3A_128] : memref<10000x128xf32, #tpu.memory_space<vmem_shared>> -> memref<10000x128xf32, #tpu.memory_space<vmem_shared>>
    tpu.wait_indirect_dma semaphore(%arg22 : memref<!tpu.dma_semaphore, #tpu.memory_space<semaphore_mem>>) src(%dma_wait3A_129 : memref<10000x128xf32, #tpu.memory_space<vmem_shared>>) dst(%arg11 : memref<80x128xf32, #tpu.memory_space<vmem>>)
    %dma_wait3A_130 = arith.constant 0 : i32
    %dma_wait3A_131 = arith.constant 0 : i32
    %dma_wait3A_132 = tpu.memref_slice %arg3[%dma_wait3A_130, %dma_wait3A_131] : memref<10000x128xf32, #tpu.memory_space<hbm>> -> memref<10000x128xf32, #tpu.memory_space<hbm>>
    tpu.wait_indirect_dma semaphore(%arg24 : memref<!tpu.dma_semaphore, #tpu.memory_space<semaphore_mem>>) src(%dma_wait3A_132 : memref<10000x128xf32, #tpu.memory_space<hbm>>) dst(%arg13 : memref<80x128xf32, #tpu.memory_space<vmem>>)
    %add3A_133 = arith.constant 9920 : i32
    %add3A_134 = arith.addi %mul3A_2, %add3A_133 : i32
    %dma_start3A_135 = tpu.memref_slice %arg4[%add3A_134] : memref<320000xi32, #tpu.memory_space<hbm>> -> memref<80xi32, #tpu.memory_space<hbm>>
    %dma_start3A_136 = tpu.memref_slice %arg4[%add3A_134] : memref<320000xi32, #tpu.memory_space<hbm>> -> memref<80xi32, #tpu.memory_space<hbm>>
    tpu.enqueue_dma source(%dma_start3A_136 : memref<80xi32, #tpu.memory_space<hbm>>) target(%arg7 : memref<80xi32, #tpu.memory_space<vmem>>) target_semaphore(%arg18 : memref<!tpu.dma_semaphore, #tpu.memory_space<semaphore_mem>>)
    %dma_start3A_137 = tpu.memref_slice %arg5[%add3A_134] : memref<320000xi32, #tpu.memory_space<hbm>> -> memref<80xi32, #tpu.memory_space<hbm>>
    %dma_start3A_138 = tpu.memref_slice %arg5[%add3A_134] : memref<320000xi32, #tpu.memory_space<hbm>> -> memref<80xi32, #tpu.memory_space<hbm>>
    tpu.enqueue_dma source(%dma_start3A_138 : memref<80xi32, #tpu.memory_space<hbm>>) target(%arg9 : memref<80xi32, #tpu.memory_space<vmem>>) target_semaphore(%arg20 : memref<!tpu.dma_semaphore, #tpu.memory_space<semaphore_mem>>)
    %dma_wait3A_139 = tpu.memref_slice %arg6[%mul3A_2] : memref<320000xf32, #tpu.memory_space<hbm>> -> memref<80xf32, #tpu.memory_space<hbm>>
    %dma_wait3A_140 = tpu.memref_slice %arg6[%mul3A_2] : memref<320000xf32, #tpu.memory_space<hbm>> -> memref<80xf32, #tpu.memory_space<hbm>>
    tpu.wait_dma2 semaphore(%arg26 : memref<!tpu.dma_semaphore, #tpu.memory_space<semaphore_mem>>) src(%arg15 : memref<80xf32, #tpu.memory_space<vmem>>) dst(%dma_wait3A_140 : memref<80xf32, #tpu.memory_space<hbm>>)
    %scan3A_141 = arith.constant 0 : i32
    %scan3A_142 = arith.constant 0 : i32
    %scan3A_143 = arith.constant 5 : i32
    %scan3A_144 = arith.addi %scan3A_142, %scan3A_143 : i32
    %scan3A_145 = arith.constant 1 : i32
    %scan3A_146 = scf.for %scan3A_208 = %scan3A_142 to %scan3A_144 step %scan3A_145 iter_args(%scan3A_209 = %scan3A_141) -> (i32)  : i32 {
      %mul3A_210 = arith.constant 16 : i32
      %mul3A_211 = arith.muli %scan3A_208, %mul3A_210 : i32
      %add3A_212 = vector.broadcast %mul3A_211 : i32 to vector<16xi32>
      %add3A_213 = arith.addi %add3A_212, %iota3A : vector<16xi32>
      %add3A_214 = arith.constant 0 : i32
      %add3A_215 = vector.broadcast %add3A_214 : i32 to vector<16xi32>
      %add3A_216 = arith.addi %iota3A, %add3A_215 : vector<16xi32>
      %add3A_217 = arith.constant 1 : i32
      %add3A_218 = vector.broadcast %add3A_217 : i32 to vector<16xi32>
      %add3A_219 = arith.addi %iota3A, %add3A_218 : vector<16xi32>
      %add3A_220 = arith.constant 2 : i32
      %add3A_221 = vector.broadcast %add3A_220 : i32 to vector<16xi32>
      %add3A_222 = arith.addi %iota3A, %add3A_221 : vector<16xi32>
      %add3A_223 = arith.constant 3 : i32
      %add3A_224 = vector.broadcast %add3A_223 : i32 to vector<16xi32>
      %add3A_225 = arith.addi %iota3A, %add3A_224 : vector<16xi32>
      %broadcast_in_dim3A = arith.constant 0.000000e+00 : f32
      %broadcast_in_dim3A_226 = vector.broadcast %broadcast_in_dim3A : f32 to vector<16xf32>
      %broadcast_in_dim3A_227 = arith.constant 0.000000e+00 : f32
      %broadcast_in_dim3A_228 = vector.broadcast %broadcast_in_dim3A_227 : f32 to vector<16xf32>
      %broadcast_in_dim3A_229 = arith.constant 0.000000e+00 : f32
      %broadcast_in_dim3A_230 = vector.broadcast %broadcast_in_dim3A_229 : f32 to vector<16xf32>
      %broadcast_in_dim3A_231 = arith.constant 0.000000e+00 : f32
      %broadcast_in_dim3A_232 = vector.broadcast %broadcast_in_dim3A_231 : f32 to vector<16xf32>
      %scan3A_233 = arith.constant 0 : i32
      %scan3A_234 = arith.constant 8 : i32
      %scan3A_235 = arith.addi %scan3A_233, %scan3A_234 : i32
      %scan3A_236 = arith.constant 1 : i32
      %scan3A_237:8 = scf.for %scan3A_253 = %scan3A_233 to %scan3A_235 step %scan3A_236 iter_args(%scan3A_254 = %broadcast_in_dim3A_226, %scan3A_255 = %broadcast_in_dim3A_228, %scan3A_256 = %broadcast_in_dim3A_230, %scan3A_257 = %broadcast_in_dim3A_232, %scan3A_258 = %add3A_216, %scan3A_259 = %add3A_219, %scan3A_260 = %add3A_222, %scan3A_261 = %add3A_225) -> (vector<16xf32>, vector<16xf32>, vector<16xf32>, vector<16xf32>, vector<16xi32>, vector<16xi32>, vector<16xi32>, vector<16xi32>)  : i32 {
        %gather3A = tpu.vector_load_idx %arg11[%add3A_213, %scan3A_258] : memref<80x128xf32, #tpu.memory_space<vmem>>[vector<16xi32>, vector<16xi32>], vector<16xf32>,
        %gather3A_262 = tpu.vector_load_idx %arg13[%add3A_213, %scan3A_258] : memref<80x128xf32, #tpu.memory_space<vmem>>[vector<16xi32>, vector<16xi32>], vector<16xf32>,
        %mul3A_263 = arith.mulf %gather3A, %gather3A_262 : vector<16xf32>
        %add3A_264 = arith.addf %scan3A_254, %mul3A_263 : vector<16xf32>
        %add3A_265 = arith.constant 4 : i32
        %add3A_266 = vector.broadcast %add3A_265 : i32 to vector<16xi32>
        %add3A_267 = arith.addi %scan3A_258, %add3A_266 : vector<16xi32>
        %and3A = arith.constant 127 : i32
        %and3A_268 = vector.broadcast %and3A : i32 to vector<16xi32>
        %and3A_269 = arith.andi %add3A_267, %and3A_268 : vector<16xi32>
        %gather3A_270 = tpu.vector_load_idx %arg11[%add3A_213, %scan3A_259] : memref<80x128xf32, #tpu.memory_space<vmem>>[vector<16xi32>, vector<16xi32>], vector<16xf32>,
        %gather3A_271 = tpu.vector_load_idx %arg13[%add3A_213, %scan3A_259] : memref<80x128xf32, #tpu.memory_space<vmem>>[vector<16xi32>, vector<16xi32>], vector<16xf32>,
        %mul3A_272 = arith.mulf %gather3A_270, %gather3A_271 : vector<16xf32>
        %add3A_273 = arith.addf %scan3A_255, %mul3A_272 : vector<16xf32>
        %add3A_274 = arith.constant 4 : i32
        %add3A_275 = vector.broadcast %add3A_274 : i32 to vector<16xi32>
        %add3A_276 = arith.addi %scan3A_259, %add3A_275 : vector<16xi32>
        %and3A_277 = arith.constant 127 : i32
        %and3A_278 = vector.broadcast %and3A_277 : i32 to vector<16xi32>
        %and3A_279 = arith.andi %add3A_276, %and3A_278 : vector<16xi32>
        %gather3A_280 = tpu.vector_load_idx %arg11[%add3A_213, %scan3A_260] : memref<80x128xf32, #tpu.memory_space<vmem>>[vector<16xi32>, vector<16xi32>], vector<16xf32>,
        %gather3A_281 = tpu.vector_load_idx %arg13[%add3A_213, %scan3A_260] : memref<80x128xf32, #tpu.memory_space<vmem>>[vector<16xi32>, vector<16xi32>], vector<16xf32>,
        %mul3A_282 = arith.mulf %gather3A_280, %gather3A_281 : vector<16xf32>
        %add3A_283 = arith.addf %scan3A_256, %mul3A_282 : vector<16xf32>
        %add3A_284 = arith.constant 4 : i32
        %add3A_285 = vector.broadcast %add3A_284 : i32 to vector<16xi32>
        %add3A_286 = arith.addi %scan3A_260, %add3A_285 : vector<16xi32>
        %and3A_287 = arith.constant 127 : i32
        %and3A_288 = vector.broadcast %and3A_287 : i32 to vector<16xi32>
        %and3A_289 = arith.andi %add3A_286, %and3A_288 : vector<16xi32>
        %gather3A_290 = tpu.vector_load_idx %arg11[%add3A_213, %scan3A_261] : memref<80x128xf32, #tpu.memory_space<vmem>>[vector<16xi32>, vector<16xi32>], vector<16xf32>,
        %gather3A_291 = tpu.vector_load_idx %arg13[%add3A_213, %scan3A_261] : memref<80x128xf32, #tpu.memory_space<vmem>>[vector<16xi32>, vector<16xi32>], vector<16xf32>,
        %mul3A_292 = arith.mulf %gather3A_290, %gather3A_291 : vector<16xf32>
        %add3A_293 = arith.addf %scan3A_257, %mul3A_292 : vector<16xf32>
        %add3A_294 = arith.constant 4 : i32
        %add3A_295 = vector.broadcast %add3A_294 : i32 to vector<16xi32>
        %add3A_296 = arith.addi %scan3A_261, %add3A_295 : vector<16xi32>
        %and3A_297 = arith.constant 127 : i32
        %and3A_298 = vector.broadcast %and3A_297 : i32 to vector<16xi32>
        %and3A_299 = arith.andi %add3A_296, %and3A_298 : vector<16xi32>
        %gather3A_300 = tpu.vector_load_idx %arg11[%add3A_213, %and3A_269] : memref<80x128xf32, #tpu.memory_space<vmem>>[vector<16xi32>, vector<16xi32>], vector<16xf32>,
        %gather3A_301 = tpu.vector_load_idx %arg13[%add3A_213, %and3A_269] : memref<80x128xf32, #tpu.memory_space<vmem>>[vector<16xi32>, vector<16xi32>], vector<16xf32>,
        %mul3A_302 = arith.mulf %gather3A_300, %gather3A_301 : vector<16xf32>
        %add3A_303 = arith.addf %add3A_264, %mul3A_302 : vector<16xf32>
        %add3A_304 = arith.constant 4 : i32
        %add3A_305 = vector.broadcast %add3A_304 : i32 to vector<16xi32>
        %add3A_306 = arith.addi %and3A_269, %add3A_305 : vector<16xi32>
        %and3A_307 = arith.constant 127 : i32
        %and3A_308 = vector.broadcast %and3A_307 : i32 to vector<16xi32>
        %and3A_309 = arith.andi %add3A_306, %and3A_308 : vector<16xi32>
        %gather3A_310 = tpu.vector_load_idx %arg11[%add3A_213, %and3A_279] : memref<80x128xf32, #tpu.memory_space<vmem>>[vector<16xi32>, vector<16xi32>], vector<16xf32>,
        %gather3A_311 = tpu.vector_load_idx %arg13[%add3A_213, %and3A_279] : memref<80x128xf32, #tpu.memory_space<vmem>>[vector<16xi32>, vector<16xi32>], vector<16xf32>,
        %mul3A_312 = arith.mulf %gather3A_310, %gather3A_311 : vector<16xf32>
        %add3A_313 = arith.addf %add3A_273, %mul3A_312 : vector<16xf32>
        %add3A_314 = arith.constant 4 : i32
        %add3A_315 = vector.broadcast %add3A_314 : i32 to vector<16xi32>
        %add3A_316 = arith.addi %and3A_279, %add3A_315 : vector<16xi32>
        %and3A_317 = arith.constant 127 : i32
        %and3A_318 = vector.broadcast %and3A_317 : i32 to vector<16xi32>
        %and3A_319 = arith.andi %add3A_316, %and3A_318 : vector<16xi32>
        %gather3A_320 = tpu.vector_load_idx %arg11[%add3A_213, %and3A_289] : memref<80x128xf32, #tpu.memory_space<vmem>>[vector<16xi32>, vector<16xi32>], vector<16xf32>,
        %gather3A_321 = tpu.vector_load_idx %arg13[%add3A_213, %and3A_289] : memref<80x128xf32, #tpu.memory_space<vmem>>[vector<16xi32>, vector<16xi32>], vector<16xf32>,
        %mul3A_322 = arith.mulf %gather3A_320, %gather3A_321 : vector<16xf32>
        %add3A_323 = arith.addf %add3A_283, %mul3A_322 : vector<16xf32>
        %add3A_324 = arith.constant 4 : i32
        %add3A_325 = vector.broadcast %add3A_324 : i32 to vector<16xi32>
        %add3A_326 = arith.addi %and3A_289, %add3A_325 : vector<16xi32>
        %and3A_327 = arith.constant 127 : i32
        %and3A_328 = vector.broadcast %and3A_327 : i32 to vector<16xi32>
        %and3A_329 = arith.andi %add3A_326, %and3A_328 : vector<16xi32>
        %gather3A_330 = tpu.vector_load_idx %arg11[%add3A_213, %and3A_299] : memref<80x128xf32, #tpu.memory_space<vmem>>[vector<16xi32>, vector<16xi32>], vector<16xf32>,
        %gather3A_331 = tpu.vector_load_idx %arg13[%add3A_213, %and3A_299] : memref<80x128xf32, #tpu.memory_space<vmem>>[vector<16xi32>, vector<16xi32>], vector<16xf32>,
        %mul3A_332 = arith.mulf %gather3A_330, %gather3A_331 : vector<16xf32>
        %add3A_333 = arith.addf %add3A_293, %mul3A_332 : vector<16xf32>
        %add3A_334 = arith.constant 4 : i32
        %add3A_335 = vector.broadcast %add3A_334 : i32 to vector<16xi32>
        %add3A_336 = arith.addi %and3A_299, %add3A_335 : vector<16xi32>
        %and3A_337 = arith.constant 127 : i32
        %and3A_338 = vector.broadcast %and3A_337 : i32 to vector<16xi32>
        %and3A_339 = arith.andi %add3A_336, %and3A_338 : vector<16xi32>
        %gather3A_340 = tpu.vector_load_idx %arg11[%add3A_213, %and3A_309] : memref<80x128xf32, #tpu.memory_space<vmem>>[vector<16xi32>, vector<16xi32>], vector<16xf32>,
        %gather3A_341 = tpu.vector_load_idx %arg13[%add3A_213, %and3A_309] : memref<80x128xf32, #tpu.memory_space<vmem>>[vector<16xi32>, vector<16xi32>], vector<16xf32>,
        %mul3A_342 = arith.mulf %gather3A_340, %gather3A_341 : vector<16xf32>
        %add3A_343 = arith.addf %add3A_303, %mul3A_342 : vector<16xf32>
        %add3A_344 = arith.constant 4 : i32
        %add3A_345 = vector.broadcast %add3A_344 : i32 to vector<16xi32>
        %add3A_346 = arith.addi %and3A_309, %add3A_345 : vector<16xi32>
        %and3A_347 = arith.constant 127 : i32
        %and3A_348 = vector.broadcast %and3A_347 : i32 to vector<16xi32>
        %and3A_349 = arith.andi %add3A_346, %and3A_348 : vector<16xi32>
        %gather3A_350 = tpu.vector_load_idx %arg11[%add3A_213, %and3A_319] : memref<80x128xf32, #tpu.memory_space<vmem>>[vector<16xi32>, vector<16xi32>], vector<16xf32>,
        %gather3A_351 = tpu.vector_load_idx %arg13[%add3A_213, %and3A_319] : memref<80x128xf32, #tpu.memory_space<vmem>>[vector<16xi32>, vector<16xi32>], vector<16xf32>,
        %mul3A_352 = arith.mulf %gather3A_350, %gather3A_351 : vector<16xf32>
        %add3A_353 = arith.addf %add3A_313, %mul3A_352 : vector<16xf32>
        %add3A_354 = arith.constant 4 : i32
        %add3A_355 = vector.broadcast %add3A_354 : i32 to vector<16xi32>
        %add3A_356 = arith.addi %and3A_319, %add3A_355 : vector<16xi32>
        %and3A_357 = arith.constant 127 : i32
        %and3A_358 = vector.broadcast %and3A_357 : i32 to vector<16xi32>
        %and3A_359 = arith.andi %add3A_356, %and3A_358 : vector<16xi32>
        %gather3A_360 = tpu.vector_load_idx %arg11[%add3A_213, %and3A_329] : memref<80x128xf32, #tpu.memory_space<vmem>>[vector<16xi32>, vector<16xi32>], vector<16xf32>,
        %gather3A_361 = tpu.vector_load_idx %arg13[%add3A_213, %and3A_329] : memref<80x128xf32, #tpu.memory_space<vmem>>[vector<16xi32>, vector<16xi32>], vector<16xf32>,
        %mul3A_362 = arith.mulf %gather3A_360, %gather3A_361 : vector<16xf32>
        %add3A_363 = arith.addf %add3A_323, %mul3A_362 : vector<16xf32>
        %add3A_364 = arith.constant 4 : i32
        %add3A_365 = vector.broadcast %add3A_364 : i32 to vector<16xi32>
        %add3A_366 = arith.addi %and3A_329, %add3A_365 : vector<16xi32>
        %and3A_367 = arith.constant 127 : i32
        %and3A_368 = vector.broadcast %and3A_367 : i32 to vector<16xi32>
        %and3A_369 = arith.andi %add3A_366, %and3A_368 : vector<16xi32>
        %gather3A_370 = tpu.vector_load_idx %arg11[%add3A_213, %and3A_339] : memref<80x128xf32, #tpu.memory_space<vmem>>[vector<16xi32>, vector<16xi32>], vector<16xf32>,
        %gather3A_371 = tpu.vector_load_idx %arg13[%add3A_213, %and3A_339] : memref<80x128xf32, #tpu.memory_space<vmem>>[vector<16xi32>, vector<16xi32>], vector<16xf32>,
        %mul3A_372 = arith.mulf %gather3A_370, %gather3A_371 : vector<16xf32>
        %add3A_373 = arith.addf %add3A_333, %mul3A_372 : vector<16xf32>
        %add3A_374 = arith.constant 4 : i32
        %add3A_375 = vector.broadcast %add3A_374 : i32 to vector<16xi32>
        %add3A_376 = arith.addi %and3A_339, %add3A_375 : vector<16xi32>
        %and3A_377 = arith.constant 127 : i32
        %and3A_378 = vector.broadcast %and3A_377 : i32 to vector<16xi32>
        %and3A_379 = arith.andi %add3A_376, %and3A_378 : vector<16xi32>
        %gather3A_380 = tpu.vector_load_idx %arg11[%add3A_213, %and3A_349] : memref<80x128xf32, #tpu.memory_space<vmem>>[vector<16xi32>, vector<16xi32>], vector<16xf32>,
        %gather3A_381 = tpu.vector_load_idx %arg13[%add3A_213, %and3A_349] : memref<80x128xf32, #tpu.memory_space<vmem>>[vector<16xi32>, vector<16xi32>], vector<16xf32>,
        %mul3A_382 = arith.mulf %gather3A_380, %gather3A_381 : vector<16xf32>
        %add3A_383 = arith.addf %add3A_343, %mul3A_382 : vector<16xf32>
        %add3A_384 = arith.constant 4 : i32
        %add3A_385 = vector.broadcast %add3A_384 : i32 to vector<16xi32>
        %add3A_386 = arith.addi %and3A_349, %add3A_385 : vector<16xi32>
        %and3A_387 = arith.constant 127 : i32
        %and3A_388 = vector.broadcast %and3A_387 : i32 to vector<16xi32>
        %and3A_389 = arith.andi %add3A_386, %and3A_388 : vector<16xi32>
        %gather3A_390 = tpu.vector_load_idx %arg11[%add3A_213, %and3A_359] : memref<80x128xf32, #tpu.memory_space<vmem>>[vector<16xi32>, vector<16xi32>], vector<16xf32>,
        %gather3A_391 = tpu.vector_load_idx %arg13[%add3A_213, %and3A_359] : memref<80x128xf32, #tpu.memory_space<vmem>>[vector<16xi32>, vector<16xi32>], vector<16xf32>,
        %mul3A_392 = arith.mulf %gather3A_390, %gather3A_391 : vector<16xf32>
        %add3A_393 = arith.addf %add3A_353, %mul3A_392 : vector<16xf32>
        %add3A_394 = arith.constant 4 : i32
        %add3A_395 = vector.broadcast %add3A_394 : i32 to vector<16xi32>
        %add3A_396 = arith.addi %and3A_359, %add3A_395 : vector<16xi32>
        %and3A_397 = arith.constant 127 : i32
        %and3A_398 = vector.broadcast %and3A_397 : i32 to vector<16xi32>
        %and3A_399 = arith.andi %add3A_396, %and3A_398 : vector<16xi32>
        %gather3A_400 = tpu.vector_load_idx %arg11[%add3A_213, %and3A_369] : memref<80x128xf32, #tpu.memory_space<vmem>>[vector<16xi32>, vector<16xi32>], vector<16xf32>,
        %gather3A_401 = tpu.vector_load_idx %arg13[%add3A_213, %and3A_369] : memref<80x128xf32, #tpu.memory_space<vmem>>[vector<16xi32>, vector<16xi32>], vector<16xf32>,
        %mul3A_402 = arith.mulf %gather3A_400, %gather3A_401 : vector<16xf32>
        %add3A_403 = arith.addf %add3A_363, %mul3A_402 : vector<16xf32>
        %add3A_404 = arith.constant 4 : i32
        %add3A_405 = vector.broadcast %add3A_404 : i32 to vector<16xi32>
        %add3A_406 = arith.addi %and3A_369, %add3A_405 : vector<16xi32>
        %and3A_407 = arith.constant 127 : i32
        %and3A_408 = vector.broadcast %and3A_407 : i32 to vector<16xi32>
        %and3A_409 = arith.andi %add3A_406, %and3A_408 : vector<16xi32>
        %gather3A_410 = tpu.vector_load_idx %arg11[%add3A_213, %and3A_379] : memref<80x128xf32, #tpu.memory_space<vmem>>[vector<16xi32>, vector<16xi32>], vector<16xf32>,
        %gather3A_411 = tpu.vector_load_idx %arg13[%add3A_213, %and3A_379] : memref<80x128xf32, #tpu.memory_space<vmem>>[vector<16xi32>, vector<16xi32>], vector<16xf32>,
        %mul3A_412 = arith.mulf %gather3A_410, %gather3A_411 : vector<16xf32>
        %add3A_413 = arith.addf %add3A_373, %mul3A_412 : vector<16xf32>
        %add3A_414 = arith.constant 4 : i32
        %add3A_415 = vector.broadcast %add3A_414 : i32 to vector<16xi32>
        %add3A_416 = arith.addi %and3A_379, %add3A_415 : vector<16xi32>
        %and3A_417 = arith.constant 127 : i32
        %and3A_418 = vector.broadcast %and3A_417 : i32 to vector<16xi32>
        %and3A_419 = arith.andi %add3A_416, %and3A_418 : vector<16xi32>
        scf.yield %add3A_383, %add3A_393, %add3A_403, %add3A_413, %and3A_389, %and3A_399, %and3A_409, %and3A_419 : vector<16xf32>, vector<16xf32>, vector<16xf32>, vector<16xf32>, vector<16xi32>, vector<16xi32>, vector<16xi32>, vector<16xi32>
      }
      %scan3A_238 = arith.constant 8 : i32
      %add3A_239 = arith.addf %scan3A_237#0, %scan3A_237#1 : vector<16xf32>
      %add3A_240 = arith.addf %scan3A_237#2, %scan3A_237#3 : vector<16xf32>
      %add3A_241 = arith.addf %add3A_239, %add3A_240 : vector<16xf32>
      %neg3A = arith.constant 0.000000e+00 : f32
      %neg3A_242 = vector.broadcast %neg3A : f32 to vector<16xf32>
      %neg3A_243 = arith.subf %neg3A_242, %add3A_241 : vector<16xf32>
      %exp3A = math.exp %neg3A_243 : vector<16xf32>
      %add3A_244 = arith.constant 1.000000e+00 : f32
      %add3A_245 = vector.broadcast %add3A_244 : f32 to vector<16xf32>
      %add3A_246 = arith.addf %add3A_245, %exp3A : vector<16xf32>
      %div3A = arith.constant 1.000000e+00 : f32
      %div3A_247 = vector.broadcast %div3A : f32 to vector<16xf32>
      %div3A_248 = arith.divf %div3A_247, %add3A_246 : vector<16xf32>
      %mul3A_249 = arith.constant 16 : i32
      %mul3A_250 = arith.muli %scan3A_208, %mul3A_249 : i32
      %swap3A = arith.index_cast %mul3A_250 : i32 to index
      %swap3A_251 = tpu.vector_load %arg15[%swap3A] {strides = array<i32>} : memref<80xf32, #tpu.memory_space<vmem>>, vector<16xf32>,
      tpu.vector_store %arg15[%swap3A], %div3A_248 {strides = array<i32>} : memref<80xf32, #tpu.memory_space<vmem>>, vector<16xf32>,
      %scan3A_252 = arith.constant 0 : i32
      scf.yield %scan3A_252 : i32
    }
    %scan3A_147 = arith.constant 5 : i32
    %add3A_148 = arith.constant 9760 : i32
    %add3A_149 = arith.addi %mul3A_2, %add3A_148 : i32
    %dma_start3A_150 = tpu.memref_slice %arg6[%add3A_149] : memref<320000xf32, #tpu.memory_space<hbm>> -> memref<80xf32, #tpu.memory_space<hbm>>
    %dma_start3A_151 = tpu.memref_slice %arg6[%add3A_149] : memref<320000xf32, #tpu.memory_space<hbm>> -> memref<80xf32, #tpu.memory_space<hbm>>
    tpu.enqueue_dma source(%arg15 : memref<80xf32, #tpu.memory_space<vmem>>) target(%dma_start3A_151 : memref<80xf32, #tpu.memory_space<hbm>>) target_semaphore(%arg26 : memref<!tpu.dma_semaphore, #tpu.memory_space<semaphore_mem>>)
    %dma_wait3A_152 = arith.constant 0 : i32
    %dma_wait3A_153 = tpu.memref_slice %arg4[%dma_wait3A_152] : memref<320000xi32, #tpu.memory_space<hbm>> -> memref<80xi32, #tpu.memory_space<hbm>>
    %dma_wait3A_154 = arith.constant 0 : i32
    %dma_wait3A_155 = tpu.memref_slice %arg4[%dma_wait3A_154] : memref<320000xi32, #tpu.memory_space<hbm>> -> memref<80xi32, #tpu.memory_space<hbm>>
    tpu.wait_dma2 semaphore(%arg18 : memref<!tpu.dma_semaphore, #tpu.memory_space<semaphore_mem>>) src(%dma_wait3A_155 : memref<80xi32, #tpu.memory_space<hbm>>) dst(%arg7 : memref<80xi32, #tpu.memory_space<vmem>>)
    %dma_wait3A_156 = arith.constant 0 : i32
    %dma_wait3A_157 = tpu.memref_slice %arg5[%dma_wait3A_156] : memref<320000xi32, #tpu.memory_space<hbm>> -> memref<80xi32, #tpu.memory_space<hbm>>
    %dma_wait3A_158 = arith.constant 0 : i32
    %dma_wait3A_159 = tpu.memref_slice %arg5[%dma_wait3A_158] : memref<320000xi32, #tpu.memory_space<hbm>> -> memref<80xi32, #tpu.memory_space<hbm>>
    tpu.wait_dma2 semaphore(%arg20 : memref<!tpu.dma_semaphore, #tpu.memory_space<semaphore_mem>>) src(%dma_wait3A_159 : memref<80xi32, #tpu.memory_space<hbm>>) dst(%arg9 : memref<80xi32, #tpu.memory_space<vmem>>)
    %dma_start3A_160 = arith.constant 0 : i32
    %dma_start3A_161 = arith.constant 0 : i32
    %dma_start3A_162 = tpu.memref_slice %arg17[%dma_start3A_160, %dma_start3A_161] : memref<10000x128xf32, #tpu.memory_space<vmem_shared>> -> memref<10000x128xf32, #tpu.memory_space<vmem_shared>>
    tpu.enqueue_indirect_dma source(%dma_start3A_162 : memref<10000x128xf32, #tpu.memory_space<vmem_shared>>) target(%arg11 : memref<80x128xf32, #tpu.memory_space<vmem>>) offsets(%arg7 : memref<80xi32, #tpu.memory_space<vmem>>) semaphore(%arg22 : memref<!tpu.dma_semaphore, #tpu.memory_space<semaphore_mem>>)
    %dma_start3A_163 = arith.constant 0 : i32
    %dma_start3A_164 = arith.constant 0 : i32
    %dma_start3A_165 = tpu.memref_slice %arg3[%dma_start3A_163, %dma_start3A_164] : memref<10000x128xf32, #tpu.memory_space<hbm>> -> memref<10000x128xf32, #tpu.memory_space<hbm>>
    tpu.enqueue_indirect_dma source(%dma_start3A_165 : memref<10000x128xf32, #tpu.memory_space<hbm>>) target(%arg13 : memref<80x128xf32, #tpu.memory_space<vmem>>) offsets(%arg9 : memref<80xi32, #tpu.memory_space<vmem>>) semaphore(%arg24 : memref<!tpu.dma_semaphore, #tpu.memory_space<semaphore_mem>>)
    %dma_wait3A_166 = arith.constant 0 : i32
    %dma_wait3A_167 = arith.constant 0 : i32
    %dma_wait3A_168 = tpu.memref_slice %arg17[%dma_wait3A_166, %dma_wait3A_167] : memref<10000x128xf32, #tpu.memory_space<vmem_shared>> -> memref<10000x128xf32, #tpu.memory_space<vmem_shared>>
    tpu.wait_indirect_dma semaphore(%arg23 : memref<!tpu.dma_semaphore, #tpu.memory_space<semaphore_mem>>) src(%dma_wait3A_168 : memref<10000x128xf32, #tpu.memory_space<vmem_shared>>) dst(%arg12 : memref<80x128xf32, #tpu.memory_space<vmem>>)
    %dma_wait3A_169 = arith.constant 0 : i32
    %dma_wait3A_170 = arith.constant 0 : i32
    %dma_wait3A_171 = tpu.memref_slice %arg3[%dma_wait3A_169, %dma_wait3A_170] : memref<10000x128xf32, #tpu.memory_space<hbm>> -> memref<10000x128xf32, #tpu.memory_space<hbm>>
    tpu.wait_indirect_dma semaphore(%arg25 : memref<!tpu.dma_semaphore, #tpu.memory_space<semaphore_mem>>) src(%dma_wait3A_171 : memref<10000x128xf32, #tpu.memory_space<hbm>>) dst(%arg14 : memref<80x128xf32, #tpu.memory_space<vmem>>)
    %dma_wait3A_172 = tpu.memref_slice %arg6[%mul3A_2] : memref<320000xf32, #tpu.memory_space<hbm>> -> memref<80xf32, #tpu.memory_space<hbm>>
    %dma_wait3A_173 = tpu.memref_slice %arg6[%mul3A_2] : memref<320000xf32, #tpu.memory_space<hbm>> -> memref<80xf32, #tpu.memory_space<hbm>>
    tpu.wait_dma2 semaphore(%arg27 : memref<!tpu.dma_semaphore, #tpu.memory_space<semaphore_mem>>) src(%arg16 : memref<80xf32, #tpu.memory_space<vmem>>) dst(%dma_wait3A_173 : memref<80xf32, #tpu.memory_space<hbm>>)
    %scan3A_174 = arith.constant 0 : i32
    %scan3A_175 = arith.constant 0 : i32
    %scan3A_176 = arith.constant 5 : i32
    %scan3A_177 = arith.addi %scan3A_175, %scan3A_176 : i32
    %scan3A_178 = arith.constant 1 : i32
    %scan3A_179 = scf.for %scan3A_208 = %scan3A_175 to %scan3A_177 step %scan3A_178 iter_args(%scan3A_209 = %scan3A_174) -> (i32)  : i32 {
      %mul3A_210 = arith.constant 16 : i32
      %mul3A_211 = arith.muli %scan3A_208, %mul3A_210 : i32
      %add3A_212 = vector.broadcast %mul3A_211 : i32 to vector<16xi32>
      %add3A_213 = arith.addi %add3A_212, %iota3A : vector<16xi32>
      %add3A_214 = arith.constant 0 : i32
      %add3A_215 = vector.broadcast %add3A_214 : i32 to vector<16xi32>
      %add3A_216 = arith.addi %iota3A, %add3A_215 : vector<16xi32>
      %add3A_217 = arith.constant 1 : i32
      %add3A_218 = vector.broadcast %add3A_217 : i32 to vector<16xi32>
      %add3A_219 = arith.addi %iota3A, %add3A_218 : vector<16xi32>
      %add3A_220 = arith.constant 2 : i32
      %add3A_221 = vector.broadcast %add3A_220 : i32 to vector<16xi32>
      %add3A_222 = arith.addi %iota3A, %add3A_221 : vector<16xi32>
      %add3A_223 = arith.constant 3 : i32
      %add3A_224 = vector.broadcast %add3A_223 : i32 to vector<16xi32>
      %add3A_225 = arith.addi %iota3A, %add3A_224 : vector<16xi32>
      %broadcast_in_dim3A = arith.constant 0.000000e+00 : f32
      %broadcast_in_dim3A_226 = vector.broadcast %broadcast_in_dim3A : f32 to vector<16xf32>
      %broadcast_in_dim3A_227 = arith.constant 0.000000e+00 : f32
      %broadcast_in_dim3A_228 = vector.broadcast %broadcast_in_dim3A_227 : f32 to vector<16xf32>
      %broadcast_in_dim3A_229 = arith.constant 0.000000e+00 : f32
      %broadcast_in_dim3A_230 = vector.broadcast %broadcast_in_dim3A_229 : f32 to vector<16xf32>
      %broadcast_in_dim3A_231 = arith.constant 0.000000e+00 : f32
      %broadcast_in_dim3A_232 = vector.broadcast %broadcast_in_dim3A_231 : f32 to vector<16xf32>
      %scan3A_233 = arith.constant 0 : i32
      %scan3A_234 = arith.constant 8 : i32
      %scan3A_235 = arith.addi %scan3A_233, %scan3A_234 : i32
      %scan3A_236 = arith.constant 1 : i32
      %scan3A_237:8 = scf.for %scan3A_253 = %scan3A_233 to %scan3A_235 step %scan3A_236 iter_args(%scan3A_254 = %broadcast_in_dim3A_226, %scan3A_255 = %broadcast_in_dim3A_228, %scan3A_256 = %broadcast_in_dim3A_230, %scan3A_257 = %broadcast_in_dim3A_232, %scan3A_258 = %add3A_216, %scan3A_259 = %add3A_219, %scan3A_260 = %add3A_222, %scan3A_261 = %add3A_225) -> (vector<16xf32>, vector<16xf32>, vector<16xf32>, vector<16xf32>, vector<16xi32>, vector<16xi32>, vector<16xi32>, vector<16xi32>)  : i32 {
        %gather3A = tpu.vector_load_idx %arg12[%add3A_213, %scan3A_258] : memref<80x128xf32, #tpu.memory_space<vmem>>[vector<16xi32>, vector<16xi32>], vector<16xf32>,
        %gather3A_262 = tpu.vector_load_idx %arg14[%add3A_213, %scan3A_258] : memref<80x128xf32, #tpu.memory_space<vmem>>[vector<16xi32>, vector<16xi32>], vector<16xf32>,
        %mul3A_263 = arith.mulf %gather3A, %gather3A_262 : vector<16xf32>
        %add3A_264 = arith.addf %scan3A_254, %mul3A_263 : vector<16xf32>
        %add3A_265 = arith.constant 4 : i32
        %add3A_266 = vector.broadcast %add3A_265 : i32 to vector<16xi32>
        %add3A_267 = arith.addi %scan3A_258, %add3A_266 : vector<16xi32>
        %and3A = arith.constant 127 : i32
        %and3A_268 = vector.broadcast %and3A : i32 to vector<16xi32>
        %and3A_269 = arith.andi %add3A_267, %and3A_268 : vector<16xi32>
        %gather3A_270 = tpu.vector_load_idx %arg12[%add3A_213, %scan3A_259] : memref<80x128xf32, #tpu.memory_space<vmem>>[vector<16xi32>, vector<16xi32>], vector<16xf32>,
        %gather3A_271 = tpu.vector_load_idx %arg14[%add3A_213, %scan3A_259] : memref<80x128xf32, #tpu.memory_space<vmem>>[vector<16xi32>, vector<16xi32>], vector<16xf32>,
        %mul3A_272 = arith.mulf %gather3A_270, %gather3A_271 : vector<16xf32>
        %add3A_273 = arith.addf %scan3A_255, %mul3A_272 : vector<16xf32>
        %add3A_274 = arith.constant 4 : i32
        %add3A_275 = vector.broadcast %add3A_274 : i32 to vector<16xi32>
        %add3A_276 = arith.addi %scan3A_259, %add3A_275 : vector<16xi32>
        %and3A_277 = arith.constant 127 : i32
        %and3A_278 = vector.broadcast %and3A_277 : i32 to vector<16xi32>
        %and3A_279 = arith.andi %add3A_276, %and3A_278 : vector<16xi32>
        %gather3A_280 = tpu.vector_load_idx %arg12[%add3A_213, %scan3A_260] : memref<80x128xf32, #tpu.memory_space<vmem>>[vector<16xi32>, vector<16xi32>], vector<16xf32>,
        %gather3A_281 = tpu.vector_load_idx %arg14[%add3A_213, %scan3A_260] : memref<80x128xf32, #tpu.memory_space<vmem>>[vector<16xi32>, vector<16xi32>], vector<16xf32>,
        %mul3A_282 = arith.mulf %gather3A_280, %gather3A_281 : vector<16xf32>
        %add3A_283 = arith.addf %scan3A_256, %mul3A_282 : vector<16xf32>
        %add3A_284 = arith.constant 4 : i32
        %add3A_285 = vector.broadcast %add3A_284 : i32 to vector<16xi32>
        %add3A_286 = arith.addi %scan3A_260, %add3A_285 : vector<16xi32>
        %and3A_287 = arith.constant 127 : i32
        %and3A_288 = vector.broadcast %and3A_287 : i32 to vector<16xi32>
        %and3A_289 = arith.andi %add3A_286, %and3A_288 : vector<16xi32>
        %gather3A_290 = tpu.vector_load_idx %arg12[%add3A_213, %scan3A_261] : memref<80x128xf32, #tpu.memory_space<vmem>>[vector<16xi32>, vector<16xi32>], vector<16xf32>,
        %gather3A_291 = tpu.vector_load_idx %arg14[%add3A_213, %scan3A_261] : memref<80x128xf32, #tpu.memory_space<vmem>>[vector<16xi32>, vector<16xi32>], vector<16xf32>,
        %mul3A_292 = arith.mulf %gather3A_290, %gather3A_291 : vector<16xf32>
        %add3A_293 = arith.addf %scan3A_257, %mul3A_292 : vector<16xf32>
        %add3A_294 = arith.constant 4 : i32
        %add3A_295 = vector.broadcast %add3A_294 : i32 to vector<16xi32>
        %add3A_296 = arith.addi %scan3A_261, %add3A_295 : vector<16xi32>
        %and3A_297 = arith.constant 127 : i32
        %and3A_298 = vector.broadcast %and3A_297 : i32 to vector<16xi32>
        %and3A_299 = arith.andi %add3A_296, %and3A_298 : vector<16xi32>
        %gather3A_300 = tpu.vector_load_idx %arg12[%add3A_213, %and3A_269] : memref<80x128xf32, #tpu.memory_space<vmem>>[vector<16xi32>, vector<16xi32>], vector<16xf32>,
        %gather3A_301 = tpu.vector_load_idx %arg14[%add3A_213, %and3A_269] : memref<80x128xf32, #tpu.memory_space<vmem>>[vector<16xi32>, vector<16xi32>], vector<16xf32>,
        %mul3A_302 = arith.mulf %gather3A_300, %gather3A_301 : vector<16xf32>
        %add3A_303 = arith.addf %add3A_264, %mul3A_302 : vector<16xf32>
        %add3A_304 = arith.constant 4 : i32
        %add3A_305 = vector.broadcast %add3A_304 : i32 to vector<16xi32>
        %add3A_306 = arith.addi %and3A_269, %add3A_305 : vector<16xi32>
        %and3A_307 = arith.constant 127 : i32
        %and3A_308 = vector.broadcast %and3A_307 : i32 to vector<16xi32>
        %and3A_309 = arith.andi %add3A_306, %and3A_308 : vector<16xi32>
        %gather3A_310 = tpu.vector_load_idx %arg12[%add3A_213, %and3A_279] : memref<80x128xf32, #tpu.memory_space<vmem>>[vector<16xi32>, vector<16xi32>], vector<16xf32>,
        %gather3A_311 = tpu.vector_load_idx %arg14[%add3A_213, %and3A_279] : memref<80x128xf32, #tpu.memory_space<vmem>>[vector<16xi32>, vector<16xi32>], vector<16xf32>,
        %mul3A_312 = arith.mulf %gather3A_310, %gather3A_311 : vector<16xf32>
        %add3A_313 = arith.addf %add3A_273, %mul3A_312 : vector<16xf32>
        %add3A_314 = arith.constant 4 : i32
        %add3A_315 = vector.broadcast %add3A_314 : i32 to vector<16xi32>
        %add3A_316 = arith.addi %and3A_279, %add3A_315 : vector<16xi32>
        %and3A_317 = arith.constant 127 : i32
        %and3A_318 = vector.broadcast %and3A_317 : i32 to vector<16xi32>
        %and3A_319 = arith.andi %add3A_316, %and3A_318 : vector<16xi32>
        %gather3A_320 = tpu.vector_load_idx %arg12[%add3A_213, %and3A_289] : memref<80x128xf32, #tpu.memory_space<vmem>>[vector<16xi32>, vector<16xi32>], vector<16xf32>,
        %gather3A_321 = tpu.vector_load_idx %arg14[%add3A_213, %and3A_289] : memref<80x128xf32, #tpu.memory_space<vmem>>[vector<16xi32>, vector<16xi32>], vector<16xf32>,
        %mul3A_322 = arith.mulf %gather3A_320, %gather3A_321 : vector<16xf32>
        %add3A_323 = arith.addf %add3A_283, %mul3A_322 : vector<16xf32>
        %add3A_324 = arith.constant 4 : i32
        %add3A_325 = vector.broadcast %add3A_324 : i32 to vector<16xi32>
        %add3A_326 = arith.addi %and3A_289, %add3A_325 : vector<16xi32>
        %and3A_327 = arith.constant 127 : i32
        %and3A_328 = vector.broadcast %and3A_327 : i32 to vector<16xi32>
        %and3A_329 = arith.andi %add3A_326, %and3A_328 : vector<16xi32>
        %gather3A_330 = tpu.vector_load_idx %arg12[%add3A_213, %and3A_299] : memref<80x128xf32, #tpu.memory_space<vmem>>[vector<16xi32>, vector<16xi32>], vector<16xf32>,
        %gather3A_331 = tpu.vector_load_idx %arg14[%add3A_213, %and3A_299] : memref<80x128xf32, #tpu.memory_space<vmem>>[vector<16xi32>, vector<16xi32>], vector<16xf32>,
        %mul3A_332 = arith.mulf %gather3A_330, %gather3A_331 : vector<16xf32>
        %add3A_333 = arith.addf %add3A_293, %mul3A_332 : vector<16xf32>
        %add3A_334 = arith.constant 4 : i32
        %add3A_335 = vector.broadcast %add3A_334 : i32 to vector<16xi32>
        %add3A_336 = arith.addi %and3A_299, %add3A_335 : vector<16xi32>
        %and3A_337 = arith.constant 127 : i32
        %and3A_338 = vector.broadcast %and3A_337 : i32 to vector<16xi32>
        %and3A_339 = arith.andi %add3A_336, %and3A_338 : vector<16xi32>
        %gather3A_340 = tpu.vector_load_idx %arg12[%add3A_213, %and3A_309] : memref<80x128xf32, #tpu.memory_space<vmem>>[vector<16xi32>, vector<16xi32>], vector<16xf32>,
        %gather3A_341 = tpu.vector_load_idx %arg14[%add3A_213, %and3A_309] : memref<80x128xf32, #tpu.memory_space<vmem>>[vector<16xi32>, vector<16xi32>], vector<16xf32>,
        %mul3A_342 = arith.mulf %gather3A_340, %gather3A_341 : vector<16xf32>
        %add3A_343 = arith.addf %add3A_303, %mul3A_342 : vector<16xf32>
        %add3A_344 = arith.constant 4 : i32
        %add3A_345 = vector.broadcast %add3A_344 : i32 to vector<16xi32>
        %add3A_346 = arith.addi %and3A_309, %add3A_345 : vector<16xi32>
        %and3A_347 = arith.constant 127 : i32
        %and3A_348 = vector.broadcast %and3A_347 : i32 to vector<16xi32>
        %and3A_349 = arith.andi %add3A_346, %and3A_348 : vector<16xi32>
        %gather3A_350 = tpu.vector_load_idx %arg12[%add3A_213, %and3A_319] : memref<80x128xf32, #tpu.memory_space<vmem>>[vector<16xi32>, vector<16xi32>], vector<16xf32>,
        %gather3A_351 = tpu.vector_load_idx %arg14[%add3A_213, %and3A_319] : memref<80x128xf32, #tpu.memory_space<vmem>>[vector<16xi32>, vector<16xi32>], vector<16xf32>,
        %mul3A_352 = arith.mulf %gather3A_350, %gather3A_351 : vector<16xf32>
        %add3A_353 = arith.addf %add3A_313, %mul3A_352 : vector<16xf32>
        %add3A_354 = arith.constant 4 : i32
        %add3A_355 = vector.broadcast %add3A_354 : i32 to vector<16xi32>
        %add3A_356 = arith.addi %and3A_319, %add3A_355 : vector<16xi32>
        %and3A_357 = arith.constant 127 : i32
        %and3A_358 = vector.broadcast %and3A_357 : i32 to vector<16xi32>
        %and3A_359 = arith.andi %add3A_356, %and3A_358 : vector<16xi32>
        %gather3A_360 = tpu.vector_load_idx %arg12[%add3A_213, %and3A_329] : memref<80x128xf32, #tpu.memory_space<vmem>>[vector<16xi32>, vector<16xi32>], vector<16xf32>,
        %gather3A_361 = tpu.vector_load_idx %arg14[%add3A_213, %and3A_329] : memref<80x128xf32, #tpu.memory_space<vmem>>[vector<16xi32>, vector<16xi32>], vector<16xf32>,
        %mul3A_362 = arith.mulf %gather3A_360, %gather3A_361 : vector<16xf32>
        %add3A_363 = arith.addf %add3A_323, %mul3A_362 : vector<16xf32>
        %add3A_364 = arith.constant 4 : i32
        %add3A_365 = vector.broadcast %add3A_364 : i32 to vector<16xi32>
        %add3A_366 = arith.addi %and3A_329, %add3A_365 : vector<16xi32>
        %and3A_367 = arith.constant 127 : i32
        %and3A_368 = vector.broadcast %and3A_367 : i32 to vector<16xi32>
        %and3A_369 = arith.andi %add3A_366, %and3A_368 : vector<16xi32>
        %gather3A_370 = tpu.vector_load_idx %arg12[%add3A_213, %and3A_339] : memref<80x128xf32, #tpu.memory_space<vmem>>[vector<16xi32>, vector<16xi32>], vector<16xf32>,
        %gather3A_371 = tpu.vector_load_idx %arg14[%add3A_213, %and3A_339] : memref<80x128xf32, #tpu.memory_space<vmem>>[vector<16xi32>, vector<16xi32>], vector<16xf32>,
        %mul3A_372 = arith.mulf %gather3A_370, %gather3A_371 : vector<16xf32>
        %add3A_373 = arith.addf %add3A_333, %mul3A_372 : vector<16xf32>
        %add3A_374 = arith.constant 4 : i32
        %add3A_375 = vector.broadcast %add3A_374 : i32 to vector<16xi32>
        %add3A_376 = arith.addi %and3A_339, %add3A_375 : vector<16xi32>
        %and3A_377 = arith.constant 127 : i32
        %and3A_378 = vector.broadcast %and3A_377 : i32 to vector<16xi32>
        %and3A_379 = arith.andi %add3A_376, %and3A_378 : vector<16xi32>
        %gather3A_380 = tpu.vector_load_idx %arg12[%add3A_213, %and3A_349] : memref<80x128xf32, #tpu.memory_space<vmem>>[vector<16xi32>, vector<16xi32>], vector<16xf32>,
        %gather3A_381 = tpu.vector_load_idx %arg14[%add3A_213, %and3A_349] : memref<80x128xf32, #tpu.memory_space<vmem>>[vector<16xi32>, vector<16xi32>], vector<16xf32>,
        %mul3A_382 = arith.mulf %gather3A_380, %gather3A_381 : vector<16xf32>
        %add3A_383 = arith.addf %add3A_343, %mul3A_382 : vector<16xf32>
        %add3A_384 = arith.constant 4 : i32
        %add3A_385 = vector.broadcast %add3A_384 : i32 to vector<16xi32>
        %add3A_386 = arith.addi %and3A_349, %add3A_385 : vector<16xi32>
        %and3A_387 = arith.constant 127 : i32
        %and3A_388 = vector.broadcast %and3A_387 : i32 to vector<16xi32>
        %and3A_389 = arith.andi %add3A_386, %and3A_388 : vector<16xi32>
        %gather3A_390 = tpu.vector_load_idx %arg12[%add3A_213, %and3A_359] : memref<80x128xf32, #tpu.memory_space<vmem>>[vector<16xi32>, vector<16xi32>], vector<16xf32>,
        %gather3A_391 = tpu.vector_load_idx %arg14[%add3A_213, %and3A_359] : memref<80x128xf32, #tpu.memory_space<vmem>>[vector<16xi32>, vector<16xi32>], vector<16xf32>,
        %mul3A_392 = arith.mulf %gather3A_390, %gather3A_391 : vector<16xf32>
        %add3A_393 = arith.addf %add3A_353, %mul3A_392 : vector<16xf32>
        %add3A_394 = arith.constant 4 : i32
        %add3A_395 = vector.broadcast %add3A_394 : i32 to vector<16xi32>
        %add3A_396 = arith.addi %and3A_359, %add3A_395 : vector<16xi32>
        %and3A_397 = arith.constant 127 : i32
        %and3A_398 = vector.broadcast %and3A_397 : i32 to vector<16xi32>
        %and3A_399 = arith.andi %add3A_396, %and3A_398 : vector<16xi32>
        %gather3A_400 = tpu.vector_load_idx %arg12[%add3A_213, %and3A_369] : memref<80x128xf32, #tpu.memory_space<vmem>>[vector<16xi32>, vector<16xi32>], vector<16xf32>,
        %gather3A_401 = tpu.vector_load_idx %arg14[%add3A_213, %and3A_369] : memref<80x128xf32, #tpu.memory_space<vmem>>[vector<16xi32>, vector<16xi32>], vector<16xf32>,
        %mul3A_402 = arith.mulf %gather3A_400, %gather3A_401 : vector<16xf32>
        %add3A_403 = arith.addf %add3A_363, %mul3A_402 : vector<16xf32>
        %add3A_404 = arith.constant 4 : i32
        %add3A_405 = vector.broadcast %add3A_404 : i32 to vector<16xi32>
        %add3A_406 = arith.addi %and3A_369, %add3A_405 : vector<16xi32>
        %and3A_407 = arith.constant 127 : i32
        %and3A_408 = vector.broadcast %and3A_407 : i32 to vector<16xi32>
        %and3A_409 = arith.andi %add3A_406, %and3A_408 : vector<16xi32>
        %gather3A_410 = tpu.vector_load_idx %arg12[%add3A_213, %and3A_379] : memref<80x128xf32, #tpu.memory_space<vmem>>[vector<16xi32>, vector<16xi32>], vector<16xf32>,
        %gather3A_411 = tpu.vector_load_idx %arg14[%add3A_213, %and3A_379] : memref<80x128xf32, #tpu.memory_space<vmem>>[vector<16xi32>, vector<16xi32>], vector<16xf32>,
        %mul3A_412 = arith.mulf %gather3A_410, %gather3A_411 : vector<16xf32>
        %add3A_413 = arith.addf %add3A_373, %mul3A_412 : vector<16xf32>
        %add3A_414 = arith.constant 4 : i32
        %add3A_415 = vector.broadcast %add3A_414 : i32 to vector<16xi32>
        %add3A_416 = arith.addi %and3A_379, %add3A_415 : vector<16xi32>
        %and3A_417 = arith.constant 127 : i32
        %and3A_418 = vector.broadcast %and3A_417 : i32 to vector<16xi32>
        %and3A_419 = arith.andi %add3A_416, %and3A_418 : vector<16xi32>
        scf.yield %add3A_383, %add3A_393, %add3A_403, %add3A_413, %and3A_389, %and3A_399, %and3A_409, %and3A_419 : vector<16xf32>, vector<16xf32>, vector<16xf32>, vector<16xf32>, vector<16xi32>, vector<16xi32>, vector<16xi32>, vector<16xi32>
      }
      %scan3A_238 = arith.constant 8 : i32
      %add3A_239 = arith.addf %scan3A_237#0, %scan3A_237#1 : vector<16xf32>
      %add3A_240 = arith.addf %scan3A_237#2, %scan3A_237#3 : vector<16xf32>
      %add3A_241 = arith.addf %add3A_239, %add3A_240 : vector<16xf32>
      %neg3A = arith.constant 0.000000e+00 : f32
      %neg3A_242 = vector.broadcast %neg3A : f32 to vector<16xf32>
      %neg3A_243 = arith.subf %neg3A_242, %add3A_241 : vector<16xf32>
      %exp3A = math.exp %neg3A_243 : vector<16xf32>
      %add3A_244 = arith.constant 1.000000e+00 : f32
      %add3A_245 = vector.broadcast %add3A_244 : f32 to vector<16xf32>
      %add3A_246 = arith.addf %add3A_245, %exp3A : vector<16xf32>
      %div3A = arith.constant 1.000000e+00 : f32
      %div3A_247 = vector.broadcast %div3A : f32 to vector<16xf32>
      %div3A_248 = arith.divf %div3A_247, %add3A_246 : vector<16xf32>
      %mul3A_249 = arith.constant 16 : i32
      %mul3A_250 = arith.muli %scan3A_208, %mul3A_249 : i32
      %swap3A = arith.index_cast %mul3A_250 : i32 to index
      %swap3A_251 = tpu.vector_load %arg16[%swap3A] {strides = array<i32>} : memref<80xf32, #tpu.memory_space<vmem>>, vector<16xf32>,
      tpu.vector_store %arg16[%swap3A], %div3A_248 {strides = array<i32>} : memref<80xf32, #tpu.memory_space<vmem>>, vector<16xf32>,
      %scan3A_252 = arith.constant 0 : i32
      scf.yield %scan3A_252 : i32
    }
    %scan3A_180 = arith.constant 5 : i32
    %add3A_181 = arith.constant 9840 : i32
    %add3A_182 = arith.addi %mul3A_2, %add3A_181 : i32
    %dma_start3A_183 = tpu.memref_slice %arg6[%add3A_182] : memref<320000xf32, #tpu.memory_space<hbm>> -> memref<80xf32, #tpu.memory_space<hbm>>
    %dma_start3A_184 = tpu.memref_slice %arg6[%add3A_182] : memref<320000xf32, #tpu.memory_space<hbm>> -> memref<80xf32, #tpu.memory_space<hbm>>
    tpu.enqueue_dma source(%arg16 : memref<80xf32, #tpu.memory_space<vmem>>) target(%dma_start3A_184 : memref<80xf32, #tpu.memory_space<hbm>>) target_semaphore(%arg27 : memref<!tpu.dma_semaphore, #tpu.memory_space<semaphore_mem>>)
    %dma_wait3A_185 = arith.constant 0 : i32
    %dma_wait3A_186 = arith.constant 0 : i32
    %dma_wait3A_187 = tpu.memref_slice %arg17[%dma_wait3A_185, %dma_wait3A_186] : memref<10000x128xf32, #tpu.memory_space<vmem_shared>> -> memref<10000x128xf32, #tpu.memory_space<vmem_shared>>
    tpu.wait_indirect_dma semaphore(%arg22 : memref<!tpu.dma_semaphore, #tpu.memory_space<semaphore_mem>>) src(%dma_wait3A_187 : memref<10000x128xf32, #tpu.memory_space<vmem_shared>>) dst(%arg11 : memref<80x128xf32, #tpu.memory_space<vmem>>)
    %dma_wait3A_188 = arith.constant 0 : i32
    %dma_wait3A_189 = arith.constant 0 : i32
    %dma_wait3A_190 = tpu.memref_slice %arg3[%dma_wait3A_188, %dma_wait3A_189] : memref<10000x128xf32, #tpu.memory_space<hbm>> -> memref<10000x128xf32, #tpu.memory_space<hbm>>
    tpu.wait_indirect_dma semaphore(%arg24 : memref<!tpu.dma_semaphore, #tpu.memory_space<semaphore_mem>>) src(%dma_wait3A_190 : memref<10000x128xf32, #tpu.memory_space<hbm>>) dst(%arg13 : memref<80x128xf32, #tpu.memory_space<vmem>>)
    %dma_wait3A_191 = tpu.memref_slice %arg6[%mul3A_2] : memref<320000xf32, #tpu.memory_space<hbm>> -> memref<80xf32, #tpu.memory_space<hbm>>
    %dma_wait3A_192 = tpu.memref_slice %arg6[%mul3A_2] : memref<320000xf32, #tpu.memory_space<hbm>> -> memref<80xf32, #tpu.memory_space<hbm>>
    tpu.wait_dma2 semaphore(%arg26 : memref<!tpu.dma_semaphore, #tpu.memory_space<semaphore_mem>>) src(%arg15 : memref<80xf32, #tpu.memory_space<vmem>>) dst(%dma_wait3A_192 : memref<80xf32, #tpu.memory_space<hbm>>)
    %scan3A_193 = arith.constant 0 : i32
    %scan3A_194 = arith.constant 0 : i32
    %scan3A_195 = arith.constant 5 : i32
    %scan3A_196 = arith.addi %scan3A_194, %scan3A_195 : i32
    %scan3A_197 = arith.constant 1 : i32
    %scan3A_198 = scf.for %scan3A_208 = %scan3A_194 to %scan3A_196 step %scan3A_197 iter_args(%scan3A_209 = %scan3A_193) -> (i32)  : i32 {
      %mul3A_210 = arith.constant 16 : i32
      %mul3A_211 = arith.muli %scan3A_208, %mul3A_210 : i32
      %add3A_212 = vector.broadcast %mul3A_211 : i32 to vector<16xi32>
      %add3A_213 = arith.addi %add3A_212, %iota3A : vector<16xi32>
      %add3A_214 = arith.constant 0 : i32
      %add3A_215 = vector.broadcast %add3A_214 : i32 to vector<16xi32>
      %add3A_216 = arith.addi %iota3A, %add3A_215 : vector<16xi32>
      %add3A_217 = arith.constant 1 : i32
      %add3A_218 = vector.broadcast %add3A_217 : i32 to vector<16xi32>
      %add3A_219 = arith.addi %iota3A, %add3A_218 : vector<16xi32>
      %add3A_220 = arith.constant 2 : i32
      %add3A_221 = vector.broadcast %add3A_220 : i32 to vector<16xi32>
      %add3A_222 = arith.addi %iota3A, %add3A_221 : vector<16xi32>
      %add3A_223 = arith.constant 3 : i32
      %add3A_224 = vector.broadcast %add3A_223 : i32 to vector<16xi32>
      %add3A_225 = arith.addi %iota3A, %add3A_224 : vector<16xi32>
      %broadcast_in_dim3A = arith.constant 0.000000e+00 : f32
      %broadcast_in_dim3A_226 = vector.broadcast %broadcast_in_dim3A : f32 to vector<16xf32>
      %broadcast_in_dim3A_227 = arith.constant 0.000000e+00 : f32
      %broadcast_in_dim3A_228 = vector.broadcast %broadcast_in_dim3A_227 : f32 to vector<16xf32>
      %broadcast_in_dim3A_229 = arith.constant 0.000000e+00 : f32
      %broadcast_in_dim3A_230 = vector.broadcast %broadcast_in_dim3A_229 : f32 to vector<16xf32>
      %broadcast_in_dim3A_231 = arith.constant 0.000000e+00 : f32
      %broadcast_in_dim3A_232 = vector.broadcast %broadcast_in_dim3A_231 : f32 to vector<16xf32>
      %scan3A_233 = arith.constant 0 : i32
      %scan3A_234 = arith.constant 8 : i32
      %scan3A_235 = arith.addi %scan3A_233, %scan3A_234 : i32
      %scan3A_236 = arith.constant 1 : i32
      %scan3A_237:8 = scf.for %scan3A_253 = %scan3A_233 to %scan3A_235 step %scan3A_236 iter_args(%scan3A_254 = %broadcast_in_dim3A_226, %scan3A_255 = %broadcast_in_dim3A_228, %scan3A_256 = %broadcast_in_dim3A_230, %scan3A_257 = %broadcast_in_dim3A_232, %scan3A_258 = %add3A_216, %scan3A_259 = %add3A_219, %scan3A_260 = %add3A_222, %scan3A_261 = %add3A_225) -> (vector<16xf32>, vector<16xf32>, vector<16xf32>, vector<16xf32>, vector<16xi32>, vector<16xi32>, vector<16xi32>, vector<16xi32>)  : i32 {
        %gather3A = tpu.vector_load_idx %arg11[%add3A_213, %scan3A_258] : memref<80x128xf32, #tpu.memory_space<vmem>>[vector<16xi32>, vector<16xi32>], vector<16xf32>,
        %gather3A_262 = tpu.vector_load_idx %arg13[%add3A_213, %scan3A_258] : memref<80x128xf32, #tpu.memory_space<vmem>>[vector<16xi32>, vector<16xi32>], vector<16xf32>,
        %mul3A_263 = arith.mulf %gather3A, %gather3A_262 : vector<16xf32>
        %add3A_264 = arith.addf %scan3A_254, %mul3A_263 : vector<16xf32>
        %add3A_265 = arith.constant 4 : i32
        %add3A_266 = vector.broadcast %add3A_265 : i32 to vector<16xi32>
        %add3A_267 = arith.addi %scan3A_258, %add3A_266 : vector<16xi32>
        %and3A = arith.constant 127 : i32
        %and3A_268 = vector.broadcast %and3A : i32 to vector<16xi32>
        %and3A_269 = arith.andi %add3A_267, %and3A_268 : vector<16xi32>
        %gather3A_270 = tpu.vector_load_idx %arg11[%add3A_213, %scan3A_259] : memref<80x128xf32, #tpu.memory_space<vmem>>[vector<16xi32>, vector<16xi32>], vector<16xf32>,
        %gather3A_271 = tpu.vector_load_idx %arg13[%add3A_213, %scan3A_259] : memref<80x128xf32, #tpu.memory_space<vmem>>[vector<16xi32>, vector<16xi32>], vector<16xf32>,
        %mul3A_272 = arith.mulf %gather3A_270, %gather3A_271 : vector<16xf32>
        %add3A_273 = arith.addf %scan3A_255, %mul3A_272 : vector<16xf32>
        %add3A_274 = arith.constant 4 : i32
        %add3A_275 = vector.broadcast %add3A_274 : i32 to vector<16xi32>
        %add3A_276 = arith.addi %scan3A_259, %add3A_275 : vector<16xi32>
        %and3A_277 = arith.constant 127 : i32
        %and3A_278 = vector.broadcast %and3A_277 : i32 to vector<16xi32>
        %and3A_279 = arith.andi %add3A_276, %and3A_278 : vector<16xi32>
        %gather3A_280 = tpu.vector_load_idx %arg11[%add3A_213, %scan3A_260] : memref<80x128xf32, #tpu.memory_space<vmem>>[vector<16xi32>, vector<16xi32>], vector<16xf32>,
        %gather3A_281 = tpu.vector_load_idx %arg13[%add3A_213, %scan3A_260] : memref<80x128xf32, #tpu.memory_space<vmem>>[vector<16xi32>, vector<16xi32>], vector<16xf32>,
        %mul3A_282 = arith.mulf %gather3A_280, %gather3A_281 : vector<16xf32>
        %add3A_283 = arith.addf %scan3A_256, %mul3A_282 : vector<16xf32>
        %add3A_284 = arith.constant 4 : i32
        %add3A_285 = vector.broadcast %add3A_284 : i32 to vector<16xi32>
        %add3A_286 = arith.addi %scan3A_260, %add3A_285 : vector<16xi32>
        %and3A_287 = arith.constant 127 : i32
        %and3A_288 = vector.broadcast %and3A_287 : i32 to vector<16xi32>
        %and3A_289 = arith.andi %add3A_286, %and3A_288 : vector<16xi32>
        %gather3A_290 = tpu.vector_load_idx %arg11[%add3A_213, %scan3A_261] : memref<80x128xf32, #tpu.memory_space<vmem>>[vector<16xi32>, vector<16xi32>], vector<16xf32>,
        %gather3A_291 = tpu.vector_load_idx %arg13[%add3A_213, %scan3A_261] : memref<80x128xf32, #tpu.memory_space<vmem>>[vector<16xi32>, vector<16xi32>], vector<16xf32>,
        %mul3A_292 = arith.mulf %gather3A_290, %gather3A_291 : vector<16xf32>
        %add3A_293 = arith.addf %scan3A_257, %mul3A_292 : vector<16xf32>
        %add3A_294 = arith.constant 4 : i32
        %add3A_295 = vector.broadcast %add3A_294 : i32 to vector<16xi32>
        %add3A_296 = arith.addi %scan3A_261, %add3A_295 : vector<16xi32>
        %and3A_297 = arith.constant 127 : i32
        %and3A_298 = vector.broadcast %and3A_297 : i32 to vector<16xi32>
        %and3A_299 = arith.andi %add3A_296, %and3A_298 : vector<16xi32>
        %gather3A_300 = tpu.vector_load_idx %arg11[%add3A_213, %and3A_269] : memref<80x128xf32, #tpu.memory_space<vmem>>[vector<16xi32>, vector<16xi32>], vector<16xf32>,
        %gather3A_301 = tpu.vector_load_idx %arg13[%add3A_213, %and3A_269] : memref<80x128xf32, #tpu.memory_space<vmem>>[vector<16xi32>, vector<16xi32>], vector<16xf32>,
        %mul3A_302 = arith.mulf %gather3A_300, %gather3A_301 : vector<16xf32>
        %add3A_303 = arith.addf %add3A_264, %mul3A_302 : vector<16xf32>
        %add3A_304 = arith.constant 4 : i32
        %add3A_305 = vector.broadcast %add3A_304 : i32 to vector<16xi32>
        %add3A_306 = arith.addi %and3A_269, %add3A_305 : vector<16xi32>
        %and3A_307 = arith.constant 127 : i32
        %and3A_308 = vector.broadcast %and3A_307 : i32 to vector<16xi32>
        %and3A_309 = arith.andi %add3A_306, %and3A_308 : vector<16xi32>
        %gather3A_310 = tpu.vector_load_idx %arg11[%add3A_213, %and3A_279] : memref<80x128xf32, #tpu.memory_space<vmem>>[vector<16xi32>, vector<16xi32>], vector<16xf32>,
        %gather3A_311 = tpu.vector_load_idx %arg13[%add3A_213, %and3A_279] : memref<80x128xf32, #tpu.memory_space<vmem>>[vector<16xi32>, vector<16xi32>], vector<16xf32>,
        %mul3A_312 = arith.mulf %gather3A_310, %gather3A_311 : vector<16xf32>
        %add3A_313 = arith.addf %add3A_273, %mul3A_312 : vector<16xf32>
        %add3A_314 = arith.constant 4 : i32
        %add3A_315 = vector.broadcast %add3A_314 : i32 to vector<16xi32>
        %add3A_316 = arith.addi %and3A_279, %add3A_315 : vector<16xi32>
        %and3A_317 = arith.constant 127 : i32
        %and3A_318 = vector.broadcast %and3A_317 : i32 to vector<16xi32>
        %and3A_319 = arith.andi %add3A_316, %and3A_318 : vector<16xi32>
        %gather3A_320 = tpu.vector_load_idx %arg11[%add3A_213, %and3A_289] : memref<80x128xf32, #tpu.memory_space<vmem>>[vector<16xi32>, vector<16xi32>], vector<16xf32>,
        %gather3A_321 = tpu.vector_load_idx %arg13[%add3A_213, %and3A_289] : memref<80x128xf32, #tpu.memory_space<vmem>>[vector<16xi32>, vector<16xi32>], vector<16xf32>,
        %mul3A_322 = arith.mulf %gather3A_320, %gather3A_321 : vector<16xf32>
        %add3A_323 = arith.addf %add3A_283, %mul3A_322 : vector<16xf32>
        %add3A_324 = arith.constant 4 : i32
        %add3A_325 = vector.broadcast %add3A_324 : i32 to vector<16xi32>
        %add3A_326 = arith.addi %and3A_289, %add3A_325 : vector<16xi32>
        %and3A_327 = arith.constant 127 : i32
        %and3A_328 = vector.broadcast %and3A_327 : i32 to vector<16xi32>
        %and3A_329 = arith.andi %add3A_326, %and3A_328 : vector<16xi32>
        %gather3A_330 = tpu.vector_load_idx %arg11[%add3A_213, %and3A_299] : memref<80x128xf32, #tpu.memory_space<vmem>>[vector<16xi32>, vector<16xi32>], vector<16xf32>,
        %gather3A_331 = tpu.vector_load_idx %arg13[%add3A_213, %and3A_299] : memref<80x128xf32, #tpu.memory_space<vmem>>[vector<16xi32>, vector<16xi32>], vector<16xf32>,
        %mul3A_332 = arith.mulf %gather3A_330, %gather3A_331 : vector<16xf32>
        %add3A_333 = arith.addf %add3A_293, %mul3A_332 : vector<16xf32>
        %add3A_334 = arith.constant 4 : i32
        %add3A_335 = vector.broadcast %add3A_334 : i32 to vector<16xi32>
        %add3A_336 = arith.addi %and3A_299, %add3A_335 : vector<16xi32>
        %and3A_337 = arith.constant 127 : i32
        %and3A_338 = vector.broadcast %and3A_337 : i32 to vector<16xi32>
        %and3A_339 = arith.andi %add3A_336, %and3A_338 : vector<16xi32>
        %gather3A_340 = tpu.vector_load_idx %arg11[%add3A_213, %and3A_309] : memref<80x128xf32, #tpu.memory_space<vmem>>[vector<16xi32>, vector<16xi32>], vector<16xf32>,
        %gather3A_341 = tpu.vector_load_idx %arg13[%add3A_213, %and3A_309] : memref<80x128xf32, #tpu.memory_space<vmem>>[vector<16xi32>, vector<16xi32>], vector<16xf32>,
        %mul3A_342 = arith.mulf %gather3A_340, %gather3A_341 : vector<16xf32>
        %add3A_343 = arith.addf %add3A_303, %mul3A_342 : vector<16xf32>
        %add3A_344 = arith.constant 4 : i32
        %add3A_345 = vector.broadcast %add3A_344 : i32 to vector<16xi32>
        %add3A_346 = arith.addi %and3A_309, %add3A_345 : vector<16xi32>
        %and3A_347 = arith.constant 127 : i32
        %and3A_348 = vector.broadcast %and3A_347 : i32 to vector<16xi32>
        %and3A_349 = arith.andi %add3A_346, %and3A_348 : vector<16xi32>
        %gather3A_350 = tpu.vector_load_idx %arg11[%add3A_213, %and3A_319] : memref<80x128xf32, #tpu.memory_space<vmem>>[vector<16xi32>, vector<16xi32>], vector<16xf32>,
        %gather3A_351 = tpu.vector_load_idx %arg13[%add3A_213, %and3A_319] : memref<80x128xf32, #tpu.memory_space<vmem>>[vector<16xi32>, vector<16xi32>], vector<16xf32>,
        %mul3A_352 = arith.mulf %gather3A_350, %gather3A_351 : vector<16xf32>
        %add3A_353 = arith.addf %add3A_313, %mul3A_352 : vector<16xf32>
        %add3A_354 = arith.constant 4 : i32
        %add3A_355 = vector.broadcast %add3A_354 : i32 to vector<16xi32>
        %add3A_356 = arith.addi %and3A_319, %add3A_355 : vector<16xi32>
        %and3A_357 = arith.constant 127 : i32
        %and3A_358 = vector.broadcast %and3A_357 : i32 to vector<16xi32>
        %and3A_359 = arith.andi %add3A_356, %and3A_358 : vector<16xi32>
        %gather3A_360 = tpu.vector_load_idx %arg11[%add3A_213, %and3A_329] : memref<80x128xf32, #tpu.memory_space<vmem>>[vector<16xi32>, vector<16xi32>], vector<16xf32>,
        %gather3A_361 = tpu.vector_load_idx %arg13[%add3A_213, %and3A_329] : memref<80x128xf32, #tpu.memory_space<vmem>>[vector<16xi32>, vector<16xi32>], vector<16xf32>,
        %mul3A_362 = arith.mulf %gather3A_360, %gather3A_361 : vector<16xf32>
        %add3A_363 = arith.addf %add3A_323, %mul3A_362 : vector<16xf32>
        %add3A_364 = arith.constant 4 : i32
        %add3A_365 = vector.broadcast %add3A_364 : i32 to vector<16xi32>
        %add3A_366 = arith.addi %and3A_329, %add3A_365 : vector<16xi32>
        %and3A_367 = arith.constant 127 : i32
        %and3A_368 = vector.broadcast %and3A_367 : i32 to vector<16xi32>
        %and3A_369 = arith.andi %add3A_366, %and3A_368 : vector<16xi32>
        %gather3A_370 = tpu.vector_load_idx %arg11[%add3A_213, %and3A_339] : memref<80x128xf32, #tpu.memory_space<vmem>>[vector<16xi32>, vector<16xi32>], vector<16xf32>,
        %gather3A_371 = tpu.vector_load_idx %arg13[%add3A_213, %and3A_339] : memref<80x128xf32, #tpu.memory_space<vmem>>[vector<16xi32>, vector<16xi32>], vector<16xf32>,
        %mul3A_372 = arith.mulf %gather3A_370, %gather3A_371 : vector<16xf32>
        %add3A_373 = arith.addf %add3A_333, %mul3A_372 : vector<16xf32>
        %add3A_374 = arith.constant 4 : i32
        %add3A_375 = vector.broadcast %add3A_374 : i32 to vector<16xi32>
        %add3A_376 = arith.addi %and3A_339, %add3A_375 : vector<16xi32>
        %and3A_377 = arith.constant 127 : i32
        %and3A_378 = vector.broadcast %and3A_377 : i32 to vector<16xi32>
        %and3A_379 = arith.andi %add3A_376, %and3A_378 : vector<16xi32>
        %gather3A_380 = tpu.vector_load_idx %arg11[%add3A_213, %and3A_349] : memref<80x128xf32, #tpu.memory_space<vmem>>[vector<16xi32>, vector<16xi32>], vector<16xf32>,
        %gather3A_381 = tpu.vector_load_idx %arg13[%add3A_213, %and3A_349] : memref<80x128xf32, #tpu.memory_space<vmem>>[vector<16xi32>, vector<16xi32>], vector<16xf32>,
        %mul3A_382 = arith.mulf %gather3A_380, %gather3A_381 : vector<16xf32>
        %add3A_383 = arith.addf %add3A_343, %mul3A_382 : vector<16xf32>
        %add3A_384 = arith.constant 4 : i32
        %add3A_385 = vector.broadcast %add3A_384 : i32 to vector<16xi32>
        %add3A_386 = arith.addi %and3A_349, %add3A_385 : vector<16xi32>
        %and3A_387 = arith.constant 127 : i32
        %and3A_388 = vector.broadcast %and3A_387 : i32 to vector<16xi32>
        %and3A_389 = arith.andi %add3A_386, %and3A_388 : vector<16xi32>
        %gather3A_390 = tpu.vector_load_idx %arg11[%add3A_213, %and3A_359] : memref<80x128xf32, #tpu.memory_space<vmem>>[vector<16xi32>, vector<16xi32>], vector<16xf32>,
        %gather3A_391 = tpu.vector_load_idx %arg13[%add3A_213, %and3A_359] : memref<80x128xf32, #tpu.memory_space<vmem>>[vector<16xi32>, vector<16xi32>], vector<16xf32>,
        %mul3A_392 = arith.mulf %gather3A_390, %gather3A_391 : vector<16xf32>
        %add3A_393 = arith.addf %add3A_353, %mul3A_392 : vector<16xf32>
        %add3A_394 = arith.constant 4 : i32
        %add3A_395 = vector.broadcast %add3A_394 : i32 to vector<16xi32>
        %add3A_396 = arith.addi %and3A_359, %add3A_395 : vector<16xi32>
        %and3A_397 = arith.constant 127 : i32
        %and3A_398 = vector.broadcast %and3A_397 : i32 to vector<16xi32>
        %and3A_399 = arith.andi %add3A_396, %and3A_398 : vector<16xi32>
        %gather3A_400 = tpu.vector_load_idx %arg11[%add3A_213, %and3A_369] : memref<80x128xf32, #tpu.memory_space<vmem>>[vector<16xi32>, vector<16xi32>], vector<16xf32>,
        %gather3A_401 = tpu.vector_load_idx %arg13[%add3A_213, %and3A_369] : memref<80x128xf32, #tpu.memory_space<vmem>>[vector<16xi32>, vector<16xi32>], vector<16xf32>,
        %mul3A_402 = arith.mulf %gather3A_400, %gather3A_401 : vector<16xf32>
        %add3A_403 = arith.addf %add3A_363, %mul3A_402 : vector<16xf32>
        %add3A_404 = arith.constant 4 : i32
        %add3A_405 = vector.broadcast %add3A_404 : i32 to vector<16xi32>
        %add3A_406 = arith.addi %and3A_369, %add3A_405 : vector<16xi32>
        %and3A_407 = arith.constant 127 : i32
        %and3A_408 = vector.broadcast %and3A_407 : i32 to vector<16xi32>
        %and3A_409 = arith.andi %add3A_406, %and3A_408 : vector<16xi32>
        %gather3A_410 = tpu.vector_load_idx %arg11[%add3A_213, %and3A_379] : memref<80x128xf32, #tpu.memory_space<vmem>>[vector<16xi32>, vector<16xi32>], vector<16xf32>,
        %gather3A_411 = tpu.vector_load_idx %arg13[%add3A_213, %and3A_379] : memref<80x128xf32, #tpu.memory_space<vmem>>[vector<16xi32>, vector<16xi32>], vector<16xf32>,
        %mul3A_412 = arith.mulf %gather3A_410, %gather3A_411 : vector<16xf32>
        %add3A_413 = arith.addf %add3A_373, %mul3A_412 : vector<16xf32>
        %add3A_414 = arith.constant 4 : i32
        %add3A_415 = vector.broadcast %add3A_414 : i32 to vector<16xi32>
        %add3A_416 = arith.addi %and3A_379, %add3A_415 : vector<16xi32>
        %and3A_417 = arith.constant 127 : i32
        %and3A_418 = vector.broadcast %and3A_417 : i32 to vector<16xi32>
        %and3A_419 = arith.andi %add3A_416, %and3A_418 : vector<16xi32>
        scf.yield %add3A_383, %add3A_393, %add3A_403, %add3A_413, %and3A_389, %and3A_399, %and3A_409, %and3A_419 : vector<16xf32>, vector<16xf32>, vector<16xf32>, vector<16xf32>, vector<16xi32>, vector<16xi32>, vector<16xi32>, vector<16xi32>
      }
      %scan3A_238 = arith.constant 8 : i32
      %add3A_239 = arith.addf %scan3A_237#0, %scan3A_237#1 : vector<16xf32>
      %add3A_240 = arith.addf %scan3A_237#2, %scan3A_237#3 : vector<16xf32>
      %add3A_241 = arith.addf %add3A_239, %add3A_240 : vector<16xf32>
      %neg3A = arith.constant 0.000000e+00 : f32
      %neg3A_242 = vector.broadcast %neg3A : f32 to vector<16xf32>
      %neg3A_243 = arith.subf %neg3A_242, %add3A_241 : vector<16xf32>
      %exp3A = math.exp %neg3A_243 : vector<16xf32>
      %add3A_244 = arith.constant 1.000000e+00 : f32
      %add3A_245 = vector.broadcast %add3A_244 : f32 to vector<16xf32>
      %add3A_246 = arith.addf %add3A_245, %exp3A : vector<16xf32>
      %div3A = arith.constant 1.000000e+00 : f32
      %div3A_247 = vector.broadcast %div3A : f32 to vector<16xf32>
      %div3A_248 = arith.divf %div3A_247, %add3A_246 : vector<16xf32>
      %mul3A_249 = arith.constant 16 : i32
      %mul3A_250 = arith.muli %scan3A_208, %mul3A_249 : i32
      %swap3A = arith.index_cast %mul3A_250 : i32 to index
      %swap3A_251 = tpu.vector_load %arg15[%swap3A] {strides = array<i32>} : memref<80xf32, #tpu.memory_space<vmem>>, vector<16xf32>,
      tpu.vector_store %arg15[%swap3A], %div3A_248 {strides = array<i32>} : memref<80xf32, #tpu.memory_space<vmem>>, vector<16xf32>,
      %scan3A_252 = arith.constant 0 : i32
      scf.yield %scan3A_252 : i32
    }
    %scan3A_199 = arith.constant 5 : i32
    %add3A_200 = arith.constant 9920 : i32
    %add3A_201 = arith.addi %mul3A_2, %add3A_200 : i32
    %dma_start3A_202 = tpu.memref_slice %arg6[%add3A_201] : memref<320000xf32, #tpu.memory_space<hbm>> -> memref<80xf32, #tpu.memory_space<hbm>>
    %dma_start3A_203 = tpu.memref_slice %arg6[%add3A_201] : memref<320000xf32, #tpu.memory_space<hbm>> -> memref<80xf32, #tpu.memory_space<hbm>>
    tpu.enqueue_dma source(%arg15 : memref<80xf32, #tpu.memory_space<vmem>>) target(%dma_start3A_203 : memref<80xf32, #tpu.memory_space<hbm>>) target_semaphore(%arg26 : memref<!tpu.dma_semaphore, #tpu.memory_space<semaphore_mem>>)
    %dma_wait3A_204 = tpu.memref_slice %arg6[%mul3A_2] : memref<320000xf32, #tpu.memory_space<hbm>> -> memref<80xf32, #tpu.memory_space<hbm>>
    %dma_wait3A_205 = tpu.memref_slice %arg6[%mul3A_2] : memref<320000xf32, #tpu.memory_space<hbm>> -> memref<80xf32, #tpu.memory_space<hbm>>
    tpu.wait_dma2 semaphore(%arg27 : memref<!tpu.dma_semaphore, #tpu.memory_space<semaphore_mem>>) src(%arg16 : memref<80xf32, #tpu.memory_space<vmem>>) dst(%dma_wait3A_205 : memref<80xf32, #tpu.memory_space<hbm>>)
    %dma_wait3A_206 = tpu.memref_slice %arg6[%mul3A_2] : memref<320000xf32, #tpu.memory_space<hbm>> -> memref<80xf32, #tpu.memory_space<hbm>>
    %dma_wait3A_207 = tpu.memref_slice %arg6[%mul3A_2] : memref<320000xf32, #tpu.memory_space<hbm>> -> memref<80xf32, #tpu.memory_space<hbm>>
    tpu.wait_dma2 semaphore(%arg26 : memref<!tpu.dma_semaphore, #tpu.memory_space<semaphore_mem>>) src(%arg15 : memref<80xf32, #tpu.memory_space<vmem>>) dst(%dma_wait3A_207 : memref<80xf32, #tpu.memory_space<hbm>>)
    return
  }
}

</mosaic_0001>

<sc_bundles>
// kernel: _decode.3.cloned.1.call-start
scs
__scs_entry_jumppad:
0x0: {  	(pc) =	sbr.rel $0x88, $3  }
0x1: {  	(tag) =	ssettag $0x0;
	lr =	simm.s32 $0x1  }
0x2: {  	[smem:$0x3F9D] =	sst lr;
	_ =	strace $0xD0000000  }
0x3: {  	_ = 	snop  }
0x4: {  	_ = 	snop  }
0x5: {  	_ = 	snop  }
0x6: {  	_ = 	snop  }
0x7: {  	_ = 	snop  }
__scs_overlays_trampoline_lowered:
0x8: {  	[smem:$0x3FAC] =	sst s0  }
0x9: {  	[smem:$0x3FAD] =	sst s1  }
0xa: {  	[smem:$0x3FAE] =	sst s2  }
0xb: {  	[smem:$0x3FAF] =	sst s3  }
0xc: {  	[smem:$0x3FB0] =	sst s4  }
0xd: {  	[smem:$0x3FB1] =	sst s5  }
0xe: {  	[smem:$0x3FB2] =	sst s6  }
0xf: {  	[smem:$0x3FB3] =	sst s7  }
0x10: {  	[smem:$0x3FB4] =	sst s8  }
0x11: {  	[smem:$0x3FB5] =	sst s9;
	s0 =	simm.s32 @!p0 $0x0  }
0x12: {  	s1 =	sld [smem:$0x3F9B];
	s0 =	simm.s32 @p0 $0x1  }
0x13: {  	[smem:$0x3FB6] =	sst s0;
	s0 =	simm.s32 @!p1 $0x0  }
0x14: {  	s2 =	sld [smem:$0x3F9A];
	s0 =	simm.s32 @p1 $0x1  }
0x15: {  	[smem:$0x3FB7] =	sst s0;
	s0 =	simm.s32 @!p2 $0x0  }
0x16: {  	s3 =	sld [smem:$0x3FDB];
	s0 =	simm.s32 @p2 $0x1  }
0x17: {  	s4 =	simm.s32 $0x1BF5;
	[smem:$0x3FB9] =	sst s0  }
0x18: {  	s0 =	sld [smem:$0x3F9C];
	_ =	swait.ge [sflag:s4], $0x0  }
0x19: {  	s7 =	sld [smem:$0x3F9D]  }
0x1a: {  	s8 =	sadd.s32 $0xFFFFE003, lr  }
0x1b: {  	s9 =	sadd.s32 $0xFFFFFEF7, lr;
	s5 =	simm.s32 $0xFFFFFFFF;
	p2 =	slt.u32 s8, $0xFFFFF086  }
0x1c: {  	p1 =	slt.u32 s9, $0xF7A;
	s5 =	simm.s32 @!p2 $0x0  }
0x1d: {  	s5 =	simm.s32 @p1 $0x1;
	p0 =	seq.s32 s7, s2  }
0x1e: {  	s7 =	smul.u32 @!p0 $0xF7A, s2;
	p2 =	seq.s32 @!p0 s5, $0x0  }
0x1f: {  	s9 =	smul.u32 $0xF7A, s1;
	s8 =	simm.s32 @!p0 $0x1BF5;
	p2 =	por !p2, p0  }
0x20: {  	[sflag:s8] =	ssyncset.s32 @!p0 $0xFFFFF086;
	s6 =	sadd.s32 @!p0 s3, s7;
	s7 =	simm.s32 @!p0 $0x108  }
0x21: {  	s3 =	sadd.s32 s3, s9;
	s6 =	sadd.s32 @!p0 $0x88, s6;
	s7 =	simm.s32 @p2 $0x1082  }
0x22: {  	[simem:s7], [sflag:s8] =	dma.local @!p0 [hbm:s6], $0xF7A  }
0x23: {  	s9 =	sor.u32 $0xD0000000, s2;
	s6 =	simm.s32 $0x108;
	_ =	swait.ge @!p0 [sflag:s8], $0x0  }
0x24: {  	s3 =	sadd.s32 $0x88, s3;
	s6 =	simm.s32 @!p1 $0x1082;
	[sflag:s4] =	ssyncset.s32 $0xFFFFF086  }
0x25: {  	[simem:s6], [sflag:s4] =	dma.local [hbm:s3], $0xF7A  }
0x26: {  	[smem:$0x3F9D] =	sst s1;
	(tag) =	ssettag s2;
	_ =	strace s9  }
0x27: {  	s1 =	sld [smem:$0x3FAD]  }
0x28: {  	s2 =	sld [smem:$0x3FAE]  }
0x29: {  	s4 =	sld [smem:$0x3FB0]  }
0x2a: {  	p0 =	seq.s32 s5, $0x0;
	s5 =	sld [smem:$0x3FB1]  }
0x2b: {  	s6 =	sld [smem:$0x3FB2]  }
0x2c: {  	s7 =	sld [smem:$0x3FB3]  }
0x2d: {  	s3 =	simm.s32 $0x108;
	s8 =	sld [smem:$0x3FB4]  }
0x2e: {  	s3 =	simm.s32 @!p0 $0x1082;
	s9 =	sld [smem:$0x3FB5]  }
0x2f: {  	lr =	sadd.s32 s0, s3;
	s0 =	sld [smem:$0x3FAC]  }
0x30: {  	s3 =	sld [smem:$0x3FAF]  }
0x31: {  	[smem:$0x3FB8] =	sst s10  }
0x32: {  	s10 =	sld [smem:$0x3FB6];
	_ =	sdelay $0x3  }
0x33: {  	p0 =	seq.s32 s10, $0x1;
	s10 =	sld [smem:$0x3FB8];
	_ =	sdelay $0x3  }
0x34: {  	[smem:$0x3FB8] =	sst s10  }
0x35: {  	s10 =	sld [smem:$0x3FB7];
	_ =	sdelay $0x3  }
0x36: {  	p1 =	seq.s32 s10, $0x1;
	s10 =	sld [smem:$0x3FB8];
	_ =	sdelay $0x3  }
0x37: {  	[smem:$0x3FB8] =	sst s10  }
0x38: {  	s10 =	sld [smem:$0x3FB9]  }
0x39: {  	_ = 	snop;
	(pc) =	sbr.ind lr, $3  }
0x3a: {  	_ = 	snop  }
0x3b: {  	_ = 	snop  }
0x3c: {  	p2 =	seq.s32 s10, $0x1;
	s10 =	sld [smem:$0x3FB8]  }
0x3d: {  	_ =	shalt  }
0x3e: {  	_ =	shalt  }
0x3f: {  	_ =	shalt  }
0x40: {  	_ =	shalt  }
0x41: {  	_ =	shalt  }
0x42: {  	_ =	shalt  }
0x43: {  	_ =	shalt  }
0x44: {  	_ =	shalt  }
0x45: {  	_ =	shalt  }
0x46: {  	_ =	shalt  }
0x47: {  	_ =	shalt  }
0x48: {  	_ =	shalt  }
0x49: {  	_ =	shalt  }
0x4a: {  	_ =	shalt  }
0x4b: {  	_ =	shalt  }
0x4c: {  	_ =	shalt  }
0x4d: {  	_ =	shalt  }
0x4e: {  	_ =	shalt  }
0x4f: {  	_ =	shalt  }
0x50: {  	_ =	shalt  }
0x51: {  	_ =	shalt  }
0x52: {  	_ =	shalt  }
0x53: {  	_ =	shalt  }
0x54: {  	_ =	shalt  }
0x55: {  	_ =	shalt  }
0x56: {  	_ =	shalt  }
0x57: {  	_ =	shalt  }
0x58: {  	_ =	shalt  }
0x59: {  	_ =	shalt  }
0x5a: {  	_ =	shalt  }
0x5b: {  	_ =	shalt  }
0x5c: {  	_ =	shalt  }
0x5d: {  	_ =	shalt  }
0x5e: {  	_ =	shalt  }
0x5f: {  	_ =	shalt  }
0x60: {  	_ =	shalt  }
0x61: {  	_ =	shalt  }
0x62: {  	_ =	shalt  }
0x63: {  	_ =	shalt  }
0x64: {  	_ =	shalt  }
0x65: {  	_ =	shalt  }
0x66: {  	_ =	shalt  }
0x67: {  	_ =	shalt  }
0x68: {  	_ =	shalt  }
0x69: {  	_ =	shalt  }
0x6a: {  	_ =	shalt  }
0x6b: {  	_ =	shalt  }
0x6c: {  	_ =	shalt  }
0x6d: {  	_ =	shalt  }
0x6e: {  	_ =	shalt  }
0x6f: {  	_ =	shalt  }
0x70: {  	_ =	shalt  }
0x71: {  	_ =	shalt  }
0x72: {  	_ =	shalt  }
0x73: {  	_ =	shalt  }
0x74: {  	_ =	shalt  }
0x75: {  	_ =	shalt  }
0x76: {  	_ =	shalt  }
0x77: {  	_ =	shalt  }
0x78: {  	_ =	shalt  }
0x79: {  	_ =	shalt  }
0x7a: {  	_ =	shalt  }
0x7b: {  	_ =	shalt  }
0x7c: {  	_ =	shalt  }
0x7d: {  	_ =	shalt  }
0x7e: {  	_ =	shalt  }
0x7f: {  	_ =	shalt  }
0x80: {  	_ =	shalt  }
0x81: {  	_ =	shalt  }
0x82: {  	_ =	shalt  }
0x83: {  	_ =	shalt  }
0x84: {  	_ =	shalt  }
0x85: {  	_ =	shalt  }
0x86: {  	_ =	shalt  }
0x87: {  	_ =	shalt  }
.Lfunc_end0:
.L_simem_size_0:
called_computation_lowered:
.L_overlay_start_0:
0x88: {  	s2 =	sld [smem:$0x3FD9]  }
0x89: {  	s3 =	sld [smem:$0x3FFE];
	_ =	sdelay $0x1  }
0x8a: {  	s1 =	srdreg.scid  }
0x8b: {  	s0 =	sand.u32 $0x1, s1  }
0x8c: {  	s18 =	sshll.u32 s0, $0xA;
	s2 =	sadd.s32 s3, s2  }
0x8d: {  	s2 =	sadd.s32 s2, s18  }
0x8e: {  	[smem:$0x3FC4] =	sst s2  }
0x8f: {  	_ = 	snop  }
0x90: {  	s2 =	sld [smem:$0x3FC9]  }
0x91: {  	s19 =	sld [smem:$0x3FC8]  }
0x92: {  	s4 =	sld [smem:$0x3FC7]  }
0x93: {  	s5 =	sld [smem:$0x3FC6]  }
0x94: {  	s6 =	sld [smem:$0x3FD0];
	(tm) =	ssettm $0x1  }
0x95: {  	s7 =	sld [smem:$0x3FFB];
	_ =	sdelay $0x3  }
0x96: {  	_ =	strace s7  }
0x97: {  	s7 =	sld [smem:$0x3FFC];
	_ =	sdelay $0x3  }
0x98: {  	_ =	strace s7  }
0x99: {  	s7 =	sld [smem:$0x3FFD];
	_ =	sdelay $0x3  }
0x9a: {  	_ =	strace s7  }
0x9b: {  	_ =	strace $0x8FFFFFFF  }
0x9c: {  	s20 =	sld [smem:$0x3FDB];
	_ =	sdelay $0x1  }
0x9d: {  	s8 =	simm.s32 $_scs_section_size  }
0x9e: {  	s9 =	simm.s32 $_size__tile_overlayer_lowered;
	s10 =	simm.s32 $_tile_overlayer_lowered  }
0x9f: {  	s23 =	simm.s32 $0x1BFF;
	s22 =	sshll.u32 s10, $0x1;
	s7 =	sadd.s32 s8, s20  }
0xa0: {  	s11 =	simm.s32 $0x0;
	s21 =	sshll.u32 s9, $0x1;
	s9 =	sadd.s32 s22, s7  }
0xa1: {  	[timem:s11], [sflag:s23] =	dma.local [hbm:s9], s21  }
0xa2: {  	_ =	swait.ge [sflag:s23], s21  }
0xa3: {  	s8 =	ssub.s32 $0x0, s21;
	[sflag:s23] =	ssyncset.done $0x0  }
0xa4: {  	[sflag:s23] =	ssyncadd.s32 s8;
	_ =	sdelay $0x1  }
0xa5: {  	s24 =	simm.s32 $0x1B8B  }
0xa6: {  	_ =	swait.ge [sflag:s24], $0x1  }
0xa7: {  	[sflag:s24] =	ssyncset.done $0x0  }
0xa8: {  	s25 =	simm.s32 $0x1B8E;
	[sflag:s24] =	ssyncadd.s32 $0xFFFFFFFF  }
0xa9: {  	s26 =	simm.s32 $execute0_lowered;
	[smem:$0x3FD2] =	sst s25  }
0xaa: {  	s8 =	sshll.u32 s26, $0x1;
	_ =	strace $0x80000046;
	[dreg:$0x1] =	wrdreg $0xFFFFFFFF  }
0xab: {  	s28 =	simm.s32 $_size_execute0_lowered;
	s7 =	sadd.s32 s7, s8;
	[dreg:$0x0] =	wrdreg $0x0  }
0xac: {  	s8 =	sshll.u32 s28, $0x1;
	[dreg:$0x2] =	wrdreg s7  }
0xad: {  	[dreg:$0x3] =	wrdreg s8  }
0xae: {  	[dreg:$0x4] =	wrdreg $0xC0  }
0xaf: {  	_ =	task [dreg:s11], $0x5FFFF  }
0xb0: {  	[dreg:$0x1] =	wrdreg $0xFFFFFFFF  }
0xb1: {  	[dreg:$0x0] =	wrdreg $0x60  }
0xb2: {  	[dreg:$0x2] =	wrdreg s2  }
0xb3: {  	[dreg:$0x3] =	wrdreg s19  }
0xb4: {  	[dreg:$0x4] =	wrdreg s4  }
0xb5: {  	[dreg:$0x5] =	wrdreg s5  }
0xb6: {  	[dreg:$0x6] =	wrdreg s6  }
0xb7: {  	[dreg:$0x7] =	wrdreg $0xA3000  }
0xb8: {  	[dreg:$0x8] =	wrdreg $0x9  }
0xb9: {  	_ =	task.clear_ibuf [dreg:s11], $0x9FFFF;
	_ =	strace $0x90000046  }
0xba: {  	s29 =	simm.s32 $0x9;
	_ =	strace $0x80000048  }
0xbb: {  	_ =	swait.ge [sflag:s29], $0x1  }
0xbc: {  	[sflag:s29] =	ssyncadd.s32 $0xFFFFFFFF  }
0xbd: {  	_ =	strace $0x90000048  }
0xbe: {  	_ =	sfence  }
0xbf: {  	s30 =	sld [smem:$0x0];
	_ =	sdelay $0x2  }
0xc0: {  	s31 =	sshll.u32 s1, $0xD;
	s1 =	sshrl.u32 s1, $0x2  }
0xc1: {  	s3 =	sand.u32 $0x4000, s31;
	s1 =	sadd.s32 s1, s30  }
0xc2: {  	s0 =	sor.u32 s3, s0;
	s1 =	sshll.u32 s1, $0x11  }
0xc3: {  	s0 =	sor.u32 s1, s0  }
0xc4: {  	s0 =	sadd.s32 $0x8F2B, s0  }
0xc5: {  	[sflag:s0] =	ssyncadd.remote.s32 $0x1  }
0xc6: {  	_ =	sfence.sel $0xFFFF  }
0xc7: {  	[dreg:$0x0] =	wrdreg $0xFFFFFFFF;
	(pc) =	sbr.abs _section_cstart, $3  }
0xc8: {  	[dreg:$0x1] =	wrdreg $0xFFFFFFFF  }
0xc9: {  	_ =	task.clear_ibuf [dreg:s11], $0x2FFFF;
	_ =	strace $0x9FFFFFFF  }
0xca: {  	(tm) =	ssettm $0x7FFFFFFF  }
0xcb: {  	_ =	shalt  }
tec
execute0_lowered:
.L_overlay_start_1:
0x0: {  	(tag) =	ssettag $0x1  }
0x1: {  	s0 =	rddreg [dreg:$0x0]  }
0x2: {  	s1 =	rddreg [dreg:$0x1]  }
0x3: {  	s2 =	rddreg [dreg:$0x2]  }
0x4: {  	s14 =	rddreg [dreg:$0x3]  }
0x5: {  	s12 =	rddreg [dreg:$0x4]  }
0x6: {  	s5 =	rddreg [dreg:$0x5];
	s29 =	simm.s32 $0x0;
	s4 =	srdreg.scid  }
0x7: {  	s6 =	stileid.u32;
	s28 =	simm.s32 $0x7;
	s30 =	simm.s32 $0x6  }
0x8: {  	s31 =	simm.s32 $0x8;
	[smem:$0x7FF] =	sst s29;
	s10 =	smul.u32 $0x4E000, s6  }
0x9: {  	s4 =	sand.u32 $0x1, s4;
	s9 =	sshll.u32 s6, $0x1;
	s18 =	smul.u32 $0x2700, s6  }
0xa: {  	s20 =	sshll.u32 s6, $0x6;
	p0 =	sne.s32 s6, $0x0;
	_ =	strace $0x80000047  }
0xb: {  	s7 =	ssub.s32 $0x2, s4;
	s4 =	sor.u32 s4, s9;
	s22 =	sor.u32 $0x1C0B, s20  }
0xc: {  	s8 =	sshrl.u32 s7, $0x1;
	s3 =	smul.u32 $0x2710, s4;
	s19 =	sshrl.u32 s10, $0x2  }
0xd: {  	s21 =	sadd.s32 s0, s18;
	[dreg:$0x8] =	wrdreg s22;
	s0 =	sadd.s32 $0x27000, s0  }
0xe: {  	s10 =	simm.s32 $0x100;
	s8 =	ssub.s32 s7, s8;
	[dreg:$0x7] =	wrdreg s21  }
0xf: {  	s4 =	sadd.s32 s19, s5;
	[dreg:$0x9] =	wrdreg s0;
	s23 =	sshrl.u32 s3, $0x3  }
0x10: {  	s24 =	sadd.s32 $0x50, s3;
	s11 =	sadd.s32 $0xA0, s3;
	s4 =	sshrl.u32 s4, $0x3  }
0x11: {  	s25 =	sadd.s32 s2, s23;
	[dreg:$0xf] =	wrdreg s24;
	s26 =	sshrl.u32 s24, $0x3  }
0x12: {  	s13 =	sadd.s32 s14, s23;
	s18 =	smov.u32 s11;
	s16 =	sshrl.u32 s11, $0x3  }
0x13: {  	s11 =	smov.u32 s3;
	s3 =	sadd.s32 $0xF0, s3;
	[dreg:$0x19] =	wrdreg s4  }
0x14: {  	s0 =	sadd.s32 $0x4D8, s23;
	s24 =	smax.u32 s8, $0x1;
	[dreg:$0xa] =	wrdreg s25  }
0x15: {  	s8 =	simm.s32 $0xA;
	s4 =	simm.s32 $0x0;
	[dreg:$0xb] =	wrdreg s13  }
0x16: {  	s15 =	sadd.s32 s2, s26;
	s7 =	sadd.s32 s2, s16;
	[dreg:$0x18] =	wrdreg s24  }
0x17: {  	s17 =	sadd.s32 s14, s16;
	s13 =	smov.u32 s3;
	[dreg:$0xc] =	wrdreg s15  }
0x18: {  	s19 =	sshrl.u32 s3, $0x3;
	s21 =	sadd.s32 s14, s26;
	[dreg:$0xd] =	wrdreg s7  }
0x19: {  	s22 =	sadd.s32 s12, s26;
	s16 =	simm.s32 $0x3;
	[dreg:$0xe] =	wrdreg s17  }
0x1a: {  	s24 =	simm.s32 $0x2A00;
	s15 =	sadd.s32 s12, s23;
	[dreg:$0x13] =	wrdreg s21  }
0x1b: {  	s3 =	sadd.s32 s2, s19;
	s20 =	sadd.s32 s14, s19;
	[dreg:$0x14] =	wrdreg s22  }
0x1c: {  	s7 =	smov.u32 s14;
	s23 =	sadd.s32 s14, s0;
	s14 =	simm.s32 $0x180  }
0x1d: {  	s17 =	simm.s32 $0x50;
	s21 =	simm.s32 $0x5200;
	[dreg:$0x11] =	wrdreg s3  }
0x1e: {  	s22 =	simm.s32 $0x2;
	s19 =	simm.s32 $0x9;
	[dreg:$0x12] =	wrdreg s20  }
0x1f: {  	s3 =	smov.u32 s2;
	s2 =	sadd.s32 s2, s0;
	[dreg:$0x16] =	wrdreg s23  }
0x20: {  	s0 =	sadd.s32 s12, s0;
	s25 =	sadd.s32 $0x4C4, s15;
	[dreg:$0x10] =	wrdreg s15  }
0x21: {  	s26 =	sadd.s32 $0x4CE, s15;
	s15 =	simm.s32 $0x1;
	[dreg:$0x15] =	wrdreg s2  }
0x22: {  	s20 =	simm.s32 $0x200;
	s23 =	simm.s32 $0x4;
	[dreg:$0x17] =	wrdreg s0  }
0x23: {  	s2 =	smov.u32 s12;
	s0 =	sadd.s32 $0x138000, s5;
	[dreg:$0x1b] =	wrdreg s25  }
0x24: {  	[dreg:$0x1c] =	wrdreg s26;
	s12 =	simm.s32 $0x80;
	s0 =	sshrl.u32 @!p0 s0, $0x3  }
0x25: {  	s25 =	simm.s32 $0x7A00;
	s26 =	simm.s32 $0x5;
	[dreg:$0x1a] =	wrdreg s0  }
.LBB2_1:
0x26: {  	[dreg:$0x1d] =	wrdreg s4  }
0x27: {  	s0 =	rddreg [dreg:$0x7]  }
0x28: {  	s4 =	rddreg [dreg:$0x8]  }
0x29: {  	s6 =	rddreg [dreg:$0x19];
	s9 =	simm.s32 $0xB  }
0x2a: {  	[spmem:s6], [sflag:s4] =	dma.local [hbm:s0], $0x2700  }
0x2b: {  	_ =	swait.ge [sflag:s9], $0x2700  }
0x2c: {  	[sflag:s9] =	ssyncset.done $0x0;
	s0 =	rddreg [dreg:$0x9]  }
0x2d: {  	s6 =	rddreg [dreg:$0x1a];
	[sflag:s9] =	ssyncadd.s32 $0xFFFFD900  }
0x2e: {  	[spmem:s6], [sflag:s4] =	dma.local @!p0 [hbm:s0], $0x100  }
0x2f: {  	s0 =	simm.s32 @!p0 $0xB  }
0x30: {  	_ =	swait.ge @!p0 [sflag:s0], $0x100  }
0x31: {  	[sflag:s0] =	ssyncset.done @!p0 $0x0  }
0x32: {  	[sflag:s0] =	ssyncadd.s32 @!p0 $0xFFFFFF00  }
0x33: {  	[bflag:$0x0] =	sbarrier.arrive $0xFFFF  }
0x34: {  	s4 =	rddreg [dreg:$0xa]  }
0x35: {  	[tilespmem:s29], [sflag:$0x1] =	stream.linear.gather [hbm4b:s4+s29], $0x50, $0x38;
	[tilespmem:$0x1DB80] =	vst v63  }
0x36: {  	s6 =	rddreg [dreg:$0xb]  }
0x37: {  	[tilespmem:s10], [sflag:$0x3] =	stream.linear.gather [hbm4b:s6+s29], $0x50, $0x38;
	[tilespmem:$0x1DB80] =	vst v63  }
0x38: {  	s9 =	rddreg [dreg:$0xc]  }
0x39: {  	[tilespmem:s12], [sflag:$0x2] =	stream.linear.gather [hbm4b:s9+s29], $0x50, $0x38;
	[tilespmem:$0x1DB80] =	vst v63  }
0x3a: {  	s4 =	rddreg [dreg:$0x13]  }
0x3b: {  	[tilespmem:s14], [sflag:$0x4] =	stream.linear.gather [hbm4b:s4+s29], $0x50, $0x38;
	[tilespmem:$0x1DB80] =	vst v63  }
0x3c: {  	_ =	swait.ge [sflag:s15], $0x50  }
0x3d: {  	[sflag:s15] =	ssyncset.done $0x0  }
0x3e: {  	[sflag:s15] =	ssyncadd.s32 $0xFFFFFFB0  }
0x3f: {  	_ =	swait.ge [sflag:s16], $0x50  }
0x40: {  	[sflag:s16] =	ssyncset.done $0x0  }
0x41: {  	[sflag:s16] =	ssyncadd.s32 $0xFFFFFFB0  }
0x42: {  	[tilespmem:s20], [sflag:$0x5] =	stream.indirect.gather [spmem:s5], $0x80, s29, s17, $0xb8;
	[tilespmem:$0x1DB80] =	vst v63  }
0x43: {  	_ = 	snop  }
0x44: {  	[tilespmem:s21], [sflag:$0x7] =	stream.indirect.gather [hbm4b:s1+s17], $0x80, s10, s17, $0xb8;
	[tilespmem:$0x1DB80] =	vst v63  }
0x45: {  	_ =	swait.ge [sflag:s22], $0x50  }
0x46: {  	[sflag:s22] =	ssyncset.done $0x0  }
0x47: {  	[sflag:s22] =	ssyncadd.s32 $0xFFFFFFB0  }
0x48: {  	_ =	swait.ge [sflag:s23], $0x50  }
0x49: {  	[sflag:s23] =	ssyncset.done $0x0  }
0x4a: {  	[sflag:s23] =	ssyncadd.s32 $0xFFFFFFB0  }
0x4b: {  	[tilespmem:s24], [sflag:$0x6] =	stream.indirect.gather [spmem:s5], $0x80, s12, s17, $0xb8;
	[tilespmem:$0x1DB80] =	vst v63  }
0x4c: {  	_ = 	snop  }
0x4d: {  	[tilespmem:s25], [sflag:$0x8] =	stream.indirect.gather [hbm4b:s1+s17], $0x80, s14, s17, $0xb8;
	[tilespmem:$0x1DB80] =	vst v63  }
0x4e: {  	_ =	swait.ge [sflag:s26], $0x2800  }
0x4f: {  	[sflag:s26] =	ssyncset.done $0x0  }
0x50: {  	[sflag:s26] =	ssyncadd.s32 $0xFFFFD800  }
0x51: {  	_ =	swait.ge [sflag:s28], $0x2800  }
0x52: {  	[sflag:s28] =	ssyncset.done $0x0  }
0x53: {  	s6 =	rddreg [dreg:$0xd];
	[sflag:s28] =	ssyncadd.s32 $0xFFFFD800  }
0x54: {  	[tilespmem:s29], [sflag:$0x1] =	stream.linear.gather [hbm4b:s6+s29], $0x50, $0x38;
	[tilespmem:$0x1DB80] =	vst v63  }
0x55: {  	s0 =	simm.s32 $0x0;
	s9 =	rddreg [dreg:$0xe]  }
0x56: {  	[tilespmem:s10], [sflag:$0x3] =	stream.linear.gather [hbm4b:s9+s29], $0x50, $0x38;
	[tilespmem:$0x1DB80] =	vst v63  }
.LBB2_2:
0x57: {  	s9 =	sshll.u32 s0, $0x4;
	v6 =	vlaneseq.u32  }
0x58: {  	v0 =	vmov s9;
	v1 =	vmul.u32 $0x80, v6  }
0x59: {  	v2 =	vadd.s32 $0x8, v6;
	v0 =	vshll.u32 v0, $0x7  }
0x5a: {  	v0 =	vor.u32 v1, v0;
	v1 =	vand.u32 $0x7F, v2  }
0x5b: {  	v7 =	vadd.s32 $0x1, v6;
	v2 =	vor.u32 v0, v1  }
0x5c: {  	v1 =	vor.u32 v0, v7  }
0x5d: {  	v3 =	vadd.s32 $0x2, v6;
	v4 =	vor.u32 v0, v6  }
0x5e: {  	v5 =	vadd.s32 $0x3, v6;
	v8 =	vor.u32 v0, v3  }
0x5f: {  	v9 =	vadd.s32 $0x4, v5  }
0x60: {  	v9 =	vand.u32 $0x7F, v9;
	v10 =	vld.idx.msk [tilespmem:v2+s20+$0x0], $0xffff  }
0x61: {  	v11 =	vadd.s32 $0x4, v7;
	v9 =	vor.u32 v0, v9;
	v12 =	vld.idx.msk [tilespmem:v1+s21+$0x0], $0xffff  }
0x62: {  	v11 =	vand.u32 $0x7F, v11;
	v13 =	vld.idx.msk [tilespmem:v4+s20+$0x0], $0xffff  }
0x63: {  	v11 =	vor.u32 v0, v11;
	v15 =	vld.idx.msk [tilespmem:v8+s21+$0x0], $0xffff  }
0x64: {  	v14 =	vadd.s32 $0x4, v3;
	v16 =	vld.idx.msk [tilespmem:v4+s21+$0x0], $0xffff  }
0x65: {  	v14 =	vand.u32 $0x7F, v14;
	v17 =	vld.idx.msk [tilespmem:v1+s20+$0x0], $0xffff  }
0x66: {  	v14 =	vor.u32 v0, v14;
	v18 =	vld.idx.msk [tilespmem:v9+s21+$0x0], $0xffff  }
0x67: {  	v9 =	vld.idx.msk [tilespmem:v9+s20+$0x0], $0xffff  }
0x68: {  	v19 =	vor.u32 v0, v5;
	v20 =	vld.idx.msk [tilespmem:v11+s20+$0x0], $0xffff  }
0x69: {  	v26 =	vadd.s32 $0xC, v6;
	v21 =	vadd.s32 $0xC, v3;
	v1 =	vadd.s32 $0x4, v6;
	v11 =	vld.idx.msk [tilespmem:v11+s21+$0x0], $0xffff  }
0x6a: {  	v23 =	vadd.s32 $0xC, v5;
	v24 =	vadd.s32 $0x8, v7;
	v29 =	vld.idx.msk [tilespmem:v2+s21+$0x0], $0xffff;
	v1 =	vand.u32 $0x7F, v1  }
0x6b: {  	v27 =	vadd.s32 $0x10, v7;
	v22 =	vor.u32 v0, v1;
	v1 =	vand.u32 $0x7F, v21;
	v21 =	vld.idx.msk [tilespmem:v14+s20+$0x0], $0xffff  }
0x6c: {  	v24 =	vand.u32 $0x7F, v24;
	v7 =	vadd.s32 $0xC, v7;
	v14 =	vld.idx.msk [tilespmem:v14+s21+$0x0], $0xffff;
	v13 =	vmul.f32 v16, v13  }
0x6d: {  	v16 =	vld.idx.msk [tilespmem:v19+s21+$0x0], $0xffff;
	v25 =	vmul.f32 v18, v9;
	v9 =	vadd.s32 $0x8, v5;
	v18 =	vor.u32 v0, v24  }
0x6e: {  	v23 =	vand.u32 $0x7F, v23;
	v7 =	vand.u32 $0x7F, v7;
	v19 =	vld.idx.msk [tilespmem:v19+s20+$0x0], $0xffff;
	v9 =	vand.u32 $0x7F, v9  }
0x6f: {  	v30 =	vld.idx.msk [tilespmem:v8+s20+$0x0], $0xffff;
	v28 =	vmul.f32 v11, v20;
	v11 =	vadd.s32 $0x8, v3;
	v20 =	vor.u32 v0, v9  }
0x70: {  	v4 =	vimm.f32 $0.0e+00;
	v2 =	vadd.s32 $0x10, v5;
	v62 =	vld.idx.msk [tilespmem:v22+s21+$0x0], $0xffff;
	v9 =	vand.u32 $0x7F, v11  }
0x71: {  	v8 =	vand.u32 $0x7F, v26;
	v22 =	vld.idx.msk [tilespmem:v22+s20+$0x0], $0xffff;
	v5 =	vmul.f32 v14, v21;
	v14 =	vor.u32 v0, v9  }
0x72: {  	v6 =	vadd.s32 $0x10, v6;
	v2 =	vand.u32 $0x7F, v2;
	v3 =	vadd.s32 $0x10, v3;
	v9 =	vld.idx.msk [tilespmem:v18+s20+$0x0], $0xffff  }
0x73: {  	v11 =	vmul.f32 v12, v17;
	v16 =	vmul.f32 v16, v19;
	v12 =	vld.idx.msk [tilespmem:v18+s21+$0x0], $0xffff;
	v19 =	vor.u32 v0, v8  }
0x74: {  	v6 =	vand.u32 $0x7F, v6;
	v1 =	vor.u32 v0, v1;
	v3 =	vand.u32 $0x7F, v3;
	v8 =	vld.idx.msk [tilespmem:v20+s20+$0x0], $0xffff  }
0x75: {  	v21 =	vor.u32 v0, v7;
	v17 =	vmul.f32 v29, v10;
	v63 =	vadd.f32 v11, v4;
	v11 =	vld.idx.msk [tilespmem:v20+s21+$0x0], $0xffff  }
0x76: {  	v18 =	vadd.f32 v13, v4;
	v24 =	vmul.f32 v62, v22;
	v7 =	vadd.f32 v16, v4;
	v13 =	vld.idx.msk [tilespmem:v14+s20+$0x0], $0xffff  }
0x77: {  	v20 =	vor.u32 v0, v23;
	v22 =	vmul.f32 v15, v30;
	v16 =	vadd.f32 v28, v63;
	v15 =	vld.idx.msk [tilespmem:v14+s21+$0x0], $0xffff  }
0x78: {  	s6 =	simm.s32 $0x7;
	v18 =	vadd.f32 v24, v18;
	v10 =	vadd.f32 v25, v7;
	v7 =	vand.u32 $0x7F, v27;
	v14 =	vld.idx.msk [tilespmem:v19+s20+$0x0], $0xffff  }
.LBB2_3:
0x79: {  	v23 =	vadd.s32 $0x4, v6;
	v24 =	vadd.s32 $0x8, v6;
	p1 =	sne.s32 s6, $0x1;
	s6 =	sadd.s32 $0xFFFFFFFF, s6;
	v4 =	vadd.f32 v22, v4;
	v19 =	vld.idx.msk [tilespmem:v19+s21+$0x0], $0xffff  }
0x7a: {  	v22 =	vand.u32 $0x7F, v23;
	v23 =	vand.u32 $0x7F, v24;
	v24 =	vadd.s32 $0xC, v2;
	v25 =	vld.idx.msk [tilespmem:v21+s20+$0x0], $0xffff  }
0x7b: {  	v26 =	vor.u32 v0, v7;
	v27 =	vadd.s32 $0xC, v3;
	v23 =	vor.u32 v0, v23;
	v21 =	vld.idx.msk [tilespmem:v21+s21+$0x0], $0xffff  }
0x7c: {  	v28 =	vor.u32 v0, v6;
	v29 =	vadd.s32 $0x4, v7;
	v27 =	vand.u32 $0x7F, v27;
	v30 =	vld.idx.msk [tilespmem:v20+s20+$0x0], $0xffff  }
0x7d: {  	v31 =	vor.u32 v0, v3;
	v32 =	vadd.s32 $0x4, v3;
	v9 =	vmul.f32 v12, v9;
	v12 =	vld.idx.msk [tilespmem:v20+s21+$0x0], $0xffff  }
0x7e: {  	v17 =	vadd.f32 v17, v18;
	v20 =	vand.u32 $0x7F, v32;
	v32 =	vadd.s32 $0x4, v2;
	v18 =	vld.idx.msk [tilespmem:v1+s20+$0x0], $0xffff  }
0x7f: {  	v33 =	vor.u32 v0, v2;
	v20 =	vor.u32 v0, v20;
	v34 =	vld.idx.msk [tilespmem:v1+s21+$0x0], $0xffff;
	v1 =	vor.u32 v0, v27  }
0x80: {  	v9 =	vadd.f32 v9, v16;
	v27 =	vand.u32 $0x7F, v29;
	v29 =	vand.u32 $0x7F, v32;
	v32 =	vld.idx.msk [tilespmem:v23+s20+$0x0], $0xffff  }
0x81: {  	v8 =	vmul.f32 v11, v8;
	v22 =	vor.u32 v0, v22;
	v29 =	vor.u32 v0, v29;
	v16 =	vld.idx.msk [tilespmem:v26+s21+$0x0], $0xffff  }
0x82: {  	v4 =	vadd.f32 v5, v4;
	v5 =	vmul.f32 v15, v13;
	v13 =	vmul.f32 v21, v25;
	v11 =	vld.idx.msk [tilespmem:v28+s20+$0x0], $0xffff  }
0x83: {  	v14 =	vmul.f32 v19, v14;
	v21 =	vor.u32 v0, v27;
	v12 =	vmul.f32 v12, v30;
	v15 =	vld.idx.msk [tilespmem:v31+s21+$0x0], $0xffff  }
0x84: {  	v24 =	vand.u32 $0x7F, v24;
	v13 =	vadd.f32 v13, v9;
	v19 =	vld.idx.msk [tilespmem:v28+s21+$0x0], $0xffff  }
0x85: {  	v4 =	vadd.f32 v5, v4;
	v5 =	vadd.f32 v8, v10;
	v8 =	vmul.f32 v34, v18;
	v9 =	vld.idx.msk [tilespmem:v26+s20+$0x0], $0xffff  }
0x86: {  	v14 =	vadd.f32 v14, v17;
	v10 =	vld.idx.msk [tilespmem:v29+s21+$0x0], $0xffff  }
0x87: {  	v18 =	vadd.f32 v12, v5;
	v4 =	vadd.f32 v8, v4;
	v17 =	vld.idx.msk [tilespmem:v29+s20+$0x0], $0xffff  }
0x88: {  	v5 =	vld.idx.msk [tilespmem:v21+s20+$0x0], $0xffff  }
0x89: {  	v8 =	vld.idx.msk [tilespmem:v21+s21+$0x0], $0xffff  }
0x8a: {  	v11 =	vmul.f32 v19, v11;
	v12 =	vld.idx.msk [tilespmem:v20+s20+$0x0], $0xffff  }
0x8b: {  	v19 =	vadd.s32 $0x8, v7;
	v20 =	vld.idx.msk [tilespmem:v20+s21+$0x0], $0xffff  }
0x8c: {  	v19 =	vand.u32 $0x7F, v19;
	v21 =	vld.idx.msk [tilespmem:v33+s21+$0x0], $0xffff  }
0x8d: {  	v19 =	vor.u32 v0, v19;
	v10 =	vmul.f32 v10, v17;
	v17 =	vadd.s32 $0x8, v2;
	v25 =	vld.idx.msk [tilespmem:v33+s20+$0x0], $0xffff  }
0x8e: {  	v27 =	vadd.s32 $0xC, v6;
	v28 =	vadd.s32 $0x10, v7;
	v17 =	vand.u32 $0x7F, v17;
	v26 =	vld.idx.msk [tilespmem:v22+s21+$0x0], $0xffff  }
0x8f: {  	v29 =	vmul.f32 v8, v5;
	v5 =	vadd.s32 $0x8, v3;
	v17 =	vor.u32 v0, v17;
	v22 =	vld.idx.msk [tilespmem:v22+s20+$0x0], $0xffff  }
0x90: {  	v2 =	vadd.s32 $0x10, v2;
	v3 =	vadd.s32 $0x10, v3;
	v8 =	vand.u32 $0x7F, v5;
	v23 =	vld.idx.msk [tilespmem:v23+s21+$0x0], $0xffff  }
0x91: {  	v2 =	vand.u32 $0x7F, v2;
	v5 =	vmul.f32 v20, v12;
	v30 =	vld.idx.msk [tilespmem:v31+s20+$0x0], $0xffff;
	v31 =	vor.u32 v0, v8  }
0x92: {  	v16 =	vmul.f32 v16, v9;
	v3 =	vand.u32 $0x7F, v3;
	v8 =	vand.u32 $0x7F, v27;
	v9 =	vld.idx.msk [tilespmem:v19+s20+$0x0], $0xffff  }
0x93: {  	v7 =	vadd.s32 $0xC, v7;
	v20 =	vmul.f32 v21, v25;
	v12 =	vld.idx.msk [tilespmem:v19+s21+$0x0], $0xffff;
	v19 =	vor.u32 v0, v8  }
.Ltmp0:
0x94: {  	v6 =	vadd.s32 $0x10, v6;
	v7 =	vand.u32 $0x7F, v7;
	v14 =	vadd.f32 v11, v14;
	v8 =	vld.idx.msk [tilespmem:v17+s20+$0x0], $0xffff;
	(pc) =	sbr.rel @p1 .LBB2_3-.Ltmp0, $4  }
0x95: {  	v16 =	vadd.f32 v16, v13;
	v21 =	vor.u32 v0, v7;
	v25 =	vmul.f32 v26, v22;
	v11 =	vld.idx.msk [tilespmem:v17+s21+$0x0], $0xffff  }
0x96: {  	v7 =	vadd.f32 v20, v18;
	v20 =	vor.u32 v0, v24;
	v17 =	vmul.f32 v23, v32;
	v13 =	vld.idx.msk [tilespmem:v31+s20+$0x0], $0xffff  }
0x97: {  	v16 =	vadd.f32 v29, v16;
	v22 =	vmul.f32 v15, v30;
	v18 =	vadd.f32 v25, v14;
	v15 =	vld.idx.msk [tilespmem:v31+s21+$0x0], $0xffff  }
0x98: {  	v6 =	vand.u32 $0x7F, v6;
	v10 =	vadd.f32 v10, v7;
	v7 =	vand.u32 $0x7F, v28;
	v14 =	vld.idx.msk [tilespmem:v19+s20+$0x0], $0xffff  }
0x99: {  	_ =	sdelay $0x3  }
0x9a: {  	v0 =	vld.idx.msk [tilespmem:v19+s21+$0x0], $0xffff  }
0x9b: {  	v2 =	vld.idx.msk [tilespmem:v21+s20+$0x0], $0xffff  }
0x9c: {  	v3 =	vld.idx.msk [tilespmem:v21+s21+$0x0], $0xffff  }
0x9d: {  	v6 =	vld.idx.msk [tilespmem:v20+s20+$0x0], $0xffff  }
0x9e: {  	v7 =	vld.idx.msk [tilespmem:v20+s21+$0x0], $0xffff  }
0x9f: {  	v57 =	vld.idx.msk [tilespmem:v1+s20+$0x0], $0xffff  }
0xa0: {  	v58 =	vld.idx.msk [tilespmem:v1+s21+$0x0], $0xffff  }
0xa1: {  	v4 =	vadd.f32 v22, v4;
	v9 =	vmul.f32 v12, v9  }
0xa2: {  	v59 =	vadd.f32 v17, v18;
	v8 =	vmul.f32 v11, v8  }
0xa3: {  	v4 =	vadd.f32 v5, v4;
	v61 =	vadd.f32 v9, v16;
	v60 =	vmul.f32 v15, v13  }
0xa4: {  	v62 =	vadd.f32 v8, v10;
	v2 =	vmul.f32 v3, v2;
	v0 =	vmul.f32 v0, v14  }
0xa5: {  	v6 =	vmul.f32 v7, v6;
	v4 =	vadd.f32 v60, v4;
	v1 =	vmul.f32 v58, v57  }
0xa6: {  	v2 =	vadd.f32 v2, v61;
	v0 =	vadd.f32 v0, v59  }
0xa7: {  	v1 =	vadd.f32 v1, v4;
	v63 =	vadd.f32 v6, v62;
	_ =	sdelay $0x1  }
0xa8: {  	v0 =	vadd.f32 v2, v0;
	v1 =	vadd.f32 v63, v1;
	_ =	sdelay $0x1  }
0xa9: {  	v0 =	vadd.f32 v1, v0;
	_ =	sdelay $0x1  }
0xaa: {  	v0 =	vsub.f32 $0.0e+00, v0;
	_ =	sdelay $0x1  }
0xab: {  	v0 =	vmul.f32 $1.442695020e+00, v0;
	_ =	sdelay $0x1  }
0xac: {  	(erf) = vpow2.f32 v0;
	_ =	sdelay $0x8  }
0xad: {  	v0 =	vpop (erf)  }
0xae: {  	v0 =	vadd.f32 $1.000000000e+00, v0;
	_ =	sdelay $0x1  }
0xaf: {  	(erf) = vrcp.f32 v0;
	_ =	sdelay $0x3  }
0xb0: {  	s0 =	sadd.s32 $0x1, s0  }
0xb1: {  	p1 =	sne.s32 s0, $0x5  }
.Ltmp1:
0xb2: {  	_ = 	snop;
	(pc) =	sbr.rel @p1 .LBB2_2-.Ltmp1, $3  }
0xb3: {  	_ =	sdelay $0x1  }
0xb4: {  	v0 =	vpop (erf)  }
0xb5: {  	[tilespmem:s9+$0xA200] =	vst v0  }
0xb6: {  	s0 =	simm.s32 $0x0;
	s4 =	rddreg [dreg:$0x10];
	s6 =	simm.s32 $0xA200  }
0xb7: {  	[hbm4b:s4+s0] =	stream.linear.scatter [tilespmem:s6], [sflag:$0x9], $0x50, $0x38;
	[tilespmem:$0x1DB80] =	vst v63  }
0xb8: {  	_ =	swait.ge [sflag:s15], $0x50  }
0xb9: {  	[sflag:s15] =	ssyncset.done $0x0  }
0xba: {  	[sflag:s15] =	ssyncadd.s32 $0xFFFFFFB0  }
0xbb: {  	_ =	swait.ge [sflag:s16], $0x50  }
0xbc: {  	[sflag:s16] =	ssyncset.done $0x0  }
0xbd: {  	[sflag:s16] =	ssyncadd.s32 $0xFFFFFFB0  }
0xbe: {  	[tilespmem:s20], [sflag:$0x5] =	stream.indirect.gather [spmem:s5], $0x80, s0, s17, $0xb8;
	[tilespmem:$0x1DB80] =	vst v63  }
0xbf: {  	_ = 	snop  }
0xc0: {  	[tilespmem:s21], [sflag:$0x7] =	stream.indirect.gather [hbm4b:s1+s17], $0x80, s10, s17, $0xb8;
	[tilespmem:$0x1DB80] =	vst v63  }
0xc1: {  	_ =	swait.ge [sflag:s30], $0x2800  }
0xc2: {  	[sflag:s30] =	ssyncset.done $0x0  }
0xc3: {  	[sflag:s30] =	ssyncadd.s32 $0xFFFFD800  }
0xc4: {  	_ =	swait.ge [sflag:s31], $0x2800  }
0xc5: {  	[sflag:s31] =	ssyncset.done $0x0  }
0xc6: {  	s6 =	rddreg [dreg:$0x11];
	[sflag:s31] =	ssyncadd.s32 $0xFFFFD800  }
0xc7: {  	[tilespmem:s12], [sflag:$0x2] =	stream.linear.gather [hbm4b:s6+s0], $0x50, $0x38;
	[tilespmem:$0x1DB80] =	vst v63  }
0xc8: {  	s9 =	rddreg [dreg:$0x12]  }
0xc9: {  	[tilespmem:s14], [sflag:$0x4] =	stream.linear.gather [hbm4b:s9+s0], $0x50, $0x38;
	[tilespmem:$0x1DB80] =	vst v63  }
.LBB2_6:
0xca: {  	s9 =	sshll.u32 s0, $0x4;
	v6 =	vlaneseq.u32  }
0xcb: {  	v0 =	vmov s9;
	v1 =	vmul.u32 $0x80, v6  }
0xcc: {  	v2 =	vadd.s32 $0x8, v6;
	v0 =	vshll.u32 v0, $0x7  }
0xcd: {  	v0 =	vor.u32 v1, v0;
	v1 =	vand.u32 $0x7F, v2  }
0xce: {  	v7 =	vadd.s32 $0x1, v6;
	v2 =	vor.u32 v0, v1  }
0xcf: {  	v1 =	vor.u32 v0, v7  }
0xd0: {  	v3 =	vadd.s32 $0x2, v6;
	v4 =	vor.u32 v0, v6  }
0xd1: {  	v5 =	vadd.s32 $0x3, v6;
	v8 =	vor.u32 v0, v3  }
0xd2: {  	v9 =	vadd.s32 $0x4, v5  }
0xd3: {  	v9 =	vand.u32 $0x7F, v9;
	v10 =	vld.idx.msk [tilespmem:v2+s24+$0x0], $0xffff  }
0xd4: {  	v11 =	vadd.s32 $0x4, v7;
	v9 =	vor.u32 v0, v9;
	v12 =	vld.idx.msk [tilespmem:v1+s25+$0x0], $0xffff  }
0xd5: {  	v11 =	vand.u32 $0x7F, v11;
	v13 =	vld.idx.msk [tilespmem:v4+s24+$0x0], $0xffff  }
0xd6: {  	v11 =	vor.u32 v0, v11;
	v15 =	vld.idx.msk [tilespmem:v8+s25+$0x0], $0xffff  }
0xd7: {  	v14 =	vadd.s32 $0x4, v3;
	v16 =	vld.idx.msk [tilespmem:v4+s25+$0x0], $0xffff  }
0xd8: {  	v14 =	vand.u32 $0x7F, v14;
	v17 =	vld.idx.msk [tilespmem:v1+s24+$0x0], $0xffff  }
0xd9: {  	v14 =	vor.u32 v0, v14;
	v18 =	vld.idx.msk [tilespmem:v9+s25+$0x0], $0xffff  }
0xda: {  	v9 =	vld.idx.msk [tilespmem:v9+s24+$0x0], $0xffff  }
0xdb: {  	v19 =	vor.u32 v0, v5;
	v20 =	vld.idx.msk [tilespmem:v11+s24+$0x0], $0xffff  }
0xdc: {  	v26 =	vadd.s32 $0xC, v6;
	v21 =	vadd.s32 $0xC, v3;
	v1 =	vadd.s32 $0x4, v6;
	v11 =	vld.idx.msk [tilespmem:v11+s25+$0x0], $0xffff  }
0xdd: {  	v23 =	vadd.s32 $0xC, v5;
	v24 =	vadd.s32 $0x8, v7;
	v29 =	vld.idx.msk [tilespmem:v2+s25+$0x0], $0xffff;
	v1 =	vand.u32 $0x7F, v1  }
0xde: {  	v27 =	vadd.s32 $0x10, v7;
	v22 =	vor.u32 v0, v1;
	v1 =	vand.u32 $0x7F, v21;
	v21 =	vld.idx.msk [tilespmem:v14+s24+$0x0], $0xffff  }
0xdf: {  	v24 =	vand.u32 $0x7F, v24;
	v7 =	vadd.s32 $0xC, v7;
	v14 =	vld.idx.msk [tilespmem:v14+s25+$0x0], $0xffff;
	v13 =	vmul.f32 v16, v13  }
0xe0: {  	v16 =	vld.idx.msk [tilespmem:v19+s25+$0x0], $0xffff;
	v25 =	vmul.f32 v18, v9;
	v9 =	vadd.s32 $0x8, v5;
	v18 =	vor.u32 v0, v24  }
0xe1: {  	v23 =	vand.u32 $0x7F, v23;
	v7 =	vand.u32 $0x7F, v7;
	v19 =	vld.idx.msk [tilespmem:v19+s24+$0x0], $0xffff;
	v9 =	vand.u32 $0x7F, v9  }
0xe2: {  	v30 =	vld.idx.msk [tilespmem:v8+s24+$0x0], $0xffff;
	v28 =	vmul.f32 v11, v20;
	v11 =	vadd.s32 $0x8, v3;
	v20 =	vor.u32 v0, v9  }
0xe3: {  	v4 =	vimm.f32 $0.0e+00;
	v2 =	vadd.s32 $0x10, v5;
	v62 =	vld.idx.msk [tilespmem:v22+s25+$0x0], $0xffff;
	v9 =	vand.u32 $0x7F, v11  }
0xe4: {  	v8 =	vand.u32 $0x7F, v26;
	v22 =	vld.idx.msk [tilespmem:v22+s24+$0x0], $0xffff;
	v5 =	vmul.f32 v14, v21;
	v14 =	vor.u32 v0, v9  }
0xe5: {  	v6 =	vadd.s32 $0x10, v6;
	v2 =	vand.u32 $0x7F, v2;
	v3 =	vadd.s32 $0x10, v3;
	v9 =	vld.idx.msk [tilespmem:v18+s24+$0x0], $0xffff  }
0xe6: {  	v11 =	vmul.f32 v12, v17;
	v16 =	vmul.f32 v16, v19;
	v12 =	vld.idx.msk [tilespmem:v18+s25+$0x0], $0xffff;
	v19 =	vor.u32 v0, v8  }
0xe7: {  	v6 =	vand.u32 $0x7F, v6;
	v1 =	vor.u32 v0, v1;
	v3 =	vand.u32 $0x7F, v3;
	v8 =	vld.idx.msk [tilespmem:v20+s24+$0x0], $0xffff  }
0xe8: {  	v21 =	vor.u32 v0, v7;
	v17 =	vmul.f32 v29, v10;
	v63 =	vadd.f32 v11, v4;
	v11 =	vld.idx.msk [tilespmem:v20+s25+$0x0], $0xffff  }
0xe9: {  	v18 =	vadd.f32 v13, v4;
	v24 =	vmul.f32 v62, v22;
	v7 =	vadd.f32 v16, v4;
	v13 =	vld.idx.msk [tilespmem:v14+s24+$0x0], $0xffff  }
0xea: {  	v20 =	vor.u32 v0, v23;
	v22 =	vmul.f32 v15, v30;
	v16 =	vadd.f32 v28, v63;
	v15 =	vld.idx.msk [tilespmem:v14+s25+$0x0], $0xffff  }
0xeb: {  	s6 =	simm.s32 $0x7;
	v18 =	vadd.f32 v24, v18;
	v10 =	vadd.f32 v25, v7;
	v7 =	vand.u32 $0x7F, v27;
	v14 =	vld.idx.msk [tilespmem:v19+s24+$0x0], $0xffff  }
.LBB2_7:
0xec: {  	v23 =	vadd.s32 $0x4, v6;
	v24 =	vadd.s32 $0x8, v6;
	p1 =	sne.s32 s6, $0x1;
	s6 =	sadd.s32 $0xFFFFFFFF, s6;
	v4 =	vadd.f32 v22, v4;
	v19 =	vld.idx.msk [tilespmem:v19+s25+$0x0], $0xffff  }
0xed: {  	v22 =	vand.u32 $0x7F, v23;
	v23 =	vand.u32 $0x7F, v24;
	v24 =	vadd.s32 $0xC, v2;
	v25 =	vld.idx.msk [tilespmem:v21+s24+$0x0], $0xffff  }
0xee: {  	v26 =	vor.u32 v0, v7;
	v27 =	vadd.s32 $0xC, v3;
	v23 =	vor.u32 v0, v23;
	v21 =	vld.idx.msk [tilespmem:v21+s25+$0x0], $0xffff  }
0xef: {  	v28 =	vor.u32 v0, v6;
	v29 =	vadd.s32 $0x4, v7;
	v27 =	vand.u32 $0x7F, v27;
	v30 =	vld.idx.msk [tilespmem:v20+s24+$0x0], $0xffff  }
0xf0: {  	v31 =	vor.u32 v0, v3;
	v32 =	vadd.s32 $0x4, v3;
	v9 =	vmul.f32 v12, v9;
	v12 =	vld.idx.msk [tilespmem:v20+s25+$0x0], $0xffff  }
0xf1: {  	v17 =	vadd.f32 v17, v18;
	v20 =	vand.u32 $0x7F, v32;
	v32 =	vadd.s32 $0x4, v2;
	v18 =	vld.idx.msk [tilespmem:v1+s24+$0x0], $0xffff  }
0xf2: {  	v33 =	vor.u32 v0, v2;
	v20 =	vor.u32 v0, v20;
	v34 =	vld.idx.msk [tilespmem:v1+s25+$0x0], $0xffff;
	v1 =	vor.u32 v0, v27  }
0xf3: {  	v9 =	vadd.f32 v9, v16;
	v27 =	vand.u32 $0x7F, v29;
	v29 =	vand.u32 $0x7F, v32;
	v32 =	vld.idx.msk [tilespmem:v23+s24+$0x0], $0xffff  }
0xf4: {  	v8 =	vmul.f32 v11, v8;
	v22 =	vor.u32 v0, v22;
	v29 =	vor.u32 v0, v29;
	v16 =	vld.idx.msk [tilespmem:v26+s25+$0x0], $0xffff  }
0xf5: {  	v4 =	vadd.f32 v5, v4;
	v5 =	vmul.f32 v15, v13;
	v13 =	vmul.f32 v21, v25;
	v11 =	vld.idx.msk [tilespmem:v28+s24+$0x0], $0xffff  }
0xf6: {  	v14 =	vmul.f32 v19, v14;
	v21 =	vor.u32 v0, v27;
	v12 =	vmul.f32 v12, v30;
	v15 =	vld.idx.msk [tilespmem:v31+s25+$0x0], $0xffff  }
0xf7: {  	v24 =	vand.u32 $0x7F, v24;
	v13 =	vadd.f32 v13, v9;
	v19 =	vld.idx.msk [tilespmem:v28+s25+$0x0], $0xffff  }
0xf8: {  	v4 =	vadd.f32 v5, v4;
	v5 =	vadd.f32 v8, v10;
	v8 =	vmul.f32 v34, v18;
	v9 =	vld.idx.msk [tilespmem:v26+s24+$0x0], $0xffff  }
0xf9: {  	v14 =	vadd.f32 v14, v17;
	v10 =	vld.idx.msk [tilespmem:v29+s25+$0x0], $0xffff  }
0xfa: {  	v18 =	vadd.f32 v12, v5;
	v4 =	vadd.f32 v8, v4;
	v17 =	vld.idx.msk [tilespmem:v29+s24+$0x0], $0xffff  }
0xfb: {  	v5 =	vld.idx.msk [tilespmem:v21+s24+$0x0], $0xffff  }
0xfc: {  	v8 =	vld.idx.msk [tilespmem:v21+s25+$0x0], $0xffff  }
0xfd: {  	v11 =	vmul.f32 v19, v11;
	v12 =	vld.idx.msk [tilespmem:v20+s24+$0x0], $0xffff  }
0xfe: {  	v19 =	vadd.s32 $0x8, v7;
	v20 =	vld.idx.msk [tilespmem:v20+s25+$0x0], $0xffff  }
0xff: {  	v19 =	vand.u32 $0x7F, v19;
	v21 =	vld.idx.msk [tilespmem:v33+s25+$0x0], $0xffff  }
0x100: {  	v19 =	vor.u32 v0, v19;
	v10 =	vmul.f32 v10, v17;
	v17 =	vadd.s32 $0x8, v2;
	v25 =	vld.idx.msk [tilespmem:v33+s24+$0x0], $0xffff  }
0x101: {  	v27 =	vadd.s32 $0xC, v6;
	v28 =	vadd.s32 $0x10, v7;
	v17 =	vand.u32 $0x7F, v17;
	v26 =	vld.idx.msk [tilespmem:v22+s25+$0x0], $0xffff  }
0x102: {  	v29 =	vmul.f32 v8, v5;
	v5 =	vadd.s32 $0x8, v3;
	v17 =	vor.u32 v0, v17;
	v22 =	vld.idx.msk [tilespmem:v22+s24+$0x0], $0xffff  }
0x103: {  	v2 =	vadd.s32 $0x10, v2;
	v3 =	vadd.s32 $0x10, v3;
	v8 =	vand.u32 $0x7F, v5;
	v23 =	vld.idx.msk [tilespmem:v23+s25+$0x0], $0xffff  }
0x104: {  	v2 =	vand.u32 $0x7F, v2;
	v5 =	vmul.f32 v20, v12;
	v30 =	vld.idx.msk [tilespmem:v31+s24+$0x0], $0xffff;
	v31 =	vor.u32 v0, v8  }
0x105: {  	v16 =	vmul.f32 v16, v9;
	v3 =	vand.u32 $0x7F, v3;
	v8 =	vand.u32 $0x7F, v27;
	v9 =	vld.idx.msk [tilespmem:v19+s24+$0x0], $0xffff  }
0x106: {  	v7 =	vadd.s32 $0xC, v7;
	v20 =	vmul.f32 v21, v25;
	v12 =	vld.idx.msk [tilespmem:v19+s25+$0x0], $0xffff;
	v19 =	vor.u32 v0, v8  }
.Ltmp2:
0x107: {  	v6 =	vadd.s32 $0x10, v6;
	v7 =	vand.u32 $0x7F, v7;
	v14 =	vadd.f32 v11, v14;
	v8 =	vld.idx.msk [tilespmem:v17+s24+$0x0], $0xffff;
	(pc) =	sbr.rel @p1 .LBB2_7-.Ltmp2, $4  }
0x108: {  	v16 =	vadd.f32 v16, v13;
	v21 =	vor.u32 v0, v7;
	v25 =	vmul.f32 v26, v22;
	v11 =	vld.idx.msk [tilespmem:v17+s25+$0x0], $0xffff  }
0x109: {  	v7 =	vadd.f32 v20, v18;
	v20 =	vor.u32 v0, v24;
	v17 =	vmul.f32 v23, v32;
	v13 =	vld.idx.msk [tilespmem:v31+s24+$0x0], $0xffff  }
0x10a: {  	v16 =	vadd.f32 v29, v16;
	v22 =	vmul.f32 v15, v30;
	v18 =	vadd.f32 v25, v14;
	v15 =	vld.idx.msk [tilespmem:v31+s25+$0x0], $0xffff  }
0x10b: {  	v6 =	vand.u32 $0x7F, v6;
	v10 =	vadd.f32 v10, v7;
	v7 =	vand.u32 $0x7F, v28;
	v14 =	vld.idx.msk [tilespmem:v19+s24+$0x0], $0xffff  }
0x10c: {  	_ =	sdelay $0x3  }
0x10d: {  	v0 =	vld.idx.msk [tilespmem:v19+s25+$0x0], $0xffff  }
0x10e: {  	v2 =	vld.idx.msk [tilespmem:v21+s24+$0x0], $0xffff  }
0x10f: {  	v3 =	vld.idx.msk [tilespmem:v21+s25+$0x0], $0xffff  }
0x110: {  	v6 =	vld.idx.msk [tilespmem:v20+s24+$0x0], $0xffff  }
0x111: {  	v7 =	vld.idx.msk [tilespmem:v20+s25+$0x0], $0xffff  }
0x112: {  	v57 =	vld.idx.msk [tilespmem:v1+s24+$0x0], $0xffff  }
0x113: {  	v58 =	vld.idx.msk [tilespmem:v1+s25+$0x0], $0xffff  }
0x114: {  	v4 =	vadd.f32 v22, v4;
	v9 =	vmul.f32 v12, v9  }
0x115: {  	v59 =	vadd.f32 v17, v18;
	v8 =	vmul.f32 v11, v8  }
0x116: {  	v4 =	vadd.f32 v5, v4;
	v61 =	vadd.f32 v9, v16;
	v60 =	vmul.f32 v15, v13  }
0x117: {  	v62 =	vadd.f32 v8, v10;
	v2 =	vmul.f32 v3, v2;
	v0 =	vmul.f32 v0, v14  }
0x118: {  	v6 =	vmul.f32 v7, v6;
	v4 =	vadd.f32 v60, v4;
	v1 =	vmul.f32 v58, v57  }
0x119: {  	v2 =	vadd.f32 v2, v61;
	v0 =	vadd.f32 v0, v59  }
0x11a: {  	v1 =	vadd.f32 v1, v4;
	v63 =	vadd.f32 v6, v62;
	_ =	sdelay $0x1  }
0x11b: {  	v0 =	vadd.f32 v2, v0;
	v1 =	vadd.f32 v63, v1;
	_ =	sdelay $0x1  }
0x11c: {  	v0 =	vadd.f32 v1, v0;
	_ =	sdelay $0x1  }
0x11d: {  	v0 =	vsub.f32 $0.0e+00, v0;
	_ =	sdelay $0x1  }
0x11e: {  	v0 =	vmul.f32 $1.442695020e+00, v0;
	_ =	sdelay $0x1  }
0x11f: {  	(erf) = vpow2.f32 v0;
	_ =	sdelay $0x8  }
0x120: {  	v0 =	vpop (erf)  }
0x121: {  	v0 =	vadd.f32 $1.000000000e+00, v0;
	_ =	sdelay $0x1  }
0x122: {  	(erf) = vrcp.f32 v0;
	_ =	sdelay $0x3  }
0x123: {  	s0 =	sadd.s32 $0x1, s0  }
0x124: {  	p1 =	sne.s32 s0, $0x5  }
.Ltmp3:
0x125: {  	_ = 	snop;
	(pc) =	sbr.rel @p1 .LBB2_6-.Ltmp3, $3  }
0x126: {  	_ =	sdelay $0x1  }
0x127: {  	v0 =	vpop (erf)  }
0x128: {  	[tilespmem:s9+$0xA280] =	vst v0  }
0x129: {  	s0 =	rddreg [dreg:$0x14];
	s4 =	simm.s32 $0xA280;
	s9 =	simm.s32 $0x1  }
0x12a: {  	[hbm4b:s0+s29] =	stream.linear.scatter [tilespmem:s4], [sflag:$0xA], $0x50, $0x38;
	[tilespmem:$0x1DB80] =	vst v63  }
.LBB2_10:
0x12b: {  	_ =	swait.ge [sflag:s22], $0x50  }
0x12c: {  	[sflag:s22] =	ssyncset.done $0x0  }
0x12d: {  	[sflag:s22] =	ssyncadd.s32 $0xFFFFFFB0  }
0x12e: {  	_ =	swait.ge [sflag:s23], $0x50  }
0x12f: {  	[sflag:s23] =	ssyncset.done $0x0  }
0x130: {  	[sflag:s23] =	ssyncadd.s32 $0xFFFFFFB0  }
0x131: {  	[tilespmem:s24], [sflag:$0x6] =	stream.indirect.gather [spmem:s5], $0x80, s12, s17, $0xb8;
	[tilespmem:$0x1DB80] =	vst v63  }
0x132: {  	_ = 	snop  }
0x133: {  	[tilespmem:s25], [sflag:$0x8] =	stream.indirect.gather [hbm4b:s1+s17], $0x80, s14, s17, $0xb8;
	[tilespmem:$0x1DB80] =	vst v63  }
0x134: {  	_ =	swait.ge [sflag:s26], $0x2800  }
0x135: {  	s0 =	smul.u32 $0xA0, s9;
	[sflag:s26] =	ssyncset.done $0x0  }
0x136: {  	[sflag:s26] =	ssyncadd.s32 $0xFFFFD800  }
0x137: {  	s4 =	sadd.s32 s0, s18;
	_ =	swait.ge [sflag:s28], $0x2800  }
0x138: {  	s4 =	sshrl.u32 s4, $0x3;
	[sflag:s28] =	ssyncset.done $0x0  }
0x139: {  	s29 =	simm.s32 $0x0;
	s6 =	sadd.s32 s3, s4;
	[sflag:s28] =	ssyncadd.s32 $0xFFFFD800  }
0x13a: {  	[tilespmem:s29], [sflag:$0x1] =	stream.linear.gather [hbm4b:s6+s29], $0x50, $0x38;
	[tilespmem:$0x1DB80] =	vst v63  }
0x13b: {  	s4 =	sadd.s32 s7, s4  }
0x13c: {  	[tilespmem:s10], [sflag:$0x3] =	stream.linear.gather [hbm4b:s4+s29], $0x50, $0x38;
	[tilespmem:$0x1DB80] =	vst v63  }
0x13d: {  	_ =	swait.ge [sflag:s19], $0x50  }
0x13e: {  	[sflag:s19] =	ssyncset.done $0x0  }
0x13f: {  	[sflag:s19] =	ssyncadd.s32 $0xFFFFFFB0  }
.LBB2_11:
0x140: {  	s6 =	sshll.u32 s29, $0x4;
	v6 =	vlaneseq.u32  }
0x141: {  	v0 =	vmov s6;
	v1 =	vmul.u32 $0x80, v6  }
0x142: {  	v2 =	vadd.s32 $0x8, v6;
	v0 =	vshll.u32 v0, $0x7  }
0x143: {  	v0 =	vor.u32 v1, v0;
	v1 =	vand.u32 $0x7F, v2  }
0x144: {  	v7 =	vadd.s32 $0x1, v6;
	v2 =	vor.u32 v0, v1  }
0x145: {  	v1 =	vor.u32 v0, v7  }
0x146: {  	v3 =	vadd.s32 $0x2, v6;
	v4 =	vor.u32 v0, v6  }
0x147: {  	v5 =	vadd.s32 $0x3, v6;
	v8 =	vor.u32 v0, v3  }
0x148: {  	v9 =	vadd.s32 $0x4, v5  }
0x149: {  	v9 =	vand.u32 $0x7F, v9;
	v10 =	vld.idx.msk [tilespmem:v2+s20+$0x0], $0xffff  }
0x14a: {  	v11 =	vadd.s32 $0x4, v7;
	v9 =	vor.u32 v0, v9;
	v12 =	vld.idx.msk [tilespmem:v1+s21+$0x0], $0xffff  }
0x14b: {  	v11 =	vand.u32 $0x7F, v11;
	v13 =	vld.idx.msk [tilespmem:v4+s20+$0x0], $0xffff  }
0x14c: {  	v11 =	vor.u32 v0, v11;
	v15 =	vld.idx.msk [tilespmem:v8+s21+$0x0], $0xffff  }
0x14d: {  	v14 =	vadd.s32 $0x4, v3;
	v16 =	vld.idx.msk [tilespmem:v4+s21+$0x0], $0xffff  }
0x14e: {  	v14 =	vand.u32 $0x7F, v14;
	v17 =	vld.idx.msk [tilespmem:v1+s20+$0x0], $0xffff  }
0x14f: {  	v14 =	vor.u32 v0, v14;
	v18 =	vld.idx.msk [tilespmem:v9+s21+$0x0], $0xffff  }
0x150: {  	v9 =	vld.idx.msk [tilespmem:v9+s20+$0x0], $0xffff  }
0x151: {  	v19 =	vor.u32 v0, v5;
	v20 =	vld.idx.msk [tilespmem:v11+s20+$0x0], $0xffff  }
0x152: {  	v26 =	vadd.s32 $0xC, v6;
	v21 =	vadd.s32 $0xC, v3;
	v1 =	vadd.s32 $0x4, v6;
	v11 =	vld.idx.msk [tilespmem:v11+s21+$0x0], $0xffff  }
0x153: {  	v23 =	vadd.s32 $0xC, v5;
	v24 =	vadd.s32 $0x8, v7;
	v29 =	vld.idx.msk [tilespmem:v2+s21+$0x0], $0xffff;
	v1 =	vand.u32 $0x7F, v1  }
0x154: {  	v27 =	vadd.s32 $0x10, v7;
	v22 =	vor.u32 v0, v1;
	v1 =	vand.u32 $0x7F, v21;
	v21 =	vld.idx.msk [tilespmem:v14+s20+$0x0], $0xffff  }
0x155: {  	v24 =	vand.u32 $0x7F, v24;
	v7 =	vadd.s32 $0xC, v7;
	v14 =	vld.idx.msk [tilespmem:v14+s21+$0x0], $0xffff;
	v13 =	vmul.f32 v16, v13  }
0x156: {  	v16 =	vld.idx.msk [tilespmem:v19+s21+$0x0], $0xffff;
	v25 =	vmul.f32 v18, v9;
	v9 =	vadd.s32 $0x8, v5;
	v18 =	vor.u32 v0, v24  }
0x157: {  	v23 =	vand.u32 $0x7F, v23;
	v7 =	vand.u32 $0x7F, v7;
	v19 =	vld.idx.msk [tilespmem:v19+s20+$0x0], $0xffff;
	v9 =	vand.u32 $0x7F, v9  }
0x158: {  	v30 =	vld.idx.msk [tilespmem:v8+s20+$0x0], $0xffff;
	v28 =	vmul.f32 v11, v20;
	v11 =	vadd.s32 $0x8, v3;
	v20 =	vor.u32 v0, v9  }
0x159: {  	v4 =	vimm.f32 $0.0e+00;
	v2 =	vadd.s32 $0x10, v5;
	v62 =	vld.idx.msk [tilespmem:v22+s21+$0x0], $0xffff;
	v9 =	vand.u32 $0x7F, v11  }
0x15a: {  	v8 =	vand.u32 $0x7F, v26;
	v22 =	vld.idx.msk [tilespmem:v22+s20+$0x0], $0xffff;
	v5 =	vmul.f32 v14, v21;
	v14 =	vor.u32 v0, v9  }
0x15b: {  	v6 =	vadd.s32 $0x10, v6;
	v2 =	vand.u32 $0x7F, v2;
	v3 =	vadd.s32 $0x10, v3;
	v9 =	vld.idx.msk [tilespmem:v18+s20+$0x0], $0xffff  }
0x15c: {  	v11 =	vmul.f32 v12, v17;
	v16 =	vmul.f32 v16, v19;
	v12 =	vld.idx.msk [tilespmem:v18+s21+$0x0], $0xffff;
	v19 =	vor.u32 v0, v8  }
0x15d: {  	v6 =	vand.u32 $0x7F, v6;
	v1 =	vor.u32 v0, v1;
	v3 =	vand.u32 $0x7F, v3;
	v8 =	vld.idx.msk [tilespmem:v20+s20+$0x0], $0xffff  }
0x15e: {  	v21 =	vor.u32 v0, v7;
	v17 =	vmul.f32 v29, v10;
	v63 =	vadd.f32 v11, v4;
	v11 =	vld.idx.msk [tilespmem:v20+s21+$0x0], $0xffff  }
0x15f: {  	v18 =	vadd.f32 v13, v4;
	v24 =	vmul.f32 v62, v22;
	v7 =	vadd.f32 v16, v4;
	v13 =	vld.idx.msk [tilespmem:v14+s20+$0x0], $0xffff  }
0x160: {  	v20 =	vor.u32 v0, v23;
	v22 =	vmul.f32 v15, v30;
	v16 =	vadd.f32 v28, v63;
	v15 =	vld.idx.msk [tilespmem:v14+s21+$0x0], $0xffff  }
0x161: {  	s4 =	simm.s32 $0x7;
	v18 =	vadd.f32 v24, v18;
	v10 =	vadd.f32 v25, v7;
	v7 =	vand.u32 $0x7F, v27;
	v14 =	vld.idx.msk [tilespmem:v19+s20+$0x0], $0xffff  }
.LBB2_12:
0x162: {  	v23 =	vadd.s32 $0x4, v6;
	v24 =	vadd.s32 $0x8, v6;
	p1 =	sne.s32 s4, $0x1;
	s4 =	sadd.s32 $0xFFFFFFFF, s4;
	v4 =	vadd.f32 v22, v4;
	v19 =	vld.idx.msk [tilespmem:v19+s21+$0x0], $0xffff  }
0x163: {  	v22 =	vand.u32 $0x7F, v23;
	v23 =	vand.u32 $0x7F, v24;
	v24 =	vadd.s32 $0xC, v2;
	v25 =	vld.idx.msk [tilespmem:v21+s20+$0x0], $0xffff  }
0x164: {  	v26 =	vor.u32 v0, v7;
	v27 =	vadd.s32 $0xC, v3;
	v23 =	vor.u32 v0, v23;
	v21 =	vld.idx.msk [tilespmem:v21+s21+$0x0], $0xffff  }
0x165: {  	v28 =	vor.u32 v0, v6;
	v29 =	vadd.s32 $0x4, v7;
	v27 =	vand.u32 $0x7F, v27;
	v30 =	vld.idx.msk [tilespmem:v20+s20+$0x0], $0xffff  }
0x166: {  	v31 =	vor.u32 v0, v3;
	v32 =	vadd.s32 $0x4, v3;
	v9 =	vmul.f32 v12, v9;
	v12 =	vld.idx.msk [tilespmem:v20+s21+$0x0], $0xffff  }
0x167: {  	v17 =	vadd.f32 v17, v18;
	v20 =	vand.u32 $0x7F, v32;
	v32 =	vadd.s32 $0x4, v2;
	v18 =	vld.idx.msk [tilespmem:v1+s20+$0x0], $0xffff  }
0x168: {  	v33 =	vor.u32 v0, v2;
	v20 =	vor.u32 v0, v20;
	v34 =	vld.idx.msk [tilespmem:v1+s21+$0x0], $0xffff;
	v1 =	vor.u32 v0, v27  }
0x169: {  	v9 =	vadd.f32 v9, v16;
	v27 =	vand.u32 $0x7F, v29;
	v29 =	vand.u32 $0x7F, v32;
	v32 =	vld.idx.msk [tilespmem:v23+s20+$0x0], $0xffff  }
0x16a: {  	v8 =	vmul.f32 v11, v8;
	v22 =	vor.u32 v0, v22;
	v29 =	vor.u32 v0, v29;
	v16 =	vld.idx.msk [tilespmem:v26+s21+$0x0], $0xffff  }
0x16b: {  	v4 =	vadd.f32 v5, v4;
	v5 =	vmul.f32 v15, v13;
	v13 =	vmul.f32 v21, v25;
	v11 =	vld.idx.msk [tilespmem:v28+s20+$0x0], $0xffff  }
0x16c: {  	v14 =	vmul.f32 v19, v14;
	v21 =	vor.u32 v0, v27;
	v12 =	vmul.f32 v12, v30;
	v15 =	vld.idx.msk [tilespmem:v31+s21+$0x0], $0xffff  }
0x16d: {  	v24 =	vand.u32 $0x7F, v24;
	v13 =	vadd.f32 v13, v9;
	v19 =	vld.idx.msk [tilespmem:v28+s21+$0x0], $0xffff  }
0x16e: {  	v4 =	vadd.f32 v5, v4;
	v5 =	vadd.f32 v8, v10;
	v8 =	vmul.f32 v34, v18;
	v9 =	vld.idx.msk [tilespmem:v26+s20+$0x0], $0xffff  }
0x16f: {  	v14 =	vadd.f32 v14, v17;
	v10 =	vld.idx.msk [tilespmem:v29+s21+$0x0], $0xffff  }
0x170: {  	v18 =	vadd.f32 v12, v5;
	v4 =	vadd.f32 v8, v4;
	v17 =	vld.idx.msk [tilespmem:v29+s20+$0x0], $0xffff  }
0x171: {  	v5 =	vld.idx.msk [tilespmem:v21+s20+$0x0], $0xffff  }
0x172: {  	v8 =	vld.idx.msk [tilespmem:v21+s21+$0x0], $0xffff  }
0x173: {  	v11 =	vmul.f32 v19, v11;
	v12 =	vld.idx.msk [tilespmem:v20+s20+$0x0], $0xffff  }
0x174: {  	v19 =	vadd.s32 $0x8, v7;
	v20 =	vld.idx.msk [tilespmem:v20+s21+$0x0], $0xffff  }
0x175: {  	v19 =	vand.u32 $0x7F, v19;
	v21 =	vld.idx.msk [tilespmem:v33+s21+$0x0], $0xffff  }
0x176: {  	v19 =	vor.u32 v0, v19;
	v10 =	vmul.f32 v10, v17;
	v17 =	vadd.s32 $0x8, v2;
	v25 =	vld.idx.msk [tilespmem:v33+s20+$0x0], $0xffff  }
0x177: {  	v27 =	vadd.s32 $0xC, v6;
	v28 =	vadd.s32 $0x10, v7;
	v17 =	vand.u32 $0x7F, v17;
	v26 =	vld.idx.msk [tilespmem:v22+s21+$0x0], $0xffff  }
0x178: {  	v29 =	vmul.f32 v8, v5;
	v5 =	vadd.s32 $0x8, v3;
	v17 =	vor.u32 v0, v17;
	v22 =	vld.idx.msk [tilespmem:v22+s20+$0x0], $0xffff  }
0x179: {  	v2 =	vadd.s32 $0x10, v2;
	v3 =	vadd.s32 $0x10, v3;
	v8 =	vand.u32 $0x7F, v5;
	v23 =	vld.idx.msk [tilespmem:v23+s21+$0x0], $0xffff  }
0x17a: {  	v2 =	vand.u32 $0x7F, v2;
	v5 =	vmul.f32 v20, v12;
	v30 =	vld.idx.msk [tilespmem:v31+s20+$0x0], $0xffff;
	v31 =	vor.u32 v0, v8  }
0x17b: {  	v16 =	vmul.f32 v16, v9;
	v3 =	vand.u32 $0x7F, v3;
	v8 =	vand.u32 $0x7F, v27;
	v9 =	vld.idx.msk [tilespmem:v19+s20+$0x0], $0xffff  }
0x17c: {  	v7 =	vadd.s32 $0xC, v7;
	v20 =	vmul.f32 v21, v25;
	v12 =	vld.idx.msk [tilespmem:v19+s21+$0x0], $0xffff;
	v19 =	vor.u32 v0, v8  }
.Ltmp4:
0x17d: {  	v6 =	vadd.s32 $0x10, v6;
	v7 =	vand.u32 $0x7F, v7;
	v14 =	vadd.f32 v11, v14;
	v8 =	vld.idx.msk [tilespmem:v17+s20+$0x0], $0xffff;
	(pc) =	sbr.rel @p1 .LBB2_12-.Ltmp4, $4  }
0x17e: {  	v16 =	vadd.f32 v16, v13;
	v21 =	vor.u32 v0, v7;
	v25 =	vmul.f32 v26, v22;
	v11 =	vld.idx.msk [tilespmem:v17+s21+$0x0], $0xffff  }
0x17f: {  	v7 =	vadd.f32 v20, v18;
	v20 =	vor.u32 v0, v24;
	v17 =	vmul.f32 v23, v32;
	v13 =	vld.idx.msk [tilespmem:v31+s20+$0x0], $0xffff  }
0x180: {  	v16 =	vadd.f32 v29, v16;
	v22 =	vmul.f32 v15, v30;
	v18 =	vadd.f32 v25, v14;
	v15 =	vld.idx.msk [tilespmem:v31+s21+$0x0], $0xffff  }
0x181: {  	v6 =	vand.u32 $0x7F, v6;
	v10 =	vadd.f32 v10, v7;
	v7 =	vand.u32 $0x7F, v28;
	v14 =	vld.idx.msk [tilespmem:v19+s20+$0x0], $0xffff  }
0x182: {  	_ =	sdelay $0x3  }
0x183: {  	v0 =	vld.idx.msk [tilespmem:v19+s21+$0x0], $0xffff  }
0x184: {  	v2 =	vld.idx.msk [tilespmem:v21+s20+$0x0], $0xffff  }
0x185: {  	v3 =	vld.idx.msk [tilespmem:v21+s21+$0x0], $0xffff  }
0x186: {  	v6 =	vld.idx.msk [tilespmem:v20+s20+$0x0], $0xffff  }
0x187: {  	v7 =	vld.idx.msk [tilespmem:v20+s21+$0x0], $0xffff  }
0x188: {  	v57 =	vld.idx.msk [tilespmem:v1+s20+$0x0], $0xffff  }
0x189: {  	v58 =	vld.idx.msk [tilespmem:v1+s21+$0x0], $0xffff  }
0x18a: {  	v4 =	vadd.f32 v22, v4;
	v9 =	vmul.f32 v12, v9  }
0x18b: {  	v59 =	vadd.f32 v17, v18;
	v8 =	vmul.f32 v11, v8  }
0x18c: {  	v4 =	vadd.f32 v5, v4;
	v61 =	vadd.f32 v9, v16;
	v60 =	vmul.f32 v15, v13  }
0x18d: {  	v62 =	vadd.f32 v8, v10;
	v2 =	vmul.f32 v3, v2;
	v0 =	vmul.f32 v0, v14  }
0x18e: {  	v6 =	vmul.f32 v7, v6;
	v4 =	vadd.f32 v60, v4;
	v1 =	vmul.f32 v58, v57  }
0x18f: {  	v2 =	vadd.f32 v2, v61;
	v0 =	vadd.f32 v0, v59  }
0x190: {  	v1 =	vadd.f32 v1, v4;
	v63 =	vadd.f32 v6, v62;
	_ =	sdelay $0x1  }
0x191: {  	v0 =	vadd.f32 v2, v0;
	v1 =	vadd.f32 v63, v1;
	_ =	sdelay $0x1  }
0x192: {  	v0 =	vadd.f32 v1, v0;
	_ =	sdelay $0x1  }
0x193: {  	v0 =	vsub.f32 $0.0e+00, v0;
	_ =	sdelay $0x1  }
0x194: {  	v0 =	vmul.f32 $1.442695020e+00, v0;
	_ =	sdelay $0x1  }
0x195: {  	(erf) = vpow2.f32 v0;
	_ =	sdelay $0x8  }
0x196: {  	v0 =	vpop (erf)  }
0x197: {  	v0 =	vadd.f32 $1.000000000e+00, v0;
	_ =	sdelay $0x1  }
0x198: {  	(erf) = vrcp.f32 v0;
	_ =	sdelay $0x3  }
0x199: {  	s29 =	sadd.s32 $0x1, s29  }
0x19a: {  	p1 =	sne.s32 s29, $0x5  }
.Ltmp5:
0x19b: {  	_ = 	snop;
	(pc) =	sbr.rel @p1 .LBB2_11-.Ltmp5, $3  }
0x19c: {  	_ =	sdelay $0x1  }
0x19d: {  	v0 =	vpop (erf)  }
0x19e: {  	[tilespmem:s6+$0xA200] =	vst v0  }
0x19f: {  	s4 =	sadd.s32 s11, s0  }
0x1a0: {  	s4 =	sshrl.u32 s4, $0x3  }
0x1a1: {  	s29 =	simm.s32 $0x0;
	s6 =	simm.s32 $0xA200;
	s4 =	sadd.s32 s2, s4  }
0x1a2: {  	[hbm4b:s4+s29] =	stream.linear.scatter [tilespmem:s6], [sflag:$0x9], $0x50, $0x38;
	[tilespmem:$0x1DB80] =	vst v63  }
0x1a3: {  	_ =	swait.ge [sflag:s15], $0x50  }
0x1a4: {  	[sflag:s15] =	ssyncset.done $0x0  }
0x1a5: {  	[sflag:s15] =	ssyncadd.s32 $0xFFFFFFB0  }
0x1a6: {  	_ =	swait.ge [sflag:s16], $0x50  }
0x1a7: {  	[sflag:s16] =	ssyncset.done $0x0  }
0x1a8: {  	[sflag:s16] =	ssyncadd.s32 $0xFFFFFFB0  }
0x1a9: {  	[tilespmem:s20], [sflag:$0x5] =	stream.indirect.gather [spmem:s5], $0x80, s29, s17, $0xb8;
	[tilespmem:$0x1DB80] =	vst v63  }
0x1aa: {  	_ = 	snop  }
0x1ab: {  	[tilespmem:s21], [sflag:$0x7] =	stream.indirect.gather [hbm4b:s1+s17], $0x80, s10, s17, $0xb8;
	[tilespmem:$0x1DB80] =	vst v63  }
0x1ac: {  	_ =	swait.ge [sflag:s30], $0x2800  }
0x1ad: {  	[sflag:s30] =	ssyncset.done $0x0  }
0x1ae: {  	[sflag:s30] =	ssyncadd.s32 $0xFFFFD800  }
0x1af: {  	s6 =	sadd.s32 s0, s13;
	_ =	swait.ge [sflag:s31], $0x2800  }
0x1b0: {  	s4 =	sshrl.u32 s6, $0x3;
	[sflag:s31] =	ssyncset.done $0x0  }
0x1b1: {  	s6 =	sadd.s32 s3, s4;
	[sflag:s31] =	ssyncadd.s32 $0xFFFFD800  }
0x1b2: {  	[tilespmem:s12], [sflag:$0x2] =	stream.linear.gather [hbm4b:s6+s29], $0x50, $0x38;
	[tilespmem:$0x1DB80] =	vst v63  }
0x1b3: {  	s4 =	sadd.s32 s7, s4  }
0x1b4: {  	[tilespmem:s14], [sflag:$0x4] =	stream.linear.gather [hbm4b:s4+s29], $0x50, $0x38;
	[tilespmem:$0x1DB80] =	vst v63  }
0x1b5: {  	_ =	swait.ge [sflag:s8], $0x50  }
0x1b6: {  	[sflag:s8] =	ssyncset.done $0x0  }
0x1b7: {  	[sflag:s8] =	ssyncadd.s32 $0xFFFFFFB0  }
.LBB2_15:
0x1b8: {  	s6 =	sshll.u32 s29, $0x4;
	v6 =	vlaneseq.u32  }
0x1b9: {  	v0 =	vmov s6;
	v1 =	vmul.u32 $0x80, v6  }
0x1ba: {  	v2 =	vadd.s32 $0x8, v6;
	v0 =	vshll.u32 v0, $0x7  }
0x1bb: {  	v0 =	vor.u32 v1, v0;
	v1 =	vand.u32 $0x7F, v2  }
0x1bc: {  	v7 =	vadd.s32 $0x1, v6;
	v2 =	vor.u32 v0, v1  }
0x1bd: {  	v1 =	vor.u32 v0, v7  }
0x1be: {  	v3 =	vadd.s32 $0x2, v6;
	v4 =	vor.u32 v0, v6  }
0x1bf: {  	v5 =	vadd.s32 $0x3, v6;
	v8 =	vor.u32 v0, v3  }
0x1c0: {  	v9 =	vadd.s32 $0x4, v5  }
0x1c1: {  	v9 =	vand.u32 $0x7F, v9;
	v10 =	vld.idx.msk [tilespmem:v2+s24+$0x0], $0xffff  }
0x1c2: {  	v11 =	vadd.s32 $0x4, v7;
	v9 =	vor.u32 v0, v9;
	v12 =	vld.idx.msk [tilespmem:v1+s25+$0x0], $0xffff  }
0x1c3: {  	v11 =	vand.u32 $0x7F, v11;
	v13 =	vld.idx.msk [tilespmem:v4+s24+$0x0], $0xffff  }
0x1c4: {  	v11 =	vor.u32 v0, v11;
	v15 =	vld.idx.msk [tilespmem:v8+s25+$0x0], $0xffff  }
0x1c5: {  	v14 =	vadd.s32 $0x4, v3;
	v16 =	vld.idx.msk [tilespmem:v4+s25+$0x0], $0xffff  }
0x1c6: {  	v14 =	vand.u32 $0x7F, v14;
	v17 =	vld.idx.msk [tilespmem:v1+s24+$0x0], $0xffff  }
0x1c7: {  	v14 =	vor.u32 v0, v14;
	v18 =	vld.idx.msk [tilespmem:v9+s25+$0x0], $0xffff  }
0x1c8: {  	v9 =	vld.idx.msk [tilespmem:v9+s24+$0x0], $0xffff  }
0x1c9: {  	v19 =	vor.u32 v0, v5;
	v20 =	vld.idx.msk [tilespmem:v11+s24+$0x0], $0xffff  }
0x1ca: {  	v26 =	vadd.s32 $0xC, v6;
	v21 =	vadd.s32 $0xC, v3;
	v1 =	vadd.s32 $0x4, v6;
	v11 =	vld.idx.msk [tilespmem:v11+s25+$0x0], $0xffff  }
0x1cb: {  	v23 =	vadd.s32 $0xC, v5;
	v24 =	vadd.s32 $0x8, v7;
	v29 =	vld.idx.msk [tilespmem:v2+s25+$0x0], $0xffff;
	v1 =	vand.u32 $0x7F, v1  }
0x1cc: {  	v27 =	vadd.s32 $0x10, v7;
	v22 =	vor.u32 v0, v1;
	v1 =	vand.u32 $0x7F, v21;
	v21 =	vld.idx.msk [tilespmem:v14+s24+$0x0], $0xffff  }
0x1cd: {  	v24 =	vand.u32 $0x7F, v24;
	v7 =	vadd.s32 $0xC, v7;
	v14 =	vld.idx.msk [tilespmem:v14+s25+$0x0], $0xffff;
	v13 =	vmul.f32 v16, v13  }
0x1ce: {  	v16 =	vld.idx.msk [tilespmem:v19+s25+$0x0], $0xffff;
	v25 =	vmul.f32 v18, v9;
	v9 =	vadd.s32 $0x8, v5;
	v18 =	vor.u32 v0, v24  }
0x1cf: {  	v23 =	vand.u32 $0x7F, v23;
	v7 =	vand.u32 $0x7F, v7;
	v19 =	vld.idx.msk [tilespmem:v19+s24+$0x0], $0xffff;
	v9 =	vand.u32 $0x7F, v9  }
0x1d0: {  	v30 =	vld.idx.msk [tilespmem:v8+s24+$0x0], $0xffff;
	v28 =	vmul.f32 v11, v20;
	v11 =	vadd.s32 $0x8, v3;
	v20 =	vor.u32 v0, v9  }
0x1d1: {  	v4 =	vimm.f32 $0.0e+00;
	v2 =	vadd.s32 $0x10, v5;
	v62 =	vld.idx.msk [tilespmem:v22+s25+$0x0], $0xffff;
	v9 =	vand.u32 $0x7F, v11  }
0x1d2: {  	v8 =	vand.u32 $0x7F, v26;
	v22 =	vld.idx.msk [tilespmem:v22+s24+$0x0], $0xffff;
	v5 =	vmul.f32 v14, v21;
	v14 =	vor.u32 v0, v9  }
0x1d3: {  	v6 =	vadd.s32 $0x10, v6;
	v2 =	vand.u32 $0x7F, v2;
	v3 =	vadd.s32 $0x10, v3;
	v9 =	vld.idx.msk [tilespmem:v18+s24+$0x0], $0xffff  }
0x1d4: {  	v11 =	vmul.f32 v12, v17;
	v16 =	vmul.f32 v16, v19;
	v12 =	vld.idx.msk [tilespmem:v18+s25+$0x0], $0xffff;
	v19 =	vor.u32 v0, v8  }
0x1d5: {  	v6 =	vand.u32 $0x7F, v6;
	v1 =	vor.u32 v0, v1;
	v3 =	vand.u32 $0x7F, v3;
	v8 =	vld.idx.msk [tilespmem:v20+s24+$0x0], $0xffff  }
0x1d6: {  	v21 =	vor.u32 v0, v7;
	v17 =	vmul.f32 v29, v10;
	v63 =	vadd.f32 v11, v4;
	v11 =	vld.idx.msk [tilespmem:v20+s25+$0x0], $0xffff  }
0x1d7: {  	v18 =	vadd.f32 v13, v4;
	v24 =	vmul.f32 v62, v22;
	v7 =	vadd.f32 v16, v4;
	v13 =	vld.idx.msk [tilespmem:v14+s24+$0x0], $0xffff  }
0x1d8: {  	v20 =	vor.u32 v0, v23;
	v22 =	vmul.f32 v15, v30;
	v16 =	vadd.f32 v28, v63;
	v15 =	vld.idx.msk [tilespmem:v14+s25+$0x0], $0xffff  }
0x1d9: {  	s4 =	simm.s32 $0x7;
	v18 =	vadd.f32 v24, v18;
	v10 =	vadd.f32 v25, v7;
	v7 =	vand.u32 $0x7F, v27;
	v14 =	vld.idx.msk [tilespmem:v19+s24+$0x0], $0xffff  }
.LBB2_16:
0x1da: {  	v23 =	vadd.s32 $0x4, v6;
	v24 =	vadd.s32 $0x8, v6;
	p1 =	sne.s32 s4, $0x1;
	s4 =	sadd.s32 $0xFFFFFFFF, s4;
	v4 =	vadd.f32 v22, v4;
	v19 =	vld.idx.msk [tilespmem:v19+s25+$0x0], $0xffff  }
0x1db: {  	v22 =	vand.u32 $0x7F, v23;
	v23 =	vand.u32 $0x7F, v24;
	v24 =	vadd.s32 $0xC, v2;
	v25 =	vld.idx.msk [tilespmem:v21+s24+$0x0], $0xffff  }
0x1dc: {  	v26 =	vor.u32 v0, v7;
	v27 =	vadd.s32 $0xC, v3;
	v23 =	vor.u32 v0, v23;
	v21 =	vld.idx.msk [tilespmem:v21+s25+$0x0], $0xffff  }
0x1dd: {  	v28 =	vor.u32 v0, v6;
	v29 =	vadd.s32 $0x4, v7;
	v27 =	vand.u32 $0x7F, v27;
	v30 =	vld.idx.msk [tilespmem:v20+s24+$0x0], $0xffff  }
0x1de: {  	v31 =	vor.u32 v0, v3;
	v32 =	vadd.s32 $0x4, v3;
	v9 =	vmul.f32 v12, v9;
	v12 =	vld.idx.msk [tilespmem:v20+s25+$0x0], $0xffff  }
0x1df: {  	v17 =	vadd.f32 v17, v18;
	v20 =	vand.u32 $0x7F, v32;
	v32 =	vadd.s32 $0x4, v2;
	v18 =	vld.idx.msk [tilespmem:v1+s24+$0x0], $0xffff  }
0x1e0: {  	v33 =	vor.u32 v0, v2;
	v20 =	vor.u32 v0, v20;
	v34 =	vld.idx.msk [tilespmem:v1+s25+$0x0], $0xffff;
	v1 =	vor.u32 v0, v27  }
0x1e1: {  	v9 =	vadd.f32 v9, v16;
	v27 =	vand.u32 $0x7F, v29;
	v29 =	vand.u32 $0x7F, v32;
	v32 =	vld.idx.msk [tilespmem:v23+s24+$0x0], $0xffff  }
0x1e2: {  	v8 =	vmul.f32 v11, v8;
	v22 =	vor.u32 v0, v22;
	v29 =	vor.u32 v0, v29;
	v16 =	vld.idx.msk [tilespmem:v26+s25+$0x0], $0xffff  }
0x1e3: {  	v4 =	vadd.f32 v5, v4;
	v5 =	vmul.f32 v15, v13;
	v13 =	vmul.f32 v21, v25;
	v11 =	vld.idx.msk [tilespmem:v28+s24+$0x0], $0xffff  }
0x1e4: {  	v14 =	vmul.f32 v19, v14;
	v21 =	vor.u32 v0, v27;
	v12 =	vmul.f32 v12, v30;
	v15 =	vld.idx.msk [tilespmem:v31+s25+$0x0], $0xffff  }
0x1e5: {  	v24 =	vand.u32 $0x7F, v24;
	v13 =	vadd.f32 v13, v9;
	v19 =	vld.idx.msk [tilespmem:v28+s25+$0x0], $0xffff  }
0x1e6: {  	v4 =	vadd.f32 v5, v4;
	v5 =	vadd.f32 v8, v10;
	v8 =	vmul.f32 v34, v18;
	v9 =	vld.idx.msk [tilespmem:v26+s24+$0x0], $0xffff  }
0x1e7: {  	v14 =	vadd.f32 v14, v17;
	v10 =	vld.idx.msk [tilespmem:v29+s25+$0x0], $0xffff  }
0x1e8: {  	v18 =	vadd.f32 v12, v5;
	v4 =	vadd.f32 v8, v4;
	v17 =	vld.idx.msk [tilespmem:v29+s24+$0x0], $0xffff  }
0x1e9: {  	v5 =	vld.idx.msk [tilespmem:v21+s24+$0x0], $0xffff  }
0x1ea: {  	v8 =	vld.idx.msk [tilespmem:v21+s25+$0x0], $0xffff  }
0x1eb: {  	v11 =	vmul.f32 v19, v11;
	v12 =	vld.idx.msk [tilespmem:v20+s24+$0x0], $0xffff  }
0x1ec: {  	v19 =	vadd.s32 $0x8, v7;
	v20 =	vld.idx.msk [tilespmem:v20+s25+$0x0], $0xffff  }
0x1ed: {  	v19 =	vand.u32 $0x7F, v19;
	v21 =	vld.idx.msk [tilespmem:v33+s25+$0x0], $0xffff  }
0x1ee: {  	v19 =	vor.u32 v0, v19;
	v10 =	vmul.f32 v10, v17;
	v17 =	vadd.s32 $0x8, v2;
	v25 =	vld.idx.msk [tilespmem:v33+s24+$0x0], $0xffff  }
0x1ef: {  	v27 =	vadd.s32 $0xC, v6;
	v28 =	vadd.s32 $0x10, v7;
	v17 =	vand.u32 $0x7F, v17;
	v26 =	vld.idx.msk [tilespmem:v22+s25+$0x0], $0xffff  }
0x1f0: {  	v29 =	vmul.f32 v8, v5;
	v5 =	vadd.s32 $0x8, v3;
	v17 =	vor.u32 v0, v17;
	v22 =	vld.idx.msk [tilespmem:v22+s24+$0x0], $0xffff  }
0x1f1: {  	v2 =	vadd.s32 $0x10, v2;
	v3 =	vadd.s32 $0x10, v3;
	v8 =	vand.u32 $0x7F, v5;
	v23 =	vld.idx.msk [tilespmem:v23+s25+$0x0], $0xffff  }
0x1f2: {  	v2 =	vand.u32 $0x7F, v2;
	v5 =	vmul.f32 v20, v12;
	v30 =	vld.idx.msk [tilespmem:v31+s24+$0x0], $0xffff;
	v31 =	vor.u32 v0, v8  }
0x1f3: {  	v16 =	vmul.f32 v16, v9;
	v3 =	vand.u32 $0x7F, v3;
	v8 =	vand.u32 $0x7F, v27;
	v9 =	vld.idx.msk [tilespmem:v19+s24+$0x0], $0xffff  }
0x1f4: {  	v7 =	vadd.s32 $0xC, v7;
	v20 =	vmul.f32 v21, v25;
	v12 =	vld.idx.msk [tilespmem:v19+s25+$0x0], $0xffff;
	v19 =	vor.u32 v0, v8  }
.Ltmp6:
0x1f5: {  	v6 =	vadd.s32 $0x10, v6;
	v7 =	vand.u32 $0x7F, v7;
	v14 =	vadd.f32 v11, v14;
	v8 =	vld.idx.msk [tilespmem:v17+s24+$0x0], $0xffff;
	(pc) =	sbr.rel @p1 .LBB2_16-.Ltmp6, $4  }
0x1f6: {  	v16 =	vadd.f32 v16, v13;
	v21 =	vor.u32 v0, v7;
	v25 =	vmul.f32 v26, v22;
	v11 =	vld.idx.msk [tilespmem:v17+s25+$0x0], $0xffff  }
0x1f7: {  	v7 =	vadd.f32 v20, v18;
	v20 =	vor.u32 v0, v24;
	v17 =	vmul.f32 v23, v32;
	v13 =	vld.idx.msk [tilespmem:v31+s24+$0x0], $0xffff  }
0x1f8: {  	v16 =	vadd.f32 v29, v16;
	v22 =	vmul.f32 v15, v30;
	v18 =	vadd.f32 v25, v14;
	v15 =	vld.idx.msk [tilespmem:v31+s25+$0x0], $0xffff  }
0x1f9: {  	v6 =	vand.u32 $0x7F, v6;
	v10 =	vadd.f32 v10, v7;
	v7 =	vand.u32 $0x7F, v28;
	v14 =	vld.idx.msk [tilespmem:v19+s24+$0x0], $0xffff  }
0x1fa: {  	_ =	sdelay $0x3  }
0x1fb: {  	v0 =	vld.idx.msk [tilespmem:v19+s25+$0x0], $0xffff  }
0x1fc: {  	v2 =	vld.idx.msk [tilespmem:v21+s24+$0x0], $0xffff  }
0x1fd: {  	v3 =	vld.idx.msk [tilespmem:v21+s25+$0x0], $0xffff  }
0x1fe: {  	v6 =	vld.idx.msk [tilespmem:v20+s24+$0x0], $0xffff  }
0x1ff: {  	v7 =	vld.idx.msk [tilespmem:v20+s25+$0x0], $0xffff  }
0x200: {  	v57 =	vld.idx.msk [tilespmem:v1+s24+$0x0], $0xffff  }
0x201: {  	v58 =	vld.idx.msk [tilespmem:v1+s25+$0x0], $0xffff  }
0x202: {  	v4 =	vadd.f32 v22, v4;
	v9 =	vmul.f32 v12, v9  }
0x203: {  	v59 =	vadd.f32 v17, v18;
	v8 =	vmul.f32 v11, v8  }
0x204: {  	v4 =	vadd.f32 v5, v4;
	v61 =	vadd.f32 v9, v16;
	v60 =	vmul.f32 v15, v13  }
0x205: {  	v62 =	vadd.f32 v8, v10;
	v2 =	vmul.f32 v3, v2;
	v0 =	vmul.f32 v0, v14  }
0x206: {  	v6 =	vmul.f32 v7, v6;
	v4 =	vadd.f32 v60, v4;
	v1 =	vmul.f32 v58, v57  }
0x207: {  	v2 =	vadd.f32 v2, v61;
	v0 =	vadd.f32 v0, v59  }
0x208: {  	v1 =	vadd.f32 v1, v4;
	v63 =	vadd.f32 v6, v62;
	_ =	sdelay $0x1  }
0x209: {  	v0 =	vadd.f32 v2, v0;
	v1 =	vadd.f32 v63, v1;
	_ =	sdelay $0x1  }
0x20a: {  	v0 =	vadd.f32 v1, v0;
	_ =	sdelay $0x1  }
0x20b: {  	v0 =	vsub.f32 $0.0e+00, v0;
	_ =	sdelay $0x1  }
0x20c: {  	v0 =	vmul.f32 $1.442695020e+00, v0;
	_ =	sdelay $0x1  }
0x20d: {  	(erf) = vpow2.f32 v0;
	_ =	sdelay $0x8  }
0x20e: {  	v0 =	vpop (erf)  }
0x20f: {  	v0 =	vadd.f32 $1.000000000e+00, v0;
	_ =	sdelay $0x1  }
0x210: {  	(erf) = vrcp.f32 v0;
	_ =	sdelay $0x3  }
0x211: {  	s29 =	sadd.s32 $0x1, s29  }
0x212: {  	p1 =	sne.s32 s29, $0x5  }
.Ltmp7:
0x213: {  	_ = 	snop;
	(pc) =	sbr.rel @p1 .LBB2_15-.Ltmp7, $3  }
0x214: {  	_ =	sdelay $0x1  }
0x215: {  	v0 =	vpop (erf)  }
0x216: {  	[tilespmem:s6+$0xA280] =	vst v0  }
0x217: {  	s9 =	sadd.s32 $0x1, s9  }
0x218: {  	p1 =	sne.s32 s9, $0x3D  }
.Ltmp8:
0x219: {  	s4 =	rddreg [dreg:$0xf];
	(pc) =	sbr.rel @p1 .LBB2_10-.Ltmp8, $4  }
0x21a: {  	s0 =	sadd.s32 s0, s4  }
0x21b: {  	s0 =	sshrl.u32 s0, $0x3  }
0x21c: {  	s29 =	simm.s32 $0x0;
	s6 =	simm.s32 $0xA280;
	s0 =	sadd.s32 s2, s0  }
0x21d: {  	[hbm4b:s0+s29] =	stream.linear.scatter [tilespmem:s6], [sflag:$0xA], $0x50, $0x38;
	[tilespmem:$0x1DB80] =	vst v63  }
0x21e: {  	_ =	swait.ge [sflag:s22], $0x50  }
0x21f: {  	[sflag:s22] =	ssyncset.done $0x0  }
0x220: {  	[sflag:s22] =	ssyncadd.s32 $0xFFFFFFB0  }
0x221: {  	_ =	swait.ge [sflag:s23], $0x50  }
0x222: {  	[sflag:s23] =	ssyncset.done $0x0  }
0x223: {  	[sflag:s23] =	ssyncadd.s32 $0xFFFFFFB0  }
0x224: {  	[tilespmem:s24], [sflag:$0x6] =	stream.indirect.gather [spmem:s5], $0x80, s12, s17, $0xb8;
	[tilespmem:$0x1DB80] =	vst v63  }
0x225: {  	_ = 	snop  }
0x226: {  	[tilespmem:s25], [sflag:$0x8] =	stream.indirect.gather [hbm4b:s1+s17], $0x80, s14, s17, $0xb8;
	[tilespmem:$0x1DB80] =	vst v63  }
0x227: {  	_ =	swait.ge [sflag:s26], $0x2800  }
0x228: {  	[sflag:s26] =	ssyncset.done $0x0  }
0x229: {  	[sflag:s26] =	ssyncadd.s32 $0xFFFFD800  }
0x22a: {  	_ =	swait.ge [sflag:s28], $0x2800  }
0x22b: {  	[sflag:s28] =	ssyncset.done $0x0  }
0x22c: {  	s0 =	simm.s32 $0x0;
	s4 =	rddreg [dreg:$0x15];
	[sflag:s28] =	ssyncadd.s32 $0xFFFFD800  }
0x22d: {  	[tilespmem:s0], [sflag:$0x1] =	stream.linear.gather [hbm4b:s4+s0], $0x50, $0x38;
	[tilespmem:$0x1DB80] =	vst v63  }
0x22e: {  	s9 =	rddreg [dreg:$0x16]  }
0x22f: {  	[tilespmem:s10], [sflag:$0x3] =	stream.linear.gather [hbm4b:s9+s0], $0x50, $0x38;
	[tilespmem:$0x1DB80] =	vst v63  }
0x230: {  	_ =	swait.ge [sflag:s19], $0x50  }
0x231: {  	[sflag:s19] =	ssyncset.done $0x0  }
0x232: {  	[sflag:s19] =	ssyncadd.s32 $0xFFFFFFB0  }
.LBB2_20:
0x233: {  	s6 =	sshll.u32 s0, $0x4;
	v6 =	vlaneseq.u32  }
0x234: {  	v0 =	vmov s6;
	v1 =	vmul.u32 $0x80, v6  }
0x235: {  	v2 =	vadd.s32 $0x8, v6;
	v0 =	vshll.u32 v0, $0x7  }
0x236: {  	v0 =	vor.u32 v1, v0;
	v1 =	vand.u32 $0x7F, v2  }
0x237: {  	v7 =	vadd.s32 $0x1, v6;
	v2 =	vor.u32 v0, v1  }
0x238: {  	v1 =	vor.u32 v0, v7  }
0x239: {  	v3 =	vadd.s32 $0x2, v6;
	v4 =	vor.u32 v0, v6  }
0x23a: {  	v5 =	vadd.s32 $0x3, v6;
	v8 =	vor.u32 v0, v3  }
0x23b: {  	v9 =	vadd.s32 $0x4, v5  }
0x23c: {  	v9 =	vand.u32 $0x7F, v9;
	v10 =	vld.idx.msk [tilespmem:v2+s20+$0x0], $0xffff  }
0x23d: {  	v11 =	vadd.s32 $0x4, v7;
	v9 =	vor.u32 v0, v9;
	v12 =	vld.idx.msk [tilespmem:v1+s21+$0x0], $0xffff  }
0x23e: {  	v11 =	vand.u32 $0x7F, v11;
	v13 =	vld.idx.msk [tilespmem:v4+s20+$0x0], $0xffff  }
0x23f: {  	v11 =	vor.u32 v0, v11;
	v15 =	vld.idx.msk [tilespmem:v8+s21+$0x0], $0xffff  }
0x240: {  	v14 =	vadd.s32 $0x4, v3;
	v16 =	vld.idx.msk [tilespmem:v4+s21+$0x0], $0xffff  }
0x241: {  	v14 =	vand.u32 $0x7F, v14;
	v17 =	vld.idx.msk [tilespmem:v1+s20+$0x0], $0xffff  }
0x242: {  	v14 =	vor.u32 v0, v14;
	v18 =	vld.idx.msk [tilespmem:v9+s21+$0x0], $0xffff  }
0x243: {  	v9 =	vld.idx.msk [tilespmem:v9+s20+$0x0], $0xffff  }
0x244: {  	v19 =	vor.u32 v0, v5;
	v20 =	vld.idx.msk [tilespmem:v11+s20+$0x0], $0xffff  }
0x245: {  	v26 =	vadd.s32 $0xC, v6;
	v21 =	vadd.s32 $0xC, v3;
	v1 =	vadd.s32 $0x4, v6;
	v11 =	vld.idx.msk [tilespmem:v11+s21+$0x0], $0xffff  }
0x246: {  	v23 =	vadd.s32 $0xC, v5;
	v24 =	vadd.s32 $0x8, v7;
	v29 =	vld.idx.msk [tilespmem:v2+s21+$0x0], $0xffff;
	v1 =	vand.u32 $0x7F, v1  }
0x247: {  	v27 =	vadd.s32 $0x10, v7;
	v22 =	vor.u32 v0, v1;
	v1 =	vand.u32 $0x7F, v21;
	v21 =	vld.idx.msk [tilespmem:v14+s20+$0x0], $0xffff  }
0x248: {  	v24 =	vand.u32 $0x7F, v24;
	v7 =	vadd.s32 $0xC, v7;
	v14 =	vld.idx.msk [tilespmem:v14+s21+$0x0], $0xffff;
	v13 =	vmul.f32 v16, v13  }
0x249: {  	v16 =	vld.idx.msk [tilespmem:v19+s21+$0x0], $0xffff;
	v25 =	vmul.f32 v18, v9;
	v9 =	vadd.s32 $0x8, v5;
	v18 =	vor.u32 v0, v24  }
0x24a: {  	v23 =	vand.u32 $0x7F, v23;
	v7 =	vand.u32 $0x7F, v7;
	v19 =	vld.idx.msk [tilespmem:v19+s20+$0x0], $0xffff;
	v9 =	vand.u32 $0x7F, v9  }
0x24b: {  	v30 =	vld.idx.msk [tilespmem:v8+s20+$0x0], $0xffff;
	v28 =	vmul.f32 v11, v20;
	v11 =	vadd.s32 $0x8, v3;
	v20 =	vor.u32 v0, v9  }
0x24c: {  	v4 =	vimm.f32 $0.0e+00;
	v2 =	vadd.s32 $0x10, v5;
	v62 =	vld.idx.msk [tilespmem:v22+s21+$0x0], $0xffff;
	v9 =	vand.u32 $0x7F, v11  }
0x24d: {  	v8 =	vand.u32 $0x7F, v26;
	v22 =	vld.idx.msk [tilespmem:v22+s20+$0x0], $0xffff;
	v5 =	vmul.f32 v14, v21;
	v14 =	vor.u32 v0, v9  }
0x24e: {  	v6 =	vadd.s32 $0x10, v6;
	v2 =	vand.u32 $0x7F, v2;
	v3 =	vadd.s32 $0x10, v3;
	v9 =	vld.idx.msk [tilespmem:v18+s20+$0x0], $0xffff  }
0x24f: {  	v11 =	vmul.f32 v12, v17;
	v16 =	vmul.f32 v16, v19;
	v12 =	vld.idx.msk [tilespmem:v18+s21+$0x0], $0xffff;
	v19 =	vor.u32 v0, v8  }
0x250: {  	v6 =	vand.u32 $0x7F, v6;
	v1 =	vor.u32 v0, v1;
	v3 =	vand.u32 $0x7F, v3;
	v8 =	vld.idx.msk [tilespmem:v20+s20+$0x0], $0xffff  }
0x251: {  	v21 =	vor.u32 v0, v7;
	v17 =	vmul.f32 v29, v10;
	v63 =	vadd.f32 v11, v4;
	v11 =	vld.idx.msk [tilespmem:v20+s21+$0x0], $0xffff  }
0x252: {  	v18 =	vadd.f32 v13, v4;
	v24 =	vmul.f32 v62, v22;
	v7 =	vadd.f32 v16, v4;
	v13 =	vld.idx.msk [tilespmem:v14+s20+$0x0], $0xffff  }
0x253: {  	v20 =	vor.u32 v0, v23;
	v22 =	vmul.f32 v15, v30;
	v16 =	vadd.f32 v28, v63;
	v15 =	vld.idx.msk [tilespmem:v14+s21+$0x0], $0xffff  }
0x254: {  	s4 =	simm.s32 $0x7;
	v18 =	vadd.f32 v24, v18;
	v10 =	vadd.f32 v25, v7;
	v7 =	vand.u32 $0x7F, v27;
	v14 =	vld.idx.msk [tilespmem:v19+s20+$0x0], $0xffff  }
.LBB2_21:
0x255: {  	v23 =	vadd.s32 $0x4, v6;
	v24 =	vadd.s32 $0x8, v6;
	p1 =	sne.s32 s4, $0x1;
	s4 =	sadd.s32 $0xFFFFFFFF, s4;
	v4 =	vadd.f32 v22, v4;
	v19 =	vld.idx.msk [tilespmem:v19+s21+$0x0], $0xffff  }
0x256: {  	v22 =	vand.u32 $0x7F, v23;
	v23 =	vand.u32 $0x7F, v24;
	v24 =	vadd.s32 $0xC, v2;
	v25 =	vld.idx.msk [tilespmem:v21+s20+$0x0], $0xffff  }
0x257: {  	v26 =	vor.u32 v0, v7;
	v27 =	vadd.s32 $0xC, v3;
	v23 =	vor.u32 v0, v23;
	v21 =	vld.idx.msk [tilespmem:v21+s21+$0x0], $0xffff  }
0x258: {  	v28 =	vor.u32 v0, v6;
	v29 =	vadd.s32 $0x4, v7;
	v27 =	vand.u32 $0x7F, v27;
	v30 =	vld.idx.msk [tilespmem:v20+s20+$0x0], $0xffff  }
0x259: {  	v31 =	vor.u32 v0, v3;
	v32 =	vadd.s32 $0x4, v3;
	v9 =	vmul.f32 v12, v9;
	v12 =	vld.idx.msk [tilespmem:v20+s21+$0x0], $0xffff  }
0x25a: {  	v17 =	vadd.f32 v17, v18;
	v20 =	vand.u32 $0x7F, v32;
	v32 =	vadd.s32 $0x4, v2;
	v18 =	vld.idx.msk [tilespmem:v1+s20+$0x0], $0xffff  }
0x25b: {  	v33 =	vor.u32 v0, v2;
	v20 =	vor.u32 v0, v20;
	v34 =	vld.idx.msk [tilespmem:v1+s21+$0x0], $0xffff;
	v1 =	vor.u32 v0, v27  }
0x25c: {  	v9 =	vadd.f32 v9, v16;
	v27 =	vand.u32 $0x7F, v29;
	v29 =	vand.u32 $0x7F, v32;
	v32 =	vld.idx.msk [tilespmem:v23+s20+$0x0], $0xffff  }
0x25d: {  	v8 =	vmul.f32 v11, v8;
	v22 =	vor.u32 v0, v22;
	v29 =	vor.u32 v0, v29;
	v16 =	vld.idx.msk [tilespmem:v26+s21+$0x0], $0xffff  }
0x25e: {  	v4 =	vadd.f32 v5, v4;
	v5 =	vmul.f32 v15, v13;
	v13 =	vmul.f32 v21, v25;
	v11 =	vld.idx.msk [tilespmem:v28+s20+$0x0], $0xffff  }
0x25f: {  	v14 =	vmul.f32 v19, v14;
	v21 =	vor.u32 v0, v27;
	v12 =	vmul.f32 v12, v30;
	v15 =	vld.idx.msk [tilespmem:v31+s21+$0x0], $0xffff  }
0x260: {  	v24 =	vand.u32 $0x7F, v24;
	v13 =	vadd.f32 v13, v9;
	v19 =	vld.idx.msk [tilespmem:v28+s21+$0x0], $0xffff  }
0x261: {  	v4 =	vadd.f32 v5, v4;
	v5 =	vadd.f32 v8, v10;
	v8 =	vmul.f32 v34, v18;
	v9 =	vld.idx.msk [tilespmem:v26+s20+$0x0], $0xffff  }
0x262: {  	v14 =	vadd.f32 v14, v17;
	v10 =	vld.idx.msk [tilespmem:v29+s21+$0x0], $0xffff  }
0x263: {  	v18 =	vadd.f32 v12, v5;
	v4 =	vadd.f32 v8, v4;
	v17 =	vld.idx.msk [tilespmem:v29+s20+$0x0], $0xffff  }
0x264: {  	v5 =	vld.idx.msk [tilespmem:v21+s20+$0x0], $0xffff  }
0x265: {  	v8 =	vld.idx.msk [tilespmem:v21+s21+$0x0], $0xffff  }
0x266: {  	v11 =	vmul.f32 v19, v11;
	v12 =	vld.idx.msk [tilespmem:v20+s20+$0x0], $0xffff  }
0x267: {  	v19 =	vadd.s32 $0x8, v7;
	v20 =	vld.idx.msk [tilespmem:v20+s21+$0x0], $0xffff  }
0x268: {  	v19 =	vand.u32 $0x7F, v19;
	v21 =	vld.idx.msk [tilespmem:v33+s21+$0x0], $0xffff  }
0x269: {  	v19 =	vor.u32 v0, v19;
	v10 =	vmul.f32 v10, v17;
	v17 =	vadd.s32 $0x8, v2;
	v25 =	vld.idx.msk [tilespmem:v33+s20+$0x0], $0xffff  }
0x26a: {  	v27 =	vadd.s32 $0xC, v6;
	v28 =	vadd.s32 $0x10, v7;
	v17 =	vand.u32 $0x7F, v17;
	v26 =	vld.idx.msk [tilespmem:v22+s21+$0x0], $0xffff  }
0x26b: {  	v29 =	vmul.f32 v8, v5;
	v5 =	vadd.s32 $0x8, v3;
	v17 =	vor.u32 v0, v17;
	v22 =	vld.idx.msk [tilespmem:v22+s20+$0x0], $0xffff  }
0x26c: {  	v2 =	vadd.s32 $0x10, v2;
	v3 =	vadd.s32 $0x10, v3;
	v8 =	vand.u32 $0x7F, v5;
	v23 =	vld.idx.msk [tilespmem:v23+s21+$0x0], $0xffff  }
0x26d: {  	v2 =	vand.u32 $0x7F, v2;
	v5 =	vmul.f32 v20, v12;
	v30 =	vld.idx.msk [tilespmem:v31+s20+$0x0], $0xffff;
	v31 =	vor.u32 v0, v8  }
0x26e: {  	v16 =	vmul.f32 v16, v9;
	v3 =	vand.u32 $0x7F, v3;
	v8 =	vand.u32 $0x7F, v27;
	v9 =	vld.idx.msk [tilespmem:v19+s20+$0x0], $0xffff  }
0x26f: {  	v7 =	vadd.s32 $0xC, v7;
	v20 =	vmul.f32 v21, v25;
	v12 =	vld.idx.msk [tilespmem:v19+s21+$0x0], $0xffff;
	v19 =	vor.u32 v0, v8  }
.Ltmp9:
0x270: {  	v6 =	vadd.s32 $0x10, v6;
	v7 =	vand.u32 $0x7F, v7;
	v14 =	vadd.f32 v11, v14;
	v8 =	vld.idx.msk [tilespmem:v17+s20+$0x0], $0xffff;
	(pc) =	sbr.rel @p1 .LBB2_21-.Ltmp9, $4  }
0x271: {  	v16 =	vadd.f32 v16, v13;
	v21 =	vor.u32 v0, v7;
	v25 =	vmul.f32 v26, v22;
	v11 =	vld.idx.msk [tilespmem:v17+s21+$0x0], $0xffff  }
0x272: {  	v7 =	vadd.f32 v20, v18;
	v20 =	vor.u32 v0, v24;
	v17 =	vmul.f32 v23, v32;
	v13 =	vld.idx.msk [tilespmem:v31+s20+$0x0], $0xffff  }
0x273: {  	v16 =	vadd.f32 v29, v16;
	v22 =	vmul.f32 v15, v30;
	v18 =	vadd.f32 v25, v14;
	v15 =	vld.idx.msk [tilespmem:v31+s21+$0x0], $0xffff  }
0x274: {  	v6 =	vand.u32 $0x7F, v6;
	v10 =	vadd.f32 v10, v7;
	v7 =	vand.u32 $0x7F, v28;
	v14 =	vld.idx.msk [tilespmem:v19+s20+$0x0], $0xffff  }
0x275: {  	_ =	sdelay $0x3  }
0x276: {  	v0 =	vld.idx.msk [tilespmem:v19+s21+$0x0], $0xffff  }
0x277: {  	v2 =	vld.idx.msk [tilespmem:v21+s20+$0x0], $0xffff  }
0x278: {  	v3 =	vld.idx.msk [tilespmem:v21+s21+$0x0], $0xffff  }
0x279: {  	v6 =	vld.idx.msk [tilespmem:v20+s20+$0x0], $0xffff  }
0x27a: {  	v7 =	vld.idx.msk [tilespmem:v20+s21+$0x0], $0xffff  }
0x27b: {  	v57 =	vld.idx.msk [tilespmem:v1+s20+$0x0], $0xffff  }
0x27c: {  	v58 =	vld.idx.msk [tilespmem:v1+s21+$0x0], $0xffff  }
0x27d: {  	v4 =	vadd.f32 v22, v4;
	v9 =	vmul.f32 v12, v9  }
0x27e: {  	v59 =	vadd.f32 v17, v18;
	v8 =	vmul.f32 v11, v8  }
0x27f: {  	v4 =	vadd.f32 v5, v4;
	v61 =	vadd.f32 v9, v16;
	v60 =	vmul.f32 v15, v13  }
0x280: {  	v62 =	vadd.f32 v8, v10;
	v2 =	vmul.f32 v3, v2;
	v0 =	vmul.f32 v0, v14  }
0x281: {  	v6 =	vmul.f32 v7, v6;
	v4 =	vadd.f32 v60, v4;
	v1 =	vmul.f32 v58, v57  }
0x282: {  	v2 =	vadd.f32 v2, v61;
	v0 =	vadd.f32 v0, v59  }
0x283: {  	v1 =	vadd.f32 v1, v4;
	v63 =	vadd.f32 v6, v62;
	_ =	sdelay $0x1  }
0x284: {  	v0 =	vadd.f32 v2, v0;
	v1 =	vadd.f32 v63, v1;
	_ =	sdelay $0x1  }
0x285: {  	v0 =	vadd.f32 v1, v0;
	_ =	sdelay $0x1  }
0x286: {  	v0 =	vsub.f32 $0.0e+00, v0;
	_ =	sdelay $0x1  }
0x287: {  	v0 =	vmul.f32 $1.442695020e+00, v0;
	_ =	sdelay $0x1  }
0x288: {  	(erf) = vpow2.f32 v0;
	_ =	sdelay $0x8  }
0x289: {  	v0 =	vpop (erf)  }
0x28a: {  	v0 =	vadd.f32 $1.000000000e+00, v0;
	_ =	sdelay $0x1  }
0x28b: {  	(erf) = vrcp.f32 v0;
	_ =	sdelay $0x3  }
0x28c: {  	s0 =	sadd.s32 $0x1, s0  }
0x28d: {  	p1 =	sne.s32 s0, $0x5  }
.Ltmp10:
0x28e: {  	_ = 	snop;
	(pc) =	sbr.rel @p1 .LBB2_20-.Ltmp10, $3  }
0x28f: {  	_ =	sdelay $0x1  }
0x290: {  	v0 =	vpop (erf)  }
0x291: {  	[tilespmem:s6+$0xA200] =	vst v0  }
0x292: {  	s0 =	simm.s32 $0x0;
	s4 =	rddreg [dreg:$0x1b];
	s6 =	simm.s32 $0xA200  }
0x293: {  	[hbm4b:s4+s0] =	stream.linear.scatter [tilespmem:s6], [sflag:$0x9], $0x50, $0x38;
	[tilespmem:$0x1DB80] =	vst v63  }
0x294: {  	_ =	swait.ge [sflag:s15], $0x50  }
0x295: {  	[sflag:s15] =	ssyncset.done $0x0  }
0x296: {  	[sflag:s15] =	ssyncadd.s32 $0xFFFFFFB0  }
0x297: {  	_ =	swait.ge [sflag:s16], $0x50  }
0x298: {  	[sflag:s16] =	ssyncset.done $0x0  }
0x299: {  	[sflag:s16] =	ssyncadd.s32 $0xFFFFFFB0  }
0x29a: {  	[tilespmem:s20], [sflag:$0x5] =	stream.indirect.gather [spmem:s5], $0x80, s0, s17, $0xb8;
	[tilespmem:$0x1DB80] =	vst v63  }
0x29b: {  	_ = 	snop  }
0x29c: {  	[tilespmem:s21], [sflag:$0x7] =	stream.indirect.gather [hbm4b:s1+s17], $0x80, s10, s17, $0xb8;
	[tilespmem:$0x1DB80] =	vst v63  }
0x29d: {  	_ =	swait.ge [sflag:s30], $0x2800  }
0x29e: {  	[sflag:s30] =	ssyncset.done $0x0  }
0x29f: {  	[sflag:s30] =	ssyncadd.s32 $0xFFFFD800  }
0x2a0: {  	_ =	swait.ge [sflag:s31], $0x2800  }
0x2a1: {  	[sflag:s31] =	ssyncset.done $0x0  }
0x2a2: {  	[sflag:s31] =	ssyncadd.s32 $0xFFFFD800  }
0x2a3: {  	_ =	swait.ge [sflag:s8], $0x50  }
0x2a4: {  	[sflag:s8] =	ssyncset.done $0x0  }
0x2a5: {  	[sflag:s8] =	ssyncadd.s32 $0xFFFFFFB0  }
.LBB2_24:
0x2a6: {  	s6 =	sshll.u32 s0, $0x4;
	v6 =	vlaneseq.u32  }
0x2a7: {  	v0 =	vmov s6;
	v1 =	vmul.u32 $0x80, v6  }
0x2a8: {  	v2 =	vadd.s32 $0x8, v6;
	v0 =	vshll.u32 v0, $0x7  }
0x2a9: {  	v0 =	vor.u32 v1, v0;
	v1 =	vand.u32 $0x7F, v2  }
0x2aa: {  	v7 =	vadd.s32 $0x1, v6;
	v2 =	vor.u32 v0, v1  }
0x2ab: {  	v1 =	vor.u32 v0, v7  }
0x2ac: {  	v3 =	vadd.s32 $0x2, v6;
	v4 =	vor.u32 v0, v6  }
0x2ad: {  	v5 =	vadd.s32 $0x3, v6;
	v8 =	vor.u32 v0, v3  }
0x2ae: {  	v9 =	vadd.s32 $0x4, v5  }
0x2af: {  	v9 =	vand.u32 $0x7F, v9;
	v10 =	vld.idx.msk [tilespmem:v2+s24+$0x0], $0xffff  }
0x2b0: {  	v11 =	vadd.s32 $0x4, v7;
	v9 =	vor.u32 v0, v9;
	v12 =	vld.idx.msk [tilespmem:v1+s25+$0x0], $0xffff  }
0x2b1: {  	v11 =	vand.u32 $0x7F, v11;
	v13 =	vld.idx.msk [tilespmem:v4+s24+$0x0], $0xffff  }
0x2b2: {  	v11 =	vor.u32 v0, v11;
	v15 =	vld.idx.msk [tilespmem:v8+s25+$0x0], $0xffff  }
0x2b3: {  	v14 =	vadd.s32 $0x4, v3;
	v16 =	vld.idx.msk [tilespmem:v4+s25+$0x0], $0xffff  }
0x2b4: {  	v14 =	vand.u32 $0x7F, v14;
	v17 =	vld.idx.msk [tilespmem:v1+s24+$0x0], $0xffff  }
0x2b5: {  	v14 =	vor.u32 v0, v14;
	v18 =	vld.idx.msk [tilespmem:v9+s25+$0x0], $0xffff  }
0x2b6: {  	v9 =	vld.idx.msk [tilespmem:v9+s24+$0x0], $0xffff  }
0x2b7: {  	v19 =	vor.u32 v0, v5;
	v20 =	vld.idx.msk [tilespmem:v11+s24+$0x0], $0xffff  }
0x2b8: {  	v26 =	vadd.s32 $0xC, v6;
	v21 =	vadd.s32 $0xC, v3;
	v1 =	vadd.s32 $0x4, v6;
	v11 =	vld.idx.msk [tilespmem:v11+s25+$0x0], $0xffff  }
0x2b9: {  	v23 =	vadd.s32 $0xC, v5;
	v24 =	vadd.s32 $0x8, v7;
	v29 =	vld.idx.msk [tilespmem:v2+s25+$0x0], $0xffff;
	v1 =	vand.u32 $0x7F, v1  }
0x2ba: {  	v27 =	vadd.s32 $0x10, v7;
	v22 =	vor.u32 v0, v1;
	v1 =	vand.u32 $0x7F, v21;
	v21 =	vld.idx.msk [tilespmem:v14+s24+$0x0], $0xffff  }
0x2bb: {  	v24 =	vand.u32 $0x7F, v24;
	v7 =	vadd.s32 $0xC, v7;
	v14 =	vld.idx.msk [tilespmem:v14+s25+$0x0], $0xffff;
	v13 =	vmul.f32 v16, v13  }
0x2bc: {  	v16 =	vld.idx.msk [tilespmem:v19+s25+$0x0], $0xffff;
	v25 =	vmul.f32 v18, v9;
	v9 =	vadd.s32 $0x8, v5;
	v18 =	vor.u32 v0, v24  }
0x2bd: {  	v23 =	vand.u32 $0x7F, v23;
	v7 =	vand.u32 $0x7F, v7;
	v19 =	vld.idx.msk [tilespmem:v19+s24+$0x0], $0xffff;
	v9 =	vand.u32 $0x7F, v9  }
0x2be: {  	v30 =	vld.idx.msk [tilespmem:v8+s24+$0x0], $0xffff;
	v28 =	vmul.f32 v11, v20;
	v11 =	vadd.s32 $0x8, v3;
	v20 =	vor.u32 v0, v9  }
0x2bf: {  	v4 =	vimm.f32 $0.0e+00;
	v2 =	vadd.s32 $0x10, v5;
	v62 =	vld.idx.msk [tilespmem:v22+s25+$0x0], $0xffff;
	v9 =	vand.u32 $0x7F, v11  }
0x2c0: {  	v8 =	vand.u32 $0x7F, v26;
	v22 =	vld.idx.msk [tilespmem:v22+s24+$0x0], $0xffff;
	v5 =	vmul.f32 v14, v21;
	v14 =	vor.u32 v0, v9  }
0x2c1: {  	v6 =	vadd.s32 $0x10, v6;
	v2 =	vand.u32 $0x7F, v2;
	v3 =	vadd.s32 $0x10, v3;
	v9 =	vld.idx.msk [tilespmem:v18+s24+$0x0], $0xffff  }
0x2c2: {  	v11 =	vmul.f32 v12, v17;
	v16 =	vmul.f32 v16, v19;
	v12 =	vld.idx.msk [tilespmem:v18+s25+$0x0], $0xffff;
	v19 =	vor.u32 v0, v8  }
0x2c3: {  	v6 =	vand.u32 $0x7F, v6;
	v1 =	vor.u32 v0, v1;
	v3 =	vand.u32 $0x7F, v3;
	v8 =	vld.idx.msk [tilespmem:v20+s24+$0x0], $0xffff  }
0x2c4: {  	v21 =	vor.u32 v0, v7;
	v17 =	vmul.f32 v29, v10;
	v63 =	vadd.f32 v11, v4;
	v11 =	vld.idx.msk [tilespmem:v20+s25+$0x0], $0xffff  }
0x2c5: {  	v18 =	vadd.f32 v13, v4;
	v24 =	vmul.f32 v62, v22;
	v7 =	vadd.f32 v16, v4;
	v13 =	vld.idx.msk [tilespmem:v14+s24+$0x0], $0xffff  }
0x2c6: {  	v20 =	vor.u32 v0, v23;
	v22 =	vmul.f32 v15, v30;
	v16 =	vadd.f32 v28, v63;
	v15 =	vld.idx.msk [tilespmem:v14+s25+$0x0], $0xffff  }
0x2c7: {  	s4 =	simm.s32 $0x7;
	v18 =	vadd.f32 v24, v18;
	v10 =	vadd.f32 v25, v7;
	v7 =	vand.u32 $0x7F, v27;
	v14 =	vld.idx.msk [tilespmem:v19+s24+$0x0], $0xffff  }
.LBB2_25:
0x2c8: {  	v23 =	vadd.s32 $0x4, v6;
	v24 =	vadd.s32 $0x8, v6;
	p1 =	sne.s32 s4, $0x1;
	s4 =	sadd.s32 $0xFFFFFFFF, s4;
	v4 =	vadd.f32 v22, v4;
	v19 =	vld.idx.msk [tilespmem:v19+s25+$0x0], $0xffff  }
0x2c9: {  	v22 =	vand.u32 $0x7F, v23;
	v23 =	vand.u32 $0x7F, v24;
	v24 =	vadd.s32 $0xC, v2;
	v25 =	vld.idx.msk [tilespmem:v21+s24+$0x0], $0xffff  }
0x2ca: {  	v26 =	vor.u32 v0, v7;
	v27 =	vadd.s32 $0xC, v3;
	v23 =	vor.u32 v0, v23;
	v21 =	vld.idx.msk [tilespmem:v21+s25+$0x0], $0xffff  }
0x2cb: {  	v28 =	vor.u32 v0, v6;
	v29 =	vadd.s32 $0x4, v7;
	v27 =	vand.u32 $0x7F, v27;
	v30 =	vld.idx.msk [tilespmem:v20+s24+$0x0], $0xffff  }
0x2cc: {  	v31 =	vor.u32 v0, v3;
	v32 =	vadd.s32 $0x4, v3;
	v9 =	vmul.f32 v12, v9;
	v12 =	vld.idx.msk [tilespmem:v20+s25+$0x0], $0xffff  }
0x2cd: {  	v17 =	vadd.f32 v17, v18;
	v20 =	vand.u32 $0x7F, v32;
	v32 =	vadd.s32 $0x4, v2;
	v18 =	vld.idx.msk [tilespmem:v1+s24+$0x0], $0xffff  }
0x2ce: {  	v33 =	vor.u32 v0, v2;
	v20 =	vor.u32 v0, v20;
	v34 =	vld.idx.msk [tilespmem:v1+s25+$0x0], $0xffff;
	v1 =	vor.u32 v0, v27  }
0x2cf: {  	v9 =	vadd.f32 v9, v16;
	v27 =	vand.u32 $0x7F, v29;
	v29 =	vand.u32 $0x7F, v32;
	v32 =	vld.idx.msk [tilespmem:v23+s24+$0x0], $0xffff  }
0x2d0: {  	v8 =	vmul.f32 v11, v8;
	v22 =	vor.u32 v0, v22;
	v29 =	vor.u32 v0, v29;
	v16 =	vld.idx.msk [tilespmem:v26+s25+$0x0], $0xffff  }
0x2d1: {  	v4 =	vadd.f32 v5, v4;
	v5 =	vmul.f32 v15, v13;
	v13 =	vmul.f32 v21, v25;
	v11 =	vld.idx.msk [tilespmem:v28+s24+$0x0], $0xffff  }
0x2d2: {  	v14 =	vmul.f32 v19, v14;
	v21 =	vor.u32 v0, v27;
	v12 =	vmul.f32 v12, v30;
	v15 =	vld.idx.msk [tilespmem:v31+s25+$0x0], $0xffff  }
0x2d3: {  	v24 =	vand.u32 $0x7F, v24;
	v13 =	vadd.f32 v13, v9;
	v19 =	vld.idx.msk [tilespmem:v28+s25+$0x0], $0xffff  }
0x2d4: {  	v4 =	vadd.f32 v5, v4;
	v5 =	vadd.f32 v8, v10;
	v8 =	vmul.f32 v34, v18;
	v9 =	vld.idx.msk [tilespmem:v26+s24+$0x0], $0xffff  }
0x2d5: {  	v14 =	vadd.f32 v14, v17;
	v10 =	vld.idx.msk [tilespmem:v29+s25+$0x0], $0xffff  }
0x2d6: {  	v18 =	vadd.f32 v12, v5;
	v4 =	vadd.f32 v8, v4;
	v17 =	vld.idx.msk [tilespmem:v29+s24+$0x0], $0xffff  }
0x2d7: {  	v5 =	vld.idx.msk [tilespmem:v21+s24+$0x0], $0xffff  }
0x2d8: {  	v8 =	vld.idx.msk [tilespmem:v21+s25+$0x0], $0xffff  }
0x2d9: {  	v11 =	vmul.f32 v19, v11;
	v12 =	vld.idx.msk [tilespmem:v20+s24+$0x0], $0xffff  }
0x2da: {  	v19 =	vadd.s32 $0x8, v7;
	v20 =	vld.idx.msk [tilespmem:v20+s25+$0x0], $0xffff  }
0x2db: {  	v19 =	vand.u32 $0x7F, v19;
	v21 =	vld.idx.msk [tilespmem:v33+s25+$0x0], $0xffff  }
0x2dc: {  	v19 =	vor.u32 v0, v19;
	v10 =	vmul.f32 v10, v17;
	v17 =	vadd.s32 $0x8, v2;
	v25 =	vld.idx.msk [tilespmem:v33+s24+$0x0], $0xffff  }
0x2dd: {  	v27 =	vadd.s32 $0xC, v6;
	v28 =	vadd.s32 $0x10, v7;
	v17 =	vand.u32 $0x7F, v17;
	v26 =	vld.idx.msk [tilespmem:v22+s25+$0x0], $0xffff  }
0x2de: {  	v29 =	vmul.f32 v8, v5;
	v5 =	vadd.s32 $0x8, v3;
	v17 =	vor.u32 v0, v17;
	v22 =	vld.idx.msk [tilespmem:v22+s24+$0x0], $0xffff  }
0x2df: {  	v2 =	vadd.s32 $0x10, v2;
	v3 =	vadd.s32 $0x10, v3;
	v8 =	vand.u32 $0x7F, v5;
	v23 =	vld.idx.msk [tilespmem:v23+s25+$0x0], $0xffff  }
0x2e0: {  	v2 =	vand.u32 $0x7F, v2;
	v5 =	vmul.f32 v20, v12;
	v30 =	vld.idx.msk [tilespmem:v31+s24+$0x0], $0xffff;
	v31 =	vor.u32 v0, v8  }
0x2e1: {  	v16 =	vmul.f32 v16, v9;
	v3 =	vand.u32 $0x7F, v3;
	v8 =	vand.u32 $0x7F, v27;
	v9 =	vld.idx.msk [tilespmem:v19+s24+$0x0], $0xffff  }
0x2e2: {  	v7 =	vadd.s32 $0xC, v7;
	v20 =	vmul.f32 v21, v25;
	v12 =	vld.idx.msk [tilespmem:v19+s25+$0x0], $0xffff;
	v19 =	vor.u32 v0, v8  }
.Ltmp11:
0x2e3: {  	v6 =	vadd.s32 $0x10, v6;
	v7 =	vand.u32 $0x7F, v7;
	v14 =	vadd.f32 v11, v14;
	v8 =	vld.idx.msk [tilespmem:v17+s24+$0x0], $0xffff;
	(pc) =	sbr.rel @p1 .LBB2_25-.Ltmp11, $4  }
0x2e4: {  	v16 =	vadd.f32 v16, v13;
	v21 =	vor.u32 v0, v7;
	v25 =	vmul.f32 v26, v22;
	v11 =	vld.idx.msk [tilespmem:v17+s25+$0x0], $0xffff  }
0x2e5: {  	v7 =	vadd.f32 v20, v18;
	v20 =	vor.u32 v0, v24;
	v17 =	vmul.f32 v23, v32;
	v13 =	vld.idx.msk [tilespmem:v31+s24+$0x0], $0xffff  }
0x2e6: {  	v16 =	vadd.f32 v29, v16;
	v22 =	vmul.f32 v15, v30;
	v18 =	vadd.f32 v25, v14;
	v15 =	vld.idx.msk [tilespmem:v31+s25+$0x0], $0xffff  }
0x2e7: {  	v6 =	vand.u32 $0x7F, v6;
	v10 =	vadd.f32 v10, v7;
	v7 =	vand.u32 $0x7F, v28;
	v14 =	vld.idx.msk [tilespmem:v19+s24+$0x0], $0xffff  }
0x2e8: {  	_ =	sdelay $0x3  }
0x2e9: {  	v0 =	vld.idx.msk [tilespmem:v19+s25+$0x0], $0xffff  }
0x2ea: {  	v2 =	vld.idx.msk [tilespmem:v21+s24+$0x0], $0xffff  }
0x2eb: {  	v3 =	vld.idx.msk [tilespmem:v21+s25+$0x0], $0xffff  }
0x2ec: {  	v6 =	vld.idx.msk [tilespmem:v20+s24+$0x0], $0xffff  }
0x2ed: {  	v7 =	vld.idx.msk [tilespmem:v20+s25+$0x0], $0xffff  }
0x2ee: {  	v57 =	vld.idx.msk [tilespmem:v1+s24+$0x0], $0xffff  }
0x2ef: {  	v58 =	vld.idx.msk [tilespmem:v1+s25+$0x0], $0xffff  }
0x2f0: {  	v4 =	vadd.f32 v22, v4;
	v9 =	vmul.f32 v12, v9  }
0x2f1: {  	v59 =	vadd.f32 v17, v18;
	v8 =	vmul.f32 v11, v8  }
0x2f2: {  	v4 =	vadd.f32 v5, v4;
	v61 =	vadd.f32 v9, v16;
	v60 =	vmul.f32 v15, v13  }
0x2f3: {  	v62 =	vadd.f32 v8, v10;
	v2 =	vmul.f32 v3, v2;
	v0 =	vmul.f32 v0, v14  }
0x2f4: {  	v6 =	vmul.f32 v7, v6;
	v4 =	vadd.f32 v60, v4;
	v1 =	vmul.f32 v58, v57  }
0x2f5: {  	v2 =	vadd.f32 v2, v61;
	v0 =	vadd.f32 v0, v59  }
0x2f6: {  	v1 =	vadd.f32 v1, v4;
	v63 =	vadd.f32 v6, v62;
	_ =	sdelay $0x1  }
0x2f7: {  	v0 =	vadd.f32 v2, v0;
	v1 =	vadd.f32 v63, v1;
	_ =	sdelay $0x1  }
0x2f8: {  	v0 =	vadd.f32 v1, v0;
	_ =	sdelay $0x1  }
0x2f9: {  	v0 =	vsub.f32 $0.0e+00, v0;
	_ =	sdelay $0x1  }
0x2fa: {  	v0 =	vmul.f32 $1.442695020e+00, v0;
	_ =	sdelay $0x1  }
0x2fb: {  	(erf) = vpow2.f32 v0;
	_ =	sdelay $0x8  }
0x2fc: {  	v0 =	vpop (erf)  }
0x2fd: {  	v0 =	vadd.f32 $1.000000000e+00, v0;
	_ =	sdelay $0x1  }
0x2fe: {  	(erf) = vrcp.f32 v0;
	_ =	sdelay $0x3  }
0x2ff: {  	s0 =	sadd.s32 $0x1, s0  }
0x300: {  	p1 =	sne.s32 s0, $0x5  }
.Ltmp12:
0x301: {  	_ = 	snop;
	(pc) =	sbr.rel @p1 .LBB2_24-.Ltmp12, $3  }
0x302: {  	_ =	sdelay $0x1  }
0x303: {  	v0 =	vpop (erf)  }
0x304: {  	[tilespmem:s6+$0xA280] =	vst v0  }
0x305: {  	s0 =	simm.s32 $0x0;
	s4 =	rddreg [dreg:$0x1c];
	s6 =	simm.s32 $0xA280  }
0x306: {  	[hbm4b:s4+s0] =	stream.linear.scatter [tilespmem:s6], [sflag:$0xA], $0x50, $0x38;
	[tilespmem:$0x1DB80] =	vst v63  }
0x307: {  	_ =	swait.ge [sflag:s26], $0x2800  }
0x308: {  	[sflag:s26] =	ssyncset.done $0x0  }
0x309: {  	[sflag:s26] =	ssyncadd.s32 $0xFFFFD800  }
0x30a: {  	_ =	swait.ge [sflag:s28], $0x2800  }
0x30b: {  	[sflag:s28] =	ssyncset.done $0x0  }
0x30c: {  	[sflag:s28] =	ssyncadd.s32 $0xFFFFD800  }
0x30d: {  	_ =	swait.ge [sflag:s19], $0x50  }
0x30e: {  	[sflag:s19] =	ssyncset.done $0x0  }
0x30f: {  	[sflag:s19] =	ssyncadd.s32 $0xFFFFFFB0  }
.LBB2_28:
0x310: {  	s6 =	sshll.u32 s0, $0x4;
	v6 =	vlaneseq.u32  }
0x311: {  	v0 =	vmov s6;
	v1 =	vmul.u32 $0x80, v6  }
0x312: {  	v2 =	vadd.s32 $0x8, v6;
	v0 =	vshll.u32 v0, $0x7  }
0x313: {  	v0 =	vor.u32 v1, v0;
	v1 =	vand.u32 $0x7F, v2  }
0x314: {  	v7 =	vadd.s32 $0x1, v6;
	v2 =	vor.u32 v0, v1  }
0x315: {  	v1 =	vor.u32 v0, v7  }
0x316: {  	v3 =	vadd.s32 $0x2, v6;
	v4 =	vor.u32 v0, v6  }
0x317: {  	v5 =	vadd.s32 $0x3, v6;
	v8 =	vor.u32 v0, v3  }
0x318: {  	v9 =	vadd.s32 $0x4, v5  }
0x319: {  	v9 =	vand.u32 $0x7F, v9;
	v10 =	vld.idx.msk [tilespmem:v2+s20+$0x0], $0xffff  }
0x31a: {  	v11 =	vadd.s32 $0x4, v7;
	v9 =	vor.u32 v0, v9;
	v12 =	vld.idx.msk [tilespmem:v1+s21+$0x0], $0xffff  }
0x31b: {  	v11 =	vand.u32 $0x7F, v11;
	v13 =	vld.idx.msk [tilespmem:v4+s20+$0x0], $0xffff  }
0x31c: {  	v11 =	vor.u32 v0, v11;
	v15 =	vld.idx.msk [tilespmem:v8+s21+$0x0], $0xffff  }
0x31d: {  	v14 =	vadd.s32 $0x4, v3;
	v16 =	vld.idx.msk [tilespmem:v4+s21+$0x0], $0xffff  }
0x31e: {  	v14 =	vand.u32 $0x7F, v14;
	v17 =	vld.idx.msk [tilespmem:v1+s20+$0x0], $0xffff  }
0x31f: {  	v14 =	vor.u32 v0, v14;
	v18 =	vld.idx.msk [tilespmem:v9+s21+$0x0], $0xffff  }
0x320: {  	v9 =	vld.idx.msk [tilespmem:v9+s20+$0x0], $0xffff  }
0x321: {  	v19 =	vor.u32 v0, v5;
	v20 =	vld.idx.msk [tilespmem:v11+s20+$0x0], $0xffff  }
0x322: {  	v26 =	vadd.s32 $0xC, v6;
	v21 =	vadd.s32 $0xC, v3;
	v1 =	vadd.s32 $0x4, v6;
	v11 =	vld.idx.msk [tilespmem:v11+s21+$0x0], $0xffff  }
0x323: {  	v23 =	vadd.s32 $0xC, v5;
	v24 =	vadd.s32 $0x8, v7;
	v29 =	vld.idx.msk [tilespmem:v2+s21+$0x0], $0xffff;
	v1 =	vand.u32 $0x7F, v1  }
0x324: {  	v27 =	vadd.s32 $0x10, v7;
	v22 =	vor.u32 v0, v1;
	v1 =	vand.u32 $0x7F, v21;
	v21 =	vld.idx.msk [tilespmem:v14+s20+$0x0], $0xffff  }
0x325: {  	v24 =	vand.u32 $0x7F, v24;
	v7 =	vadd.s32 $0xC, v7;
	v14 =	vld.idx.msk [tilespmem:v14+s21+$0x0], $0xffff;
	v13 =	vmul.f32 v16, v13  }
0x326: {  	v16 =	vld.idx.msk [tilespmem:v19+s21+$0x0], $0xffff;
	v25 =	vmul.f32 v18, v9;
	v9 =	vadd.s32 $0x8, v5;
	v18 =	vor.u32 v0, v24  }
0x327: {  	v23 =	vand.u32 $0x7F, v23;
	v7 =	vand.u32 $0x7F, v7;
	v19 =	vld.idx.msk [tilespmem:v19+s20+$0x0], $0xffff;
	v9 =	vand.u32 $0x7F, v9  }
0x328: {  	v30 =	vld.idx.msk [tilespmem:v8+s20+$0x0], $0xffff;
	v28 =	vmul.f32 v11, v20;
	v11 =	vadd.s32 $0x8, v3;
	v20 =	vor.u32 v0, v9  }
0x329: {  	v4 =	vimm.f32 $0.0e+00;
	v2 =	vadd.s32 $0x10, v5;
	v62 =	vld.idx.msk [tilespmem:v22+s21+$0x0], $0xffff;
	v9 =	vand.u32 $0x7F, v11  }
0x32a: {  	v8 =	vand.u32 $0x7F, v26;
	v22 =	vld.idx.msk [tilespmem:v22+s20+$0x0], $0xffff;
	v5 =	vmul.f32 v14, v21;
	v14 =	vor.u32 v0, v9  }
0x32b: {  	v6 =	vadd.s32 $0x10, v6;
	v2 =	vand.u32 $0x7F, v2;
	v3 =	vadd.s32 $0x10, v3;
	v9 =	vld.idx.msk [tilespmem:v18+s20+$0x0], $0xffff  }
0x32c: {  	v11 =	vmul.f32 v12, v17;
	v16 =	vmul.f32 v16, v19;
	v12 =	vld.idx.msk [tilespmem:v18+s21+$0x0], $0xffff;
	v19 =	vor.u32 v0, v8  }
0x32d: {  	v6 =	vand.u32 $0x7F, v6;
	v1 =	vor.u32 v0, v1;
	v3 =	vand.u32 $0x7F, v3;
	v8 =	vld.idx.msk [tilespmem:v20+s20+$0x0], $0xffff  }
0x32e: {  	v21 =	vor.u32 v0, v7;
	v17 =	vmul.f32 v29, v10;
	v63 =	vadd.f32 v11, v4;
	v11 =	vld.idx.msk [tilespmem:v20+s21+$0x0], $0xffff  }
0x32f: {  	v18 =	vadd.f32 v13, v4;
	v24 =	vmul.f32 v62, v22;
	v7 =	vadd.f32 v16, v4;
	v13 =	vld.idx.msk [tilespmem:v14+s20+$0x0], $0xffff  }
0x330: {  	v20 =	vor.u32 v0, v23;
	v22 =	vmul.f32 v15, v30;
	v16 =	vadd.f32 v28, v63;
	v15 =	vld.idx.msk [tilespmem:v14+s21+$0x0], $0xffff  }
0x331: {  	s4 =	simm.s32 $0x7;
	v18 =	vadd.f32 v24, v18;
	v10 =	vadd.f32 v25, v7;
	v7 =	vand.u32 $0x7F, v27;
	v14 =	vld.idx.msk [tilespmem:v19+s20+$0x0], $0xffff  }
.LBB2_29:
0x332: {  	v23 =	vadd.s32 $0x4, v6;
	v24 =	vadd.s32 $0x8, v6;
	p1 =	sne.s32 s4, $0x1;
	s4 =	sadd.s32 $0xFFFFFFFF, s4;
	v4 =	vadd.f32 v22, v4;
	v19 =	vld.idx.msk [tilespmem:v19+s21+$0x0], $0xffff  }
0x333: {  	v22 =	vand.u32 $0x7F, v23;
	v23 =	vand.u32 $0x7F, v24;
	v24 =	vadd.s32 $0xC, v2;
	v25 =	vld.idx.msk [tilespmem:v21+s20+$0x0], $0xffff  }
0x334: {  	v26 =	vor.u32 v0, v7;
	v27 =	vadd.s32 $0xC, v3;
	v23 =	vor.u32 v0, v23;
	v21 =	vld.idx.msk [tilespmem:v21+s21+$0x0], $0xffff  }
0x335: {  	v28 =	vor.u32 v0, v6;
	v29 =	vadd.s32 $0x4, v7;
	v27 =	vand.u32 $0x7F, v27;
	v30 =	vld.idx.msk [tilespmem:v20+s20+$0x0], $0xffff  }
0x336: {  	v31 =	vor.u32 v0, v3;
	v32 =	vadd.s32 $0x4, v3;
	v9 =	vmul.f32 v12, v9;
	v12 =	vld.idx.msk [tilespmem:v20+s21+$0x0], $0xffff  }
0x337: {  	v17 =	vadd.f32 v17, v18;
	v20 =	vand.u32 $0x7F, v32;
	v32 =	vadd.s32 $0x4, v2;
	v18 =	vld.idx.msk [tilespmem:v1+s20+$0x0], $0xffff  }
0x338: {  	v33 =	vor.u32 v0, v2;
	v20 =	vor.u32 v0, v20;
	v34 =	vld.idx.msk [tilespmem:v1+s21+$0x0], $0xffff;
	v1 =	vor.u32 v0, v27  }
0x339: {  	v9 =	vadd.f32 v9, v16;
	v27 =	vand.u32 $0x7F, v29;
	v29 =	vand.u32 $0x7F, v32;
	v32 =	vld.idx.msk [tilespmem:v23+s20+$0x0], $0xffff  }
0x33a: {  	v8 =	vmul.f32 v11, v8;
	v22 =	vor.u32 v0, v22;
	v29 =	vor.u32 v0, v29;
	v16 =	vld.idx.msk [tilespmem:v26+s21+$0x0], $0xffff  }
0x33b: {  	v4 =	vadd.f32 v5, v4;
	v5 =	vmul.f32 v15, v13;
	v13 =	vmul.f32 v21, v25;
	v11 =	vld.idx.msk [tilespmem:v28+s20+$0x0], $0xffff  }
0x33c: {  	v14 =	vmul.f32 v19, v14;
	v21 =	vor.u32 v0, v27;
	v12 =	vmul.f32 v12, v30;
	v15 =	vld.idx.msk [tilespmem:v31+s21+$0x0], $0xffff  }
0x33d: {  	v24 =	vand.u32 $0x7F, v24;
	v13 =	vadd.f32 v13, v9;
	v19 =	vld.idx.msk [tilespmem:v28+s21+$0x0], $0xffff  }
0x33e: {  	v4 =	vadd.f32 v5, v4;
	v5 =	vadd.f32 v8, v10;
	v8 =	vmul.f32 v34, v18;
	v9 =	vld.idx.msk [tilespmem:v26+s20+$0x0], $0xffff  }
0x33f: {  	v14 =	vadd.f32 v14, v17;
	v10 =	vld.idx.msk [tilespmem:v29+s21+$0x0], $0xffff  }
0x340: {  	v18 =	vadd.f32 v12, v5;
	v4 =	vadd.f32 v8, v4;
	v17 =	vld.idx.msk [tilespmem:v29+s20+$0x0], $0xffff  }
0x341: {  	v5 =	vld.idx.msk [tilespmem:v21+s20+$0x0], $0xffff  }
0x342: {  	v8 =	vld.idx.msk [tilespmem:v21+s21+$0x0], $0xffff  }
0x343: {  	v11 =	vmul.f32 v19, v11;
	v12 =	vld.idx.msk [tilespmem:v20+s20+$0x0], $0xffff  }
0x344: {  	v19 =	vadd.s32 $0x8, v7;
	v20 =	vld.idx.msk [tilespmem:v20+s21+$0x0], $0xffff  }
0x345: {  	v19 =	vand.u32 $0x7F, v19;
	v21 =	vld.idx.msk [tilespmem:v33+s21+$0x0], $0xffff  }
0x346: {  	v19 =	vor.u32 v0, v19;
	v10 =	vmul.f32 v10, v17;
	v17 =	vadd.s32 $0x8, v2;
	v25 =	vld.idx.msk [tilespmem:v33+s20+$0x0], $0xffff  }
0x347: {  	v27 =	vadd.s32 $0xC, v6;
	v28 =	vadd.s32 $0x10, v7;
	v17 =	vand.u32 $0x7F, v17;
	v26 =	vld.idx.msk [tilespmem:v22+s21+$0x0], $0xffff  }
0x348: {  	v29 =	vmul.f32 v8, v5;
	v5 =	vadd.s32 $0x8, v3;
	v17 =	vor.u32 v0, v17;
	v22 =	vld.idx.msk [tilespmem:v22+s20+$0x0], $0xffff  }
0x349: {  	v2 =	vadd.s32 $0x10, v2;
	v3 =	vadd.s32 $0x10, v3;
	v8 =	vand.u32 $0x7F, v5;
	v23 =	vld.idx.msk [tilespmem:v23+s21+$0x0], $0xffff  }
0x34a: {  	v2 =	vand.u32 $0x7F, v2;
	v5 =	vmul.f32 v20, v12;
	v30 =	vld.idx.msk [tilespmem:v31+s20+$0x0], $0xffff;
	v31 =	vor.u32 v0, v8  }
0x34b: {  	v16 =	vmul.f32 v16, v9;
	v3 =	vand.u32 $0x7F, v3;
	v8 =	vand.u32 $0x7F, v27;
	v9 =	vld.idx.msk [tilespmem:v19+s20+$0x0], $0xffff  }
0x34c: {  	v7 =	vadd.s32 $0xC, v7;
	v20 =	vmul.f32 v21, v25;
	v12 =	vld.idx.msk [tilespmem:v19+s21+$0x0], $0xffff;
	v19 =	vor.u32 v0, v8  }
.Ltmp13:
0x34d: {  	v6 =	vadd.s32 $0x10, v6;
	v7 =	vand.u32 $0x7F, v7;
	v14 =	vadd.f32 v11, v14;
	v8 =	vld.idx.msk [tilespmem:v17+s20+$0x0], $0xffff;
	(pc) =	sbr.rel @p1 .LBB2_29-.Ltmp13, $4  }
0x34e: {  	v16 =	vadd.f32 v16, v13;
	v21 =	vor.u32 v0, v7;
	v25 =	vmul.f32 v26, v22;
	v11 =	vld.idx.msk [tilespmem:v17+s21+$0x0], $0xffff  }
0x34f: {  	v7 =	vadd.f32 v20, v18;
	v20 =	vor.u32 v0, v24;
	v17 =	vmul.f32 v23, v32;
	v13 =	vld.idx.msk [tilespmem:v31+s20+$0x0], $0xffff  }
0x350: {  	v16 =	vadd.f32 v29, v16;
	v22 =	vmul.f32 v15, v30;
	v18 =	vadd.f32 v25, v14;
	v15 =	vld.idx.msk [tilespmem:v31+s21+$0x0], $0xffff  }
0x351: {  	v6 =	vand.u32 $0x7F, v6;
	v10 =	vadd.f32 v10, v7;
	v7 =	vand.u32 $0x7F, v28;
	v14 =	vld.idx.msk [tilespmem:v19+s20+$0x0], $0xffff  }
0x352: {  	_ =	sdelay $0x3  }
0x353: {  	v0 =	vld.idx.msk [tilespmem:v19+s21+$0x0], $0xffff  }
0x354: {  	v2 =	vld.idx.msk [tilespmem:v21+s20+$0x0], $0xffff  }
0x355: {  	v3 =	vld.idx.msk [tilespmem:v21+s21+$0x0], $0xffff  }
0x356: {  	v6 =	vld.idx.msk [tilespmem:v20+s20+$0x0], $0xffff  }
0x357: {  	v7 =	vld.idx.msk [tilespmem:v20+s21+$0x0], $0xffff  }
0x358: {  	v57 =	vld.idx.msk [tilespmem:v1+s20+$0x0], $0xffff  }
0x359: {  	v58 =	vld.idx.msk [tilespmem:v1+s21+$0x0], $0xffff  }
0x35a: {  	v4 =	vadd.f32 v22, v4;
	v9 =	vmul.f32 v12, v9  }
0x35b: {  	v59 =	vadd.f32 v17, v18;
	v8 =	vmul.f32 v11, v8  }
0x35c: {  	v4 =	vadd.f32 v5, v4;
	v61 =	vadd.f32 v9, v16;
	v60 =	vmul.f32 v15, v13  }
0x35d: {  	v62 =	vadd.f32 v8, v10;
	v2 =	vmul.f32 v3, v2;
	v0 =	vmul.f32 v0, v14  }
0x35e: {  	v6 =	vmul.f32 v7, v6;
	v4 =	vadd.f32 v60, v4;
	v1 =	vmul.f32 v58, v57  }
0x35f: {  	v2 =	vadd.f32 v2, v61;
	v0 =	vadd.f32 v0, v59  }
0x360: {  	v1 =	vadd.f32 v1, v4;
	v63 =	vadd.f32 v6, v62;
	_ =	sdelay $0x1  }
0x361: {  	v0 =	vadd.f32 v2, v0;
	v1 =	vadd.f32 v63, v1;
	_ =	sdelay $0x1  }
0x362: {  	v0 =	vadd.f32 v1, v0;
	_ =	sdelay $0x1  }
0x363: {  	v0 =	vsub.f32 $0.0e+00, v0;
	_ =	sdelay $0x1  }
0x364: {  	v0 =	vmul.f32 $1.442695020e+00, v0;
	_ =	sdelay $0x1  }
0x365: {  	(erf) = vpow2.f32 v0;
	_ =	sdelay $0x8  }
0x366: {  	v0 =	vpop (erf)  }
0x367: {  	v0 =	vadd.f32 $1.000000000e+00, v0;
	_ =	sdelay $0x1  }
0x368: {  	(erf) = vrcp.f32 v0;
	_ =	sdelay $0x3  }
0x369: {  	s0 =	sadd.s32 $0x1, s0  }
0x36a: {  	p1 =	sne.s32 s0, $0x5  }
.Ltmp14:
0x36b: {  	_ = 	snop;
	(pc) =	sbr.rel @p1 .LBB2_28-.Ltmp14, $3  }
0x36c: {  	_ =	sdelay $0x1  }
0x36d: {  	v0 =	vpop (erf)  }
0x36e: {  	[tilespmem:s6+$0xA200] =	vst v0  }
0x36f: {  	s0 =	rddreg [dreg:$0x17];
	s4 =	simm.s32 $0xA200  }
0x370: {  	[hbm4b:s0+s29] =	stream.linear.scatter [tilespmem:s4], [sflag:$0x9], $0x50, $0x38;
	[tilespmem:$0x1DB80] =	vst v63  }
0x371: {  	_ =	swait.ge [sflag:s8], $0x50  }
0x372: {  	[sflag:s8] =	ssyncset.done $0x0  }
0x373: {  	[sflag:s8] =	ssyncadd.s32 $0xFFFFFFB0  }
0x374: {  	_ =	swait.ge [sflag:s19], $0x50  }
0x375: {  	s6 =	rddreg [dreg:$0x1d]  }
0x376: {  	s9 =	rddreg [dreg:$0x18];
	s4 =	sadd.s32 $0x1, s6  }
0x377: {  	p1 =	sne.s32 s4, s9  }
.Ltmp15:
0x378: {  	_ = 	snop;
	(pc) =	sbr.rel @p1 .LBB2_1-.Ltmp15, $3  }
0x379: {  	_ =	sdelay $0x1  }
0x37a: {  	[sflag:s19] =	ssyncset.done $0x0  }
0x37b: {  	[sflag:s19] =	ssyncadd.s32 $0xFFFFFFB0  }
0x37c: {  	_ =	sfence.sel $0x180000  }
0x37d: {  	[bflag:$0x0] =	sbarrier.arrive $0xFFFF  }
0x37e: {  	_ =	strace $0x90000047  }
0x37f: {  	[bflag:$0x2] =	sbarrier.arrive $0xFFFF  }
0x380: {  	s0 =	rddreg [dreg:$0x6]  }
0x381: {  	s0 =	sadd.s32 @!p0 $0x100000, s0  }
0x382: {  	[sflag:s0] =	ssyncadd.tile.s32 @!p0 $0x1;
	_ =	shalt  }
.Lfunc_end2:
_tile_overlayer_lowered:
.L_overlay_start_2:
0x383: {  	(tag) =	ssettag $0x2  }
0x384: {  	s0 =	rddreg [dreg:$0x0];
	s2 =	stileid.u32  }
0x385: {  	s1 =	rddreg [dreg:$0x1];
	p0 =	sne.s32 s2, $0x0  }
0x386: {  	s3 =	rddreg [dreg:$0x2];
	[bflag:$0x3] =	sbarrier.arrive $0xFFFF;
	s2 =	simm.s32 @!p0 $0x1C0B  }
0x387: {  	[timem:s3], [sflag:s2] =	dma.local @!p0 [hbm:s0], s1  }
0x388: {  	s0 =	simm.s32 @!p0 $0xB  }
0x389: {  	_ =	swait.ge @!p0 [sflag:s0], s1  }
0x38a: {  	s1 =	ssub.s32 @!p0 $0x0, s1;
	[sflag:s0] =	ssyncset.done @!p0 $0x0  }
0x38b: {  	[sflag:s0] =	ssyncadd.s32 @!p0 s1  }
0x38c: {  	[bflag:$0x3] =	sbarrier.arrive $0xFFFF  }
0x38d: {  	_ =	shalt  }

</sc_bundles>
